<compile_context>
chip_gen: v7x
topology: tpu7x:2x2x1
jax: 0.10.2.dev20260603
libtpu: 0.0.44.dev20260713+nightly
codegen_flags: <defaults>
</compile_context>

<pallas_src>
import functools
import math

import jax
import jax.numpy as jnp
from jax import lax
from jax.experimental import pallas as pl
from jax.experimental.pallas import tpu as pltpu
from jax.experimental.pallas import tpu_sc as plsc

_NC = 80
_C_TEXT = 512
_EMBED = 128
_GCN_H = 64
_THR = 0.5
_LEVELS = [(192, 64), (384, 32), (768, 16)]
_K_RATIO = 0.005
_INTERPRET = False

_f32 = jnp.float32


def _silu(x):
    return x * jax.nn.sigmoid(x)


def _conv3(xin, xp_ref, w_ref, W, HW):
    cin = xin.shape[1]
    xp_ref[0:W + 1, :] = jnp.zeros((W + 1, cin), _f32)
    xp_ref[W + 1:W + 1 + HW, :] = xin
    xp_ref[W + 1 + HW:, :] = jnp.zeros((W + 1, cin), _f32)
    col = lax.broadcasted_iota(jnp.int32, (HW, 1), 0) & (W - 1)
    cout = w_ref.shape[3]
    acc = jnp.zeros((HW, cout), _f32)
    for dy in range(3):
        for dx in range(3):
            off = dy * W + dx
            tap = xp_ref[off:off + HW, :]
            if dx == 0:
                tap = jnp.where(col != 0, tap, 0.0)
            elif dx == 2:
                tap = jnp.where(col != W - 1, tap, 0.0)
            acc = acc + jax.lax.dot(tap, w_ref[dy, dx],
                                    preferred_element_type=_f32)
    return acc


def _trunk_body(H, W, ch, hid, c, ns,
                p1_ref, p2_ref, text_ref,
                wcv1_ref, bcv1_ref, wcv2_ref, bcv2_ref,
                wimg_ref, bimg_ref, twt_ref, tb_ref, ab_ref,
                wproj_ref, bproj_ref, wf_ref, bf_ref,
                fused_ref, idx_ref,
                xp1_ref, xp2_ref):
    HW = H * W
    p1 = p1_ref[0]
    p2 = p2_ref[0]
    hidv = _silu(jax.lax.dot(p2, wcv1_ref[...], preferred_element_type=_f32)
                 + bcv1_ref[...])
    bout = p2 + _silu(_conv3(hidv, xp1_ref, wcv2_ref, W, HW) + bcv2_ref[...])
    ie = jax.lax.dot(bout, wimg_ref[...], preferred_element_type=_f32) \
        + bimg_ref[...]
    t = jax.lax.dot(text_ref[0], twt_ref[...], preferred_element_type=_f32) \
        + tb_ref[...]
    aw = lax.dot_general(ie, t, (((1,), (1,)), ((), ())),
                         preferred_element_type=_f32)
    s = jax.nn.sigmoid(jnp.max(aw, axis=1, keepdims=True)
                       * (1.0 / math.sqrt(_EMBED)) + ab_ref[...])
    awt = lax.dot_general(t, ie, (((1,), (1,)), ((), ())),
                          preferred_element_type=_f32)
    s_row = jax.nn.sigmoid(jnp.max(awt, axis=0, keepdims=True)
                           * (1.0 / math.sqrt(_EMBED)) + ab_ref[...])
    attn = (_conv3(bout, xp2_ref, wproj_ref, W, HW) + bproj_ref[...]) * s
    fused = (jax.lax.dot(p1, wf_ref[0:ch, :], preferred_element_type=_f32)
             + jax.lax.dot(p2, wf_ref[ch:2 * ch, :],
                           preferred_element_type=_f32)
             + jax.lax.dot(bout, wf_ref[2 * ch:3 * ch, :],
                           preferred_element_type=_f32)
             + jax.lax.dot(attn, wf_ref[3 * ch:4 * ch, :],
                           preferred_element_type=_f32)
             + bf_ref[...])
    fused_ref[0] = fused
    lane = lax.broadcasted_iota(jnp.int32, (1, HW), 1)
    lane_ns = lax.broadcasted_iota(jnp.int32, (1, ns), 1)
    sc = s_row
    idxs = jnp.zeros((1, ns), jnp.int32)
    for j in range(ns):
        m = jnp.max(sc, axis=1, keepdims=True)
        cand = jnp.where(sc == m, lane, HW)
        ix = jnp.min(cand, axis=1, keepdims=True)
        idxs = idxs + jnp.where(lane_ns == j, ix, 0)
        sc = jnp.where(lane == ix, -jnp.inf, sc)
    idx_ref[0] = idxs


def _gcn_one(n, top, w1, b1, w2, b2, u_ref):
    nrm = jnp.maximum(jnp.sqrt(jnp.sum(top * top, axis=1, keepdims=True)),
                      1e-12)
    nf = top / nrm
    sim = lax.dot_general(nf, nf, (((1,), (1,)), ((), ())),
                          preferred_element_type=_f32)
    ri = lax.broadcasted_iota(jnp.int32, (n, n), 0)
    ci = lax.broadcasted_iota(jnp.int32, (n, n), 1)
    at = (sim > _THR).astype(_f32) + (ri == ci).astype(_f32)
    degr = jnp.sum(at, axis=1, keepdims=True)
    degc = jnp.sum(at, axis=0, keepdims=True)
    dr = jnp.where(degr > 0, 1.0 / jnp.sqrt(degr), 0.0)
    dc = jnp.where(degc > 0, 1.0 / jnp.sqrt(degc), 0.0)
    p = at * dr * dc
    h1 = jax.nn.relu(
        jax.lax.dot(p, jax.lax.dot(top, w1, preferred_element_type=_f32),
                    preferred_element_type=_f32) + b1)
    u_ref[...] = jax.lax.dot(
        p, jax.lax.dot(h1, w2, preferred_element_type=_f32),
        preferred_element_type=_f32) + b2


def _gcn3_body(ns_, *refs):
    for li in range(3):
        top, w1, b1, w2, b2 = refs[5 * li:5 * li + 5]
        _gcn_one(ns_[li], top[...], w1[...], b1[...], w2[...], b2[...],
                 refs[15 + li])


_SC_MESH = plsc.VectorSubcoreMesh(core_axis_name="c", subcore_axis_name="s")


def _sc_gather3(nps, cs):
    scratch = []
    for li in range(3):
        scratch += [pltpu.VMEM((nps[li],), jnp.int32),
                    pltpu.VMEM((nps[li], cs[li]), _f32),
                    pltpu.SemaphoreType.DMA]

    @functools.partial(
        pl.kernel, mesh=_SC_MESH,
        out_type=tuple(jax.ShapeDtypeStruct((nps[li], cs[li]), _f32)
                       for li in range(3)),
        scratch_types=scratch,
        compiler_params=pltpu.CompilerParams(use_tc_tiling_on_sc=False),
        interpret=_INTERPRET,
    )
    def k(f0, f1, f2, g0, g1, g2, t0, t1, t2, *scr):
        fs = (f0, f1, f2)
        gs = (g0, g1, g2)
        ts = (t0, t1, t2)
        cid = lax.axis_index("c")
        sid = lax.axis_index("s")
        for li in range(3):
            @pl.when((cid == 0) & (sid == li))
            def _(li=li):
                idx_v, rows_v, sem = scr[3 * li:3 * li + 3]
                pltpu.sync_copy(gs[li], idx_v)
                pltpu.async_copy(fs[li].at[idx_v], rows_v, sem).wait()
                pltpu.sync_copy(rows_v, ts[li])
    return k


def _scatter_t_body(ns, fused_ref, u_ref, idx_ref, out_ref, xp_ref):
    xp_ref[...] = fused_ref[0]
    for j in range(ns):
        xp_ref[pl.ds(idx_ref[0, 0, j], 1), :] = u_ref[0, j:j + 1, :]
    out_ref[0] = xp_ref[...].T


def _batch_spec(shape, space=None):
    if space is None:
        return pl.BlockSpec((1,) + tuple(shape),
                            lambda b: (b,) + (0,) * len(shape))
    return pl.BlockSpec((1,) + tuple(shape),
                        lambda b: (b,) + (0,) * len(shape),
                        memory_space=space)


def _full_spec(a):
    nd = a.ndim
    return pl.BlockSpec(a.shape, lambda b, _n=nd: (0,) * _n)


def _fold1x1(p):
    w = (p['w'][:, :, 0, 0] * p['gamma'][:, None]).T
    return w, p['beta'][None, :]


def _fold3x3(p):
    w = (p['w'] * p['gamma'][:, None, None, None]).transpose(2, 3, 1, 0)
    return w, p['beta'][None, :]


def _pad_rows(a, np_):
    n = a.shape[0]
    if np_ == n:
        return a
    pad = jnp.broadcast_to(a[-1:], (np_ - n,) + a.shape[1:])
    return jnp.concatenate([a, pad])


def _trunk(xr, text_feat, p, c, hw_side, ns):
    bsz = xr.shape[0]
    H = W = hw_side
    HW = H * W
    ch = c // 2
    hid = ch // 2

    p1 = xr[:, :, :ch]
    p2 = xr[:, :, ch:]
    wcv1, bcv1 = _fold1x1(p['cv1'])
    wcv2, bcv2 = _fold3x3(p['cv2'])
    wimg, bimg = _fold1x1(p['img_conv'])
    twt = p['text_w'].T
    tb = p['text_b'][None, :]
    ab = p['attn_bias'].reshape(1, 1)
    wproj, bproj = _fold3x3(p['proj_conv'])
    wf, bf = _fold1x1(p['fusion'])

    trunk_in = (p1, p2, text_feat, wcv1, bcv1, wcv2, bcv2, wimg, bimg,
                twt, tb, ab, wproj, bproj, wf, bf)
    in_specs = [_batch_spec((HW, ch)), _batch_spec((HW, ch)),
                _batch_spec((_NC, _C_TEXT))] + \
        [_full_spec(a) for a in trunk_in[3:]]
    fused, idx = pl.pallas_call(
        functools.partial(_trunk_body, H, W, ch, hid, c, ns),
        grid=(bsz,),
        in_specs=in_specs,
        out_specs=[_batch_spec((HW, c)), _batch_spec((1, ns))],
        out_shape=[jax.ShapeDtypeStruct((bsz, HW, c), _f32),
                   jax.ShapeDtypeStruct((bsz, 1, ns), jnp.int32)],
        scratch_shapes=[pltpu.VMEM((HW + 2 * W + 2, hid), _f32),
                        pltpu.VMEM((HW + 2 * W + 2, ch), _f32)],
        interpret=_INTERPRET,
    )(*trunk_in)
    return fused, idx


def kernel(x3, x4, x5, text_feat, params):
    bsz = x3.shape[0]
    cs = [c for c, _ in _LEVELS]
    fuseds, idxs, gidxps, nps, ns_list, n_list = [], [], [], [], [], []
    gcn_w = []
    for i, (x, (c, hw)) in enumerate(zip((x3, x4, x5), _LEVELS)):
        ns = int(hw * hw * _K_RATIO)
        HW = hw * hw
        p = params['l%d' % i]
        xr = x.reshape(bsz, c, HW).transpose(0, 2, 1)
        fused, idx = _trunk(xr, text_feat, p, c, hw, ns)
        n = bsz * ns
        np_ = -(-n // 16) * 16
        gidx = (idx.reshape(bsz, ns)
                + jnp.arange(bsz, dtype=jnp.int32)[:, None] * HW).reshape(n)
        fuseds.append(fused)
        idxs.append(idx)
        gidxps.append(_pad_rows(gidx, np_))
        nps.append(np_)
        ns_list.append(ns)
        n_list.append(n)
        gcn_w.append((p['gcn1_w'], p['gcn1_b'][None, :],
                      p['gcn2_w'], p['gcn2_b'][None, :]))

    tops = _sc_gather3(nps, cs)(
        fuseds[0].reshape(-1, cs[0]), fuseds[1].reshape(-1, cs[1]),
        fuseds[2].reshape(-1, cs[2]), *gidxps)

    gcn_in = []
    for li in range(3):
        gcn_in += [tops[li][:n_list[li]], *gcn_w[li]]
    us = pl.pallas_call(
        functools.partial(_gcn3_body, n_list),
        in_specs=[pl.BlockSpec(a.shape, functools.partial(
            lambda _n: (0,) * _n, a.ndim)) for a in gcn_in],
        out_specs=[pl.BlockSpec((n_list[li], cs[li]), lambda: (0, 0))
                   for li in range(3)],
        out_shape=[jax.ShapeDtypeStruct((n_list[li], cs[li]), _f32)
                   for li in range(3)],
        interpret=_INTERPRET,
    )(*gcn_in)

    outs = []
    for li, (c, hw) in enumerate(_LEVELS):
        HW = hw * hw
        ns = ns_list[li]
        out = pl.pallas_call(
            functools.partial(_scatter_t_body, ns),
            grid=(bsz,),
            in_specs=[_batch_spec((HW, c)), _batch_spec((ns, c)),
                      _batch_spec((1, ns), pltpu.SMEM)],
            out_specs=_batch_spec((c, HW)),
            out_shape=jax.ShapeDtypeStruct((bsz, c, HW), _f32),
            scratch_shapes=[pltpu.VMEM((HW, c), _f32)],
            interpret=_INTERPRET,
        )(fuseds[li], us[li].reshape(bsz, ns, c), idxs[li])
        outs.append(out.reshape(bsz, c, hw, hw))
    return tuple(outs)

# --- scband reference (transcript-rebuilt; emitter-appended) ---
"""Pipeline reference for scband-multi-scale-attn-54030688584235 (READ-ONLY COPY).

The authoritative reference and input builder live on the scoring server;
editing this copy changes nothing except your own understanding.
"""

import jax, jax.numpy as jnp
import numpy as np

B = 4
NC = 80
C_TEXT = 512
EMBED = 128
GCN_H = 64
LEVELS = [(192, 64), (384, 32), (768, 16)]
K_RATIO = 0.005
THR = 0.5


def _conv_params(key, cout, cin, k):
    w = jax.random.normal(key, (cout, cin, k, k), jnp.float32) * (1.0 / np.sqrt(cin * k * k))
    return {'w': w, 'gamma': jnp.ones((cout,), jnp.float32), 'beta': jnp.zeros((cout,), jnp.float32)}


def setup_inputs(seed: int = 0):
    key = jax.random.key(seed)
    ks = jax.random.split(key, 40)
    inp = {
        'x3': jax.random.normal(ks[0], (B, 192, 64, 64), jnp.float32),
        'x4': jax.random.normal(ks[1], (B, 384, 32, 32), jnp.float32),
        'x5': jax.random.normal(ks[2], (B, 768, 16, 16), jnp.float32),
        'text_feat': jax.random.normal(ks[3], (B, NC, C_TEXT), jnp.float32),
    }
    params = {}
    ki = 4
    for li, (c, hw) in enumerate(LEVELS):
        ch = c // 2
        hid = ch // 2
        p = {}
        p['cv1'] = _conv_params(ks[ki], hid, ch, 1); ki += 1
        p['cv2'] = _conv_params(ks[ki], ch, hid, 3); ki += 1
        p['img_conv'] = _conv_params(ks[ki], EMBED, ch, 1); ki += 1
        p['text_w'] = jax.random.normal(ks[ki], (EMBED, C_TEXT), jnp.float32) * (1.0 / np.sqrt(C_TEXT)); ki += 1
        p['text_b'] = jnp.zeros((EMBED,), jnp.float32)
        p['attn_bias'] = jnp.zeros((1,), jnp.float32)
        p['proj_conv'] = _conv_params(ks[ki], ch, ch, 3); ki += 1
        p['fusion'] = _conv_params(ks[ki], c, 4 * ch, 1); ki += 1
        p['gcn1_w'] = jax.random.normal(ks[ki], (c, GCN_H), jnp.float32) * (1.0 / np.sqrt(c)); ki += 1
        p['gcn1_b'] = jnp.zeros((GCN_H,), jnp.float32)
        p['gcn2_w'] = jax.random.normal(ks[ki], (GCN_H, c), jnp.float32) * (1.0 / np.sqrt(GCN_H)); ki += 1
        p['gcn2_b'] = jnp.zeros((c,), jnp.float32)
        params['l%d' % li] = p
    inp['params'] = params
    return inp


def _conv(x, p, k, act):
    pad = (k - 1) // 2
    y = jax.lax.conv_general_dilated(x, p['w'], (1, 1), [(pad, pad), (pad, pad)], dimension_numbers=('NCHW', 'OIHW', 'NCHW'))
    y = y * p['gamma'][None, :, None, None] + p['beta'][None, :, None, None]
    if act:
        y = y * jax.nn.sigmoid(y)
    return y


def _score_compute(img, text, p):
    bs, ch, h, w = img.shape
    t = text @ p['text_w'].T + p['text_b']
    t = t.reshape(bs, -1, 1, EMBED)
    ie = _conv(img, p['img_conv'], 1, False).reshape(bs, 1, EMBED, h, w)
    aw = jnp.einsum('bmchw,bnmc->bmhwn', ie, t)
    aw = jnp.max(aw, axis=-1) / np.sqrt(EMBED)
    aw = jax.nn.sigmoid(aw + p['attn_bias'][None, :, None, None])
    score = jnp.mean(aw, axis=1)
    pf = _conv(img, p['proj_conv'], 3, False).reshape(bs, 1, ch, h, w) * aw[:, :, None]
    return pf.reshape(bs, ch, h, w), score


def _core(x, text, p):
    ch = x.shape[1] // 2
    p1, p2 = x[:, :ch], x[:, ch:]
    hid = _conv(p2, p['cv1'], 1, True)
    bout = p2 + _conv(hid, p['cv2'], 3, True)
    attn_feat, score = _score_compute(bout, text, p)
    fused = _conv(jnp.concatenate([p1, p2, bout, attn_feat], axis=1), p['fusion'], 1, False)
    return fused, score


def _top_select(fused, score):
    bs, ch, h, w = fused.shape
    ns = int(h * w * K_RATIO)
    _, idx = jax.lax.top_k(score.reshape(bs, -1), ns)
    zf = fused.reshape(bs, ch, -1)
    top = jnp.take_along_axis(zf, idx[:, None, :], axis=2).transpose(0, 2, 1).reshape(-1, ch)
    return zf, idx, top, ns


def _build_edges(top):
    nf = top / jnp.maximum(jnp.linalg.norm(top, axis=1, keepdims=True), 1e-12)
    sim = nf @ nf.T
    n = top.shape[0]
    adj = sim > THR
    src, dst = jnp.nonzero(adj, size=n * n, fill_value=0)
    ew = (jnp.arange(n * n) < jnp.sum(adj)).astype(jnp.float32)
    return src, dst, ew


def _gcn(x, src, dst, ew, W, b):
    n = x.shape[0]
    loops = jnp.arange(n)
    s = jnp.concatenate([src, loops])
    d = jnp.concatenate([dst, loops])
    w = jnp.concatenate([ew, jnp.ones((n,), jnp.float32)])
    deg = jnp.zeros((n,), jnp.float32).at[d].add(w)
    dis = jnp.where(deg > 0, deg ** -0.5, 0.0)
    norm = dis[s] * dis[d] * w
    xw = x @ W
    out = jnp.zeros((n, W.shape[1]), jnp.float32).at[d].add(xw[s] * norm[:, None])
    return out + b


def _feature_update(x, text, p, edges=None):
    fused, score = _core(x, text, p)
    bs, ch, h, w = fused.shape
    zf, idx, top, ns = _top_select(fused, score)
    if edges is None:
        src, dst, ew = _build_edges(top)
    else:
        src, dst, ew = edges
    u = jax.nn.relu(_gcn(top, src, dst, ew, p['gcn1_w'], p['gcn1_b']))
    u = _gcn(u, src, dst, ew, p['gcn2_w'], p['gcn2_b'])
    u = u.reshape(bs, ns, ch).transpose(0, 2, 1)
    bi = jnp.arange(bs)[:, None, None]
    ci = jnp.arange(ch)[None, :, None]
    newf = zf.at[bi, ci, idx[:, None, :]].set(u)
    return newf.reshape(bs, ch, h, w)


def reference(x3, x4, x5, text_feat, params):
    return tuple(_feature_update(x, text_feat, params['l%d' % i]) for i, x in enumerate((x3, x4, x5)))

if __name__ == "__main__":
    import jax
    _d = setup_inputs()
    print(jax.jit(kernel)(*tuple(_d.values())))

</pallas_src>

<mosaic_0001>
#map = affine_map<(d0, d1) -> (0, 0)>
#map1 = affine_map<(d0, d1) -> (0)>
module attributes {stable_mosaic.version = 14 : i64} {
  func.func @k(%arg0: i32, %arg1: i32, %arg2: memref<16384x192xf32, #tpu.memory_space<hbm>>, %arg3: memref<4096x384xf32, #tpu.memory_space<hbm>>, %arg4: memref<1024x768xf32, #tpu.memory_space<hbm>>, %arg5: memref<80xi32, #tpu.memory_space<hbm>>, %arg6: memref<32xi32, #tpu.memory_space<hbm>>, %arg7: memref<16xi32, #tpu.memory_space<hbm>>, %arg8: memref<80x192xf32, #tpu.memory_space<hbm>>, %arg9: memref<32x384xf32, #tpu.memory_space<hbm>>, %arg10: memref<16x768xf32, #tpu.memory_space<hbm>>, %arg11: memref<80xi32, #tpu.memory_space<vmem>>, %arg12: memref<80x192xf32, #tpu.memory_space<vmem>>, %arg13: memref<!tpu.dma_semaphore, #tpu.memory_space<semaphore_mem>>, %arg14: memref<32xi32, #tpu.memory_space<vmem>>, %arg15: memref<32x384xf32, #tpu.memory_space<vmem>>, %arg16: memref<!tpu.dma_semaphore, #tpu.memory_space<semaphore_mem>>, %arg17: memref<16xi32, #tpu.memory_space<vmem>>, %arg18: memref<16x768xf32, #tpu.memory_space<vmem>>, %arg19: memref<!tpu.dma_semaphore, #tpu.memory_space<semaphore_mem>>) attributes {dimension_semantics = [#tpu.dimension_semantics<core_parallel>, #tpu.dimension_semantics<subcore_parallel>], iteration_bounds = array<i64: 2, 16>, scalar_prefetch = 0 : i64, scratch_operands = 9 : i64, tpu.core_type = #tpu.core_type<sc_vector_subcore>, window_params = [{transform_indices = #map}, {transform_indices = #map}, {transform_indices = #map}, {transform_indices = #map1}, {transform_indices = #map1}, {transform_indices = #map1}, {transform_indices = #map}, {transform_indices = #map}, {transform_indices = #map}]} {
    %eq3A = arith.constant 0 : i32
    %eq3A_0 = arith.cmpi eq, %arg0, %eq3A : i32
    %eq3A_1 = arith.constant 0 : i32
    %eq3A_2 = arith.cmpi eq, %arg1, %eq3A_1 : i32
    %and3A = arith.andi %eq3A_0, %eq3A_2 : i1
    %convert_element_type3A = arith.extui %and3A : i1 to i32
    %cond3A = arith.constant 0 : i32
    %cond3A_3 = arith.cmpi ne, %convert_element_type3A, %cond3A : i32
    scf.if %cond3A_3 {
      "tpu.region"() ({
        %run_scoped3A = tpu.sem_alloc : memref<!tpu.dma_semaphore, #tpu.memory_space<semaphore_mem>>
        tpu.enqueue_dma source(%arg5 : memref<80xi32, #tpu.memory_space<hbm>>) target(%arg11 : memref<80xi32, #tpu.memory_space<vmem>>) target_semaphore(%run_scoped3A : memref<!tpu.dma_semaphore, #tpu.memory_space<semaphore_mem>>)
        tpu.wait_dma2 semaphore(%run_scoped3A : memref<!tpu.dma_semaphore, #tpu.memory_space<semaphore_mem>>) src(%arg5 : memref<80xi32, #tpu.memory_space<hbm>>) dst(%arg11 : memref<80xi32, #tpu.memory_space<vmem>>)
        tpu.yield
      }) : () -> ()
      %dma_start3A = arith.constant 0 : i32
      %dma_start3A_20 = arith.constant 0 : i32
      %dma_start3A_21 = tpu.memref_slice %arg2[%dma_start3A, %dma_start3A_20] : memref<16384x192xf32, #tpu.memory_space<hbm>> -> memref<16384x192xf32, #tpu.memory_space<hbm>>
      tpu.enqueue_indirect_dma source(%dma_start3A_21 : memref<16384x192xf32, #tpu.memory_space<hbm>>) target(%arg12 : memref<80x192xf32, #tpu.memory_space<vmem>>) offsets(%arg11 : memref<80xi32, #tpu.memory_space<vmem>>) semaphore(%arg13 : memref<!tpu.dma_semaphore, #tpu.memory_space<semaphore_mem>>)
      %dma_wait3A = arith.constant 0 : i32
      %dma_wait3A_22 = arith.constant 0 : i32
      %dma_wait3A_23 = tpu.memref_slice %arg2[%dma_wait3A, %dma_wait3A_22] : memref<16384x192xf32, #tpu.memory_space<hbm>> -> memref<16384x192xf32, #tpu.memory_space<hbm>>
      tpu.wait_indirect_dma semaphore(%arg13 : memref<!tpu.dma_semaphore, #tpu.memory_space<semaphore_mem>>) src(%dma_wait3A_23 : memref<16384x192xf32, #tpu.memory_space<hbm>>) dst(%arg12 : memref<80x192xf32, #tpu.memory_space<vmem>>)
      "tpu.region"() ({
        %run_scoped3A = tpu.sem_alloc : memref<!tpu.dma_semaphore, #tpu.memory_space<semaphore_mem>>
        tpu.enqueue_dma source(%arg12 : memref<80x192xf32, #tpu.memory_space<vmem>>) target(%arg8 : memref<80x192xf32, #tpu.memory_space<hbm>>) target_semaphore(%run_scoped3A : memref<!tpu.dma_semaphore, #tpu.memory_space<semaphore_mem>>)
        tpu.wait_dma2 semaphore(%run_scoped3A : memref<!tpu.dma_semaphore, #tpu.memory_space<semaphore_mem>>) src(%arg12 : memref<80x192xf32, #tpu.memory_space<vmem>>) dst(%arg8 : memref<80x192xf32, #tpu.memory_space<hbm>>)
        tpu.yield
      }) : () -> ()
    } else {
    }
    %eq3A_4 = arith.constant 0 : i32
    %eq3A_5 = arith.cmpi eq, %arg0, %eq3A_4 : i32
    %eq3A_6 = arith.constant 1 : i32
    %eq3A_7 = arith.cmpi eq, %arg1, %eq3A_6 : i32
    %and3A_8 = arith.andi %eq3A_5, %eq3A_7 : i1
    %convert_element_type3A_9 = arith.extui %and3A_8 : i1 to i32
    %cond3A_10 = arith.constant 0 : i32
    %cond3A_11 = arith.cmpi ne, %convert_element_type3A_9, %cond3A_10 : i32
    scf.if %cond3A_11 {
      "tpu.region"() ({
        %run_scoped3A = tpu.sem_alloc : memref<!tpu.dma_semaphore, #tpu.memory_space<semaphore_mem>>
        tpu.enqueue_dma source(%arg6 : memref<32xi32, #tpu.memory_space<hbm>>) target(%arg14 : memref<32xi32, #tpu.memory_space<vmem>>) target_semaphore(%run_scoped3A : memref<!tpu.dma_semaphore, #tpu.memory_space<semaphore_mem>>)
        tpu.wait_dma2 semaphore(%run_scoped3A : memref<!tpu.dma_semaphore, #tpu.memory_space<semaphore_mem>>) src(%arg6 : memref<32xi32, #tpu.memory_space<hbm>>) dst(%arg14 : memref<32xi32, #tpu.memory_space<vmem>>)
        tpu.yield
      }) : () -> ()
      %dma_start3A = arith.constant 0 : i32
      %dma_start3A_20 = arith.constant 0 : i32
      %dma_start3A_21 = tpu.memref_slice %arg3[%dma_start3A, %dma_start3A_20] : memref<4096x384xf32, #tpu.memory_space<hbm>> -> memref<4096x384xf32, #tpu.memory_space<hbm>>
      tpu.enqueue_indirect_dma source(%dma_start3A_21 : memref<4096x384xf32, #tpu.memory_space<hbm>>) target(%arg15 : memref<32x384xf32, #tpu.memory_space<vmem>>) offsets(%arg14 : memref<32xi32, #tpu.memory_space<vmem>>) semaphore(%arg16 : memref<!tpu.dma_semaphore, #tpu.memory_space<semaphore_mem>>)
      %dma_wait3A = arith.constant 0 : i32
      %dma_wait3A_22 = arith.constant 0 : i32
      %dma_wait3A_23 = tpu.memref_slice %arg3[%dma_wait3A, %dma_wait3A_22] : memref<4096x384xf32, #tpu.memory_space<hbm>> -> memref<4096x384xf32, #tpu.memory_space<hbm>>
      tpu.wait_indirect_dma semaphore(%arg16 : memref<!tpu.dma_semaphore, #tpu.memory_space<semaphore_mem>>) src(%dma_wait3A_23 : memref<4096x384xf32, #tpu.memory_space<hbm>>) dst(%arg15 : memref<32x384xf32, #tpu.memory_space<vmem>>)
      "tpu.region"() ({
        %run_scoped3A = tpu.sem_alloc : memref<!tpu.dma_semaphore, #tpu.memory_space<semaphore_mem>>
        tpu.enqueue_dma source(%arg15 : memref<32x384xf32, #tpu.memory_space<vmem>>) target(%arg9 : memref<32x384xf32, #tpu.memory_space<hbm>>) target_semaphore(%run_scoped3A : memref<!tpu.dma_semaphore, #tpu.memory_space<semaphore_mem>>)
        tpu.wait_dma2 semaphore(%run_scoped3A : memref<!tpu.dma_semaphore, #tpu.memory_space<semaphore_mem>>) src(%arg15 : memref<32x384xf32, #tpu.memory_space<vmem>>) dst(%arg9 : memref<32x384xf32, #tpu.memory_space<hbm>>)
        tpu.yield
      }) : () -> ()
    } else {
    }
    %eq3A_12 = arith.constant 0 : i32
    %eq3A_13 = arith.cmpi eq, %arg0, %eq3A_12 : i32
    %eq3A_14 = arith.constant 2 : i32
    %eq3A_15 = arith.cmpi eq, %arg1, %eq3A_14 : i32
    %and3A_16 = arith.andi %eq3A_13, %eq3A_15 : i1
    %convert_element_type3A_17 = arith.extui %and3A_16 : i1 to i32
    %cond3A_18 = arith.constant 0 : i32
    %cond3A_19 = arith.cmpi ne, %convert_element_type3A_17, %cond3A_18 : i32
    scf.if %cond3A_19 {
      "tpu.region"() ({
        %run_scoped3A = tpu.sem_alloc : memref<!tpu.dma_semaphore, #tpu.memory_space<semaphore_mem>>
        tpu.enqueue_dma source(%arg7 : memref<16xi32, #tpu.memory_space<hbm>>) target(%arg17 : memref<16xi32, #tpu.memory_space<vmem>>) target_semaphore(%run_scoped3A : memref<!tpu.dma_semaphore, #tpu.memory_space<semaphore_mem>>)
        tpu.wait_dma2 semaphore(%run_scoped3A : memref<!tpu.dma_semaphore, #tpu.memory_space<semaphore_mem>>) src(%arg7 : memref<16xi32, #tpu.memory_space<hbm>>) dst(%arg17 : memref<16xi32, #tpu.memory_space<vmem>>)
        tpu.yield
      }) : () -> ()
      %dma_start3A = arith.constant 0 : i32
      %dma_start3A_20 = arith.constant 0 : i32
      %dma_start3A_21 = tpu.memref_slice %arg4[%dma_start3A, %dma_start3A_20] : memref<1024x768xf32, #tpu.memory_space<hbm>> -> memref<1024x768xf32, #tpu.memory_space<hbm>>
      tpu.enqueue_indirect_dma source(%dma_start3A_21 : memref<1024x768xf32, #tpu.memory_space<hbm>>) target(%arg18 : memref<16x768xf32, #tpu.memory_space<vmem>>) offsets(%arg17 : memref<16xi32, #tpu.memory_space<vmem>>) semaphore(%arg19 : memref<!tpu.dma_semaphore, #tpu.memory_space<semaphore_mem>>)
      %dma_wait3A = arith.constant 0 : i32
      %dma_wait3A_22 = arith.constant 0 : i32
      %dma_wait3A_23 = tpu.memref_slice %arg4[%dma_wait3A, %dma_wait3A_22] : memref<1024x768xf32, #tpu.memory_space<hbm>> -> memref<1024x768xf32, #tpu.memory_space<hbm>>
      tpu.wait_indirect_dma semaphore(%arg19 : memref<!tpu.dma_semaphore, #tpu.memory_space<semaphore_mem>>) src(%dma_wait3A_23 : memref<1024x768xf32, #tpu.memory_space<hbm>>) dst(%arg18 : memref<16x768xf32, #tpu.memory_space<vmem>>)
      "tpu.region"() ({
        %run_scoped3A = tpu.sem_alloc : memref<!tpu.dma_semaphore, #tpu.memory_space<semaphore_mem>>
        tpu.enqueue_dma source(%arg18 : memref<16x768xf32, #tpu.memory_space<vmem>>) target(%arg10 : memref<16x768xf32, #tpu.memory_space<hbm>>) target_semaphore(%run_scoped3A : memref<!tpu.dma_semaphore, #tpu.memory_space<semaphore_mem>>)
        tpu.wait_dma2 semaphore(%run_scoped3A : memref<!tpu.dma_semaphore, #tpu.memory_space<semaphore_mem>>) src(%arg18 : memref<16x768xf32, #tpu.memory_space<vmem>>) dst(%arg10 : memref<16x768xf32, #tpu.memory_space<hbm>>)
        tpu.yield
      }) : () -> ()
    } else {
    }
    return
  }
}

module attributes {stable_mosaic.version = 14 : i64} {
  func.func @_trunk_body(%arg0: i32, %arg1: memref<1x1024x192xf32, #tpu.memory_space<vmem>>, %arg2: memref<1x1024x192xf32, #tpu.memory_space<vmem>>, %arg3: memref<1x80x512xf32, #tpu.memory_space<vmem>>, %arg4: memref<192x96xf32, #tpu.memory_space<vmem>>, %arg5: memref<1x96xf32, #tpu.memory_space<vmem>>, %arg6: memref<3x3x96x192xf32, #tpu.memory_space<vmem>>, %arg7: memref<1x192xf32, #tpu.memory_space<vmem>>, %arg8: memref<192x128xf32, #tpu.memory_space<vmem>>, %arg9: memref<1x128xf32, #tpu.memory_space<vmem>>, %arg10: memref<512x128xf32, #tpu.memory_space<vmem>>, %arg11: memref<1x128xf32, #tpu.memory_space<vmem>>, %arg12: memref<1x1xf32, #tpu.memory_space<vmem>>, %arg13: memref<3x3x192x192xf32, #tpu.memory_space<vmem>>, %arg14: memref<1x192xf32, #tpu.memory_space<vmem>>, %arg15: memref<768x384xf32, #tpu.memory_space<vmem>>, %arg16: memref<1x384xf32, #tpu.memory_space<vmem>>, %arg17: memref<1x1024x384xf32, #tpu.memory_space<vmem>>, %arg18: memref<1x1x5xi32, #tpu.memory_space<vmem>>, %arg19: memref<1090x96xf32, #tpu.memory_space<vmem>>, %arg20: memref<1090x192xf32, #tpu.memory_space<vmem>>) attributes {dimension_semantics = [#tpu.dimension_semantics<arbitrary>], iteration_bounds = array<i64: 4>, scalar_prefetch = 0 : i64, scratch_operands = 2 : i64, tpu.core_type = #tpu.core_type<tc>, window_params = [{transform_indices = @transform_0, window_bounds = array<i64: 1, 1024, 192>}, {transform_indices = @transform_1, window_bounds = array<i64: 1, 1024, 192>}, {transform_indices = @transform_2, window_bounds = array<i64: 1, 80, 512>}, {pipeline_mode = #tpu.pipeline_mode<synchronous>, transform_indices = @transform_3, window_bounds = array<i64: 192, 96>}, {pipeline_mode = #tpu.pipeline_mode<synchronous>, transform_indices = @transform_4, window_bounds = array<i64: 1, 96>}, {pipeline_mode = #tpu.pipeline_mode<synchronous>, transform_indices = @transform_5, window_bounds = array<i64: 3, 3, 96, 192>}, {pipeline_mode = #tpu.pipeline_mode<synchronous>, transform_indices = @transform_6, window_bounds = array<i64: 1, 192>}, {pipeline_mode = #tpu.pipeline_mode<synchronous>, transform_indices = @transform_7, window_bounds = array<i64: 192, 128>}, {pipeline_mode = #tpu.pipeline_mode<synchronous>, transform_indices = @transform_8, window_bounds = array<i64: 1, 128>}, {pipeline_mode = #tpu.pipeline_mode<synchronous>, transform_indices = @transform_9, window_bounds = array<i64: 512, 128>}, {pipeline_mode = #tpu.pipeline_mode<synchronous>, transform_indices = @transform_10, window_bounds = array<i64: 1, 128>}, {pipeline_mode = #tpu.pipeline_mode<synchronous>, transform_indices = @transform_11, window_bounds = array<i64: 1, 1>}, {pipeline_mode = #tpu.pipeline_mode<synchronous>, transform_indices = @transform_12, window_bounds = array<i64: 3, 3, 192, 192>}, {pipeline_mode = #tpu.pipeline_mode<synchronous>, transform_indices = @transform_13, window_bounds = array<i64: 1, 192>}, {pipeline_mode = #tpu.pipeline_mode<synchronous>, transform_indices = @transform_14, window_bounds = array<i64: 768, 384>}, {pipeline_mode = #tpu.pipeline_mode<synchronous>, transform_indices = @transform_15, window_bounds = array<i64: 1, 384>}, {transform_indices = @transform_16, window_bounds = array<i64: 1, 1024, 384>}, {transform_indices = @transform_17, window_bounds = array<i64: 1, 1, 5>}]} {
    %get3A = arith.constant 0 : index
    %get3A_0 = arith.constant 0 : index
    %get3A_1 = arith.constant 0 : index
    %get3A_2 = vector.load %arg1[%get3A, %get3A_0, %get3A_1] : memref<1x1024x192xf32, #tpu.memory_space<vmem>>, vector<1x1024x192xf32>
    %get3A_3 = vector.shape_cast %get3A_2 : vector<1x1024x192xf32> to vector<1024x192xf32>
    %get3A_4 = arith.constant 0 : index
    %get3A_5 = arith.constant 0 : index
    %get3A_6 = arith.constant 0 : index
    %get3A_7 = vector.load %arg2[%get3A_4, %get3A_5, %get3A_6] : memref<1x1024x192xf32, #tpu.memory_space<vmem>>, vector<1x1024x192xf32>
    %get3A_8 = vector.shape_cast %get3A_7 : vector<1x1024x192xf32> to vector<1024x192xf32>
    %get3A_9 = arith.constant 0 : index
    %get3A_10 = arith.constant 0 : index
    %get3A_11 = vector.load %arg4[%get3A_9, %get3A_10] : memref<192x96xf32, #tpu.memory_space<vmem>>, vector<192x96xf32>
    %dot_general3A = arith.constant dense<0.000000e+00> : vector<1024x96xf32>
    %dot_general3A_12 = tpu.matmul %get3A_8, %get3A_11, %dot_general3A {dimension_numbers = #tpu.dot_dimension_numbers<[1], [0], [0], [1], [0, 0, 1, 1], [], []>, transpose_lhs_hint = false} : vector<1024x192xf32>, vector<192x96xf32>, vector<1024x96xf32> -> vector<1024x96xf32>
    %get3A_13 = arith.constant 0 : index
    %get3A_14 = arith.constant 0 : index
    %get3A_15 = vector.load %arg5[%get3A_13, %get3A_14] : memref<1x96xf32, #tpu.memory_space<vmem>>, vector<1x96xf32>
    %add3A = vector.broadcast %get3A_15 : vector<1x96xf32> to vector<1024x96xf32>
    %add3A_16 = arith.addf %dot_general3A_12, %add3A : vector<1024x96xf32>
    %logistic3A = arith.negf %add3A_16 : vector<1024x96xf32>
    %logistic3A_17 = math.exp %logistic3A : vector<1024x96xf32>
    %logistic3A_18 = arith.constant 1.000000e+00 : f32
    %logistic3A_19 = vector.broadcast %logistic3A_18 : f32 to vector<1024x96xf32>
    %logistic3A_20 = arith.addf %logistic3A_19, %logistic3A_17 : vector<1024x96xf32>
    %logistic3A_21 = arith.divf %logistic3A_19, %logistic3A_20 : vector<1024x96xf32>
    %mul3A = arith.mulf %add3A_16, %logistic3A_21 : vector<1024x96xf32>
    %broadcast_in_dim3A = arith.constant 0.000000e+00 : f32
    %broadcast_in_dim3A_22 = vector.broadcast %broadcast_in_dim3A : f32 to vector<33x96xf32>
    %swap3A = arith.constant 0 : index
    %swap3A_23 = arith.constant 0 : index
    %swap3A_24 = vector.load %arg19[%swap3A, %swap3A_23] : memref<1090x96xf32, #tpu.memory_space<vmem>>, vector<33x96xf32>
    tpu.vector_store %arg19[%swap3A, %swap3A_23], %broadcast_in_dim3A_22 {strides = array<i32>} : memref<1090x96xf32, #tpu.memory_space<vmem>>, vector<33x96xf32>,
    %swap3A_25 = arith.constant 33 : index
    %swap3A_26 = arith.constant 0 : index
    %swap3A_27 = vector.load %arg19[%swap3A_25, %swap3A_26] : memref<1090x96xf32, #tpu.memory_space<vmem>>, vector<1024x96xf32>
    tpu.vector_store %arg19[%swap3A_25, %swap3A_26], %mul3A {strides = array<i32>} : memref<1090x96xf32, #tpu.memory_space<vmem>>, vector<1024x96xf32>,
    %broadcast_in_dim3A_28 = arith.constant 0.000000e+00 : f32
    %broadcast_in_dim3A_29 = vector.broadcast %broadcast_in_dim3A_28 : f32 to vector<33x96xf32>
    %swap3A_30 = arith.constant 1057 : index
    %swap3A_31 = arith.constant 0 : index
    %swap3A_32 = vector.load %arg19[%swap3A_30, %swap3A_31] : memref<1090x96xf32, #tpu.memory_space<vmem>>, vector<33x96xf32>
    tpu.vector_store %arg19[%swap3A_30, %swap3A_31], %broadcast_in_dim3A_29 {strides = array<i32>} : memref<1090x96xf32, #tpu.memory_space<vmem>>, vector<33x96xf32>,
    %iota3A = tpu.iota {dimensions = array<i32: 0>} : vector<1024x1xi32>
    %and3A = arith.constant 31 : i32
    %and3A_33 = vector.broadcast %and3A : i32 to vector<1024x1xi32>
    %and3A_34 = arith.andi %iota3A, %and3A_33 : vector<1024x1xi32>
    %broadcast_in_dim3A_35 = arith.constant 0.000000e+00 : f32
    %broadcast_in_dim3A_36 = vector.broadcast %broadcast_in_dim3A_35 : f32 to vector<1024x192xf32>
    %get3A_37 = arith.constant 0 : index
    %get3A_38 = arith.constant 0 : index
    %get3A_39 = vector.load %arg19[%get3A_37, %get3A_38] : memref<1090x96xf32, #tpu.memory_space<vmem>>, vector<1024x96xf32>
    %ne3A = arith.constant 0 : i32
    %ne3A_40 = vector.broadcast %ne3A : i32 to vector<1024x1xi32>
    %ne3A_41 = arith.cmpi ne, %and3A_34, %ne3A_40 : vector<1024x1xi32>
    %jit3A = arith.constant 0.000000e+00 : f32
    %broadcast_in_dim3A_42 = vector.shape_cast %ne3A_41 : vector<1024x1xi1> to vector<1024x1xi1>
    %broadcast_in_dim3A_43 = vector.broadcast %broadcast_in_dim3A_42 : vector<1024x1xi1> to vector<1024x96xi1>
    %broadcast_in_dim3A_44 = vector.broadcast %jit3A : f32 to vector<1024x96xf32>
    %select_n3A = arith.select %broadcast_in_dim3A_43, %get3A_39, %broadcast_in_dim3A_44 : vector<1024x96xi1>, vector<1024x96xf32>
    %get3A_45 = arith.constant 0 : index
    %get3A_46 = arith.constant 0 : index
    %get3A_47 = arith.constant 0 : index
    %get3A_48 = arith.constant 0 : index
    %get3A_49 = vector.load %arg6[%get3A_45, %get3A_46, %get3A_47, %get3A_48] : memref<3x3x96x192xf32, #tpu.memory_space<vmem>>, vector<1x1x96x192xf32>
    %get3A_50 = vector.shape_cast %get3A_49 : vector<1x1x96x192xf32> to vector<96x192xf32>
    %dot_general3A_51 = arith.constant dense<0.000000e+00> : vector<1024x192xf32>
    %dot_general3A_52 = tpu.matmul %select_n3A, %get3A_50, %dot_general3A_51 {dimension_numbers = #tpu.dot_dimension_numbers<[1], [0], [0], [1], [0, 0, 1, 1], [], []>, transpose_lhs_hint = false} : vector<1024x96xf32>, vector<96x192xf32>, vector<1024x192xf32> -> vector<1024x192xf32>
    %add3A_53 = arith.addf %broadcast_in_dim3A_36, %dot_general3A_52 : vector<1024x192xf32>
    %get3A_54 = arith.constant 1 : index
    %get3A_55 = arith.constant 0 : index
    %get3A_56 = vector.load %arg19[%get3A_54, %get3A_55] : memref<1090x96xf32, #tpu.memory_space<vmem>>, vector<1024x96xf32>
    %get3A_57 = arith.constant 0 : index
    %get3A_58 = arith.constant 1 : index
    %get3A_59 = arith.constant 0 : index
    %get3A_60 = arith.constant 0 : index
    %get3A_61 = vector.load %arg6[%get3A_57, %get3A_58, %get3A_59, %get3A_60] : memref<3x3x96x192xf32, #tpu.memory_space<vmem>>, vector<1x1x96x192xf32>
    %get3A_62 = vector.shape_cast %get3A_61 : vector<1x1x96x192xf32> to vector<96x192xf32>
    %dot_general3A_63 = arith.constant dense<0.000000e+00> : vector<1024x192xf32>
    %dot_general3A_64 = tpu.matmul %get3A_56, %get3A_62, %dot_general3A_63 {dimension_numbers = #tpu.dot_dimension_numbers<[1], [0], [0], [1], [0, 0, 1, 1], [], []>, transpose_lhs_hint = false} : vector<1024x96xf32>, vector<96x192xf32>, vector<1024x192xf32> -> vector<1024x192xf32>
    %add3A_65 = arith.addf %add3A_53, %dot_general3A_64 : vector<1024x192xf32>
    %get3A_66 = arith.constant 2 : index
    %get3A_67 = arith.constant 0 : index
    %get3A_68 = vector.load %arg19[%get3A_66, %get3A_67] : memref<1090x96xf32, #tpu.memory_space<vmem>>, vector<1024x96xf32>
    %ne3A_69 = arith.constant 31 : i32
    %ne3A_70 = vector.broadcast %ne3A_69 : i32 to vector<1024x1xi32>
    %ne3A_71 = arith.cmpi ne, %and3A_34, %ne3A_70 : vector<1024x1xi32>
    %jit3A_72 = arith.constant 0.000000e+00 : f32
    %broadcast_in_dim3A_73 = vector.shape_cast %ne3A_71 : vector<1024x1xi1> to vector<1024x1xi1>
    %broadcast_in_dim3A_74 = vector.broadcast %broadcast_in_dim3A_73 : vector<1024x1xi1> to vector<1024x96xi1>
    %broadcast_in_dim3A_75 = vector.broadcast %jit3A_72 : f32 to vector<1024x96xf32>
    %select_n3A_76 = arith.select %broadcast_in_dim3A_74, %get3A_68, %broadcast_in_dim3A_75 : vector<1024x96xi1>, vector<1024x96xf32>
    %get3A_77 = arith.constant 0 : index
    %get3A_78 = arith.constant 2 : index
    %get3A_79 = arith.constant 0 : index
    %get3A_80 = arith.constant 0 : index
    %get3A_81 = vector.load %arg6[%get3A_77, %get3A_78, %get3A_79, %get3A_80] : memref<3x3x96x192xf32, #tpu.memory_space<vmem>>, vector<1x1x96x192xf32>
    %get3A_82 = vector.shape_cast %get3A_81 : vector<1x1x96x192xf32> to vector<96x192xf32>
    %dot_general3A_83 = arith.constant dense<0.000000e+00> : vector<1024x192xf32>
    %dot_general3A_84 = tpu.matmul %select_n3A_76, %get3A_82, %dot_general3A_83 {dimension_numbers = #tpu.dot_dimension_numbers<[1], [0], [0], [1], [0, 0, 1, 1], [], []>, transpose_lhs_hint = false} : vector<1024x96xf32>, vector<96x192xf32>, vector<1024x192xf32> -> vector<1024x192xf32>
    %add3A_85 = arith.addf %add3A_65, %dot_general3A_84 : vector<1024x192xf32>
    %get3A_86 = arith.constant 32 : index
    %get3A_87 = arith.constant 0 : index
    %get3A_88 = vector.load %arg19[%get3A_86, %get3A_87] : memref<1090x96xf32, #tpu.memory_space<vmem>>, vector<1024x96xf32>
    %ne3A_89 = arith.constant 0 : i32
    %ne3A_90 = vector.broadcast %ne3A_89 : i32 to vector<1024x1xi32>
    %ne3A_91 = arith.cmpi ne, %and3A_34, %ne3A_90 : vector<1024x1xi32>
    %jit3A_92 = arith.constant 0.000000e+00 : f32
    %broadcast_in_dim3A_93 = vector.shape_cast %ne3A_91 : vector<1024x1xi1> to vector<1024x1xi1>
    %broadcast_in_dim3A_94 = vector.broadcast %broadcast_in_dim3A_93 : vector<1024x1xi1> to vector<1024x96xi1>
    %broadcast_in_dim3A_95 = vector.broadcast %jit3A_92 : f32 to vector<1024x96xf32>
    %select_n3A_96 = arith.select %broadcast_in_dim3A_94, %get3A_88, %broadcast_in_dim3A_95 : vector<1024x96xi1>, vector<1024x96xf32>
    %get3A_97 = arith.constant 1 : index
    %get3A_98 = arith.constant 0 : index
    %get3A_99 = arith.constant 0 : index
    %get3A_100 = arith.constant 0 : index
    %get3A_101 = vector.load %arg6[%get3A_97, %get3A_98, %get3A_99, %get3A_100] : memref<3x3x96x192xf32, #tpu.memory_space<vmem>>, vector<1x1x96x192xf32>
    %get3A_102 = vector.shape_cast %get3A_101 : vector<1x1x96x192xf32> to vector<96x192xf32>
    %dot_general3A_103 = arith.constant dense<0.000000e+00> : vector<1024x192xf32>
    %dot_general3A_104 = tpu.matmul %select_n3A_96, %get3A_102, %dot_general3A_103 {dimension_numbers = #tpu.dot_dimension_numbers<[1], [0], [0], [1], [0, 0, 1, 1], [], []>, transpose_lhs_hint = false} : vector<1024x96xf32>, vector<96x192xf32>, vector<1024x192xf32> -> vector<1024x192xf32>
    %add3A_105 = arith.addf %add3A_85, %dot_general3A_104 : vector<1024x192xf32>
    %get3A_106 = arith.constant 33 : index
    %get3A_107 = arith.constant 0 : index
    %get3A_108 = vector.load %arg19[%get3A_106, %get3A_107] : memref<1090x96xf32, #tpu.memory_space<vmem>>, vector<1024x96xf32>
    %get3A_109 = arith.constant 1 : index
    %get3A_110 = arith.constant 1 : index
    %get3A_111 = arith.constant 0 : index
    %get3A_112 = arith.constant 0 : index
    %get3A_113 = vector.load %arg6[%get3A_109, %get3A_110, %get3A_111, %get3A_112] : memref<3x3x96x192xf32, #tpu.memory_space<vmem>>, vector<1x1x96x192xf32>
    %get3A_114 = vector.shape_cast %get3A_113 : vector<1x1x96x192xf32> to vector<96x192xf32>
    %dot_general3A_115 = arith.constant dense<0.000000e+00> : vector<1024x192xf32>
    %dot_general3A_116 = tpu.matmul %get3A_108, %get3A_114, %dot_general3A_115 {dimension_numbers = #tpu.dot_dimension_numbers<[1], [0], [0], [1], [0, 0, 1, 1], [], []>, transpose_lhs_hint = false} : vector<1024x96xf32>, vector<96x192xf32>, vector<1024x192xf32> -> vector<1024x192xf32>
    %add3A_117 = arith.addf %add3A_105, %dot_general3A_116 : vector<1024x192xf32>
    %get3A_118 = arith.constant 34 : index
    %get3A_119 = arith.constant 0 : index
    %get3A_120 = vector.load %arg19[%get3A_118, %get3A_119] : memref<1090x96xf32, #tpu.memory_space<vmem>>, vector<1024x96xf32>
    %ne3A_121 = arith.constant 31 : i32
    %ne3A_122 = vector.broadcast %ne3A_121 : i32 to vector<1024x1xi32>
    %ne3A_123 = arith.cmpi ne, %and3A_34, %ne3A_122 : vector<1024x1xi32>
    %jit3A_124 = arith.constant 0.000000e+00 : f32
    %broadcast_in_dim3A_125 = vector.shape_cast %ne3A_123 : vector<1024x1xi1> to vector<1024x1xi1>
    %broadcast_in_dim3A_126 = vector.broadcast %broadcast_in_dim3A_125 : vector<1024x1xi1> to vector<1024x96xi1>
    %broadcast_in_dim3A_127 = vector.broadcast %jit3A_124 : f32 to vector<1024x96xf32>
    %select_n3A_128 = arith.select %broadcast_in_dim3A_126, %get3A_120, %broadcast_in_dim3A_127 : vector<1024x96xi1>, vector<1024x96xf32>
    %get3A_129 = arith.constant 1 : index
    %get3A_130 = arith.constant 2 : index
    %get3A_131 = arith.constant 0 : index
    %get3A_132 = arith.constant 0 : index
    %get3A_133 = vector.load %arg6[%get3A_129, %get3A_130, %get3A_131, %get3A_132] : memref<3x3x96x192xf32, #tpu.memory_space<vmem>>, vector<1x1x96x192xf32>
    %get3A_134 = vector.shape_cast %get3A_133 : vector<1x1x96x192xf32> to vector<96x192xf32>
    %dot_general3A_135 = arith.constant dense<0.000000e+00> : vector<1024x192xf32>
    %dot_general3A_136 = tpu.matmul %select_n3A_128, %get3A_134, %dot_general3A_135 {dimension_numbers = #tpu.dot_dimension_numbers<[1], [0], [0], [1], [0, 0, 1, 1], [], []>, transpose_lhs_hint = false} : vector<1024x96xf32>, vector<96x192xf32>, vector<1024x192xf32> -> vector<1024x192xf32>
    %add3A_137 = arith.addf %add3A_117, %dot_general3A_136 : vector<1024x192xf32>
    %get3A_138 = arith.constant 64 : index
    %get3A_139 = arith.constant 0 : index
    %get3A_140 = vector.load %arg19[%get3A_138, %get3A_139] : memref<1090x96xf32, #tpu.memory_space<vmem>>, vector<1024x96xf32>
    %ne3A_141 = arith.constant 0 : i32
    %ne3A_142 = vector.broadcast %ne3A_141 : i32 to vector<1024x1xi32>
    %ne3A_143 = arith.cmpi ne, %and3A_34, %ne3A_142 : vector<1024x1xi32>
    %jit3A_144 = arith.constant 0.000000e+00 : f32
    %broadcast_in_dim3A_145 = vector.shape_cast %ne3A_143 : vector<1024x1xi1> to vector<1024x1xi1>
    %broadcast_in_dim3A_146 = vector.broadcast %broadcast_in_dim3A_145 : vector<1024x1xi1> to vector<1024x96xi1>
    %broadcast_in_dim3A_147 = vector.broadcast %jit3A_144 : f32 to vector<1024x96xf32>
    %select_n3A_148 = arith.select %broadcast_in_dim3A_146, %get3A_140, %broadcast_in_dim3A_147 : vector<1024x96xi1>, vector<1024x96xf32>
    %get3A_149 = arith.constant 2 : index
    %get3A_150 = arith.constant 0 : index
    %get3A_151 = arith.constant 0 : index
    %get3A_152 = arith.constant 0 : index
    %get3A_153 = vector.load %arg6[%get3A_149, %get3A_150, %get3A_151, %get3A_152] : memref<3x3x96x192xf32, #tpu.memory_space<vmem>>, vector<1x1x96x192xf32>
    %get3A_154 = vector.shape_cast %get3A_153 : vector<1x1x96x192xf32> to vector<96x192xf32>
    %dot_general3A_155 = arith.constant dense<0.000000e+00> : vector<1024x192xf32>
    %dot_general3A_156 = tpu.matmul %select_n3A_148, %get3A_154, %dot_general3A_155 {dimension_numbers = #tpu.dot_dimension_numbers<[1], [0], [0], [1], [0, 0, 1, 1], [], []>, transpose_lhs_hint = false} : vector<1024x96xf32>, vector<96x192xf32>, vector<1024x192xf32> -> vector<1024x192xf32>
    %add3A_157 = arith.addf %add3A_137, %dot_general3A_156 : vector<1024x192xf32>
    %get3A_158 = arith.constant 65 : index
    %get3A_159 = arith.constant 0 : index
    %get3A_160 = vector.load %arg19[%get3A_158, %get3A_159] : memref<1090x96xf32, #tpu.memory_space<vmem>>, vector<1024x96xf32>
    %get3A_161 = arith.constant 2 : index
    %get3A_162 = arith.constant 1 : index
    %get3A_163 = arith.constant 0 : index
    %get3A_164 = arith.constant 0 : index
    %get3A_165 = vector.load %arg6[%get3A_161, %get3A_162, %get3A_163, %get3A_164] : memref<3x3x96x192xf32, #tpu.memory_space<vmem>>, vector<1x1x96x192xf32>
    %get3A_166 = vector.shape_cast %get3A_165 : vector<1x1x96x192xf32> to vector<96x192xf32>
    %dot_general3A_167 = arith.constant dense<0.000000e+00> : vector<1024x192xf32>
    %dot_general3A_168 = tpu.matmul %get3A_160, %get3A_166, %dot_general3A_167 {dimension_numbers = #tpu.dot_dimension_numbers<[1], [0], [0], [1], [0, 0, 1, 1], [], []>, transpose_lhs_hint = false} : vector<1024x96xf32>, vector<96x192xf32>, vector<1024x192xf32> -> vector<1024x192xf32>
    %add3A_169 = arith.addf %add3A_157, %dot_general3A_168 : vector<1024x192xf32>
    %get3A_170 = arith.constant 66 : index
    %get3A_171 = arith.constant 0 : index
    %get3A_172 = vector.load %arg19[%get3A_170, %get3A_171] : memref<1090x96xf32, #tpu.memory_space<vmem>>, vector<1024x96xf32>
    %ne3A_173 = arith.constant 31 : i32
    %ne3A_174 = vector.broadcast %ne3A_173 : i32 to vector<1024x1xi32>
    %ne3A_175 = arith.cmpi ne, %and3A_34, %ne3A_174 : vector<1024x1xi32>
    %jit3A_176 = arith.constant 0.000000e+00 : f32
    %broadcast_in_dim3A_177 = vector.shape_cast %ne3A_175 : vector<1024x1xi1> to vector<1024x1xi1>
    %broadcast_in_dim3A_178 = vector.broadcast %broadcast_in_dim3A_177 : vector<1024x1xi1> to vector<1024x96xi1>
    %broadcast_in_dim3A_179 = vector.broadcast %jit3A_176 : f32 to vector<1024x96xf32>
    %select_n3A_180 = arith.select %broadcast_in_dim3A_178, %get3A_172, %broadcast_in_dim3A_179 : vector<1024x96xi1>, vector<1024x96xf32>
    %get3A_181 = arith.constant 2 : index
    %get3A_182 = arith.constant 2 : index
    %get3A_183 = arith.constant 0 : index
    %get3A_184 = arith.constant 0 : index
    %get3A_185 = vector.load %arg6[%get3A_181, %get3A_182, %get3A_183, %get3A_184] : memref<3x3x96x192xf32, #tpu.memory_space<vmem>>, vector<1x1x96x192xf32>
    %get3A_186 = vector.shape_cast %get3A_185 : vector<1x1x96x192xf32> to vector<96x192xf32>
    %dot_general3A_187 = arith.constant dense<0.000000e+00> : vector<1024x192xf32>
    %dot_general3A_188 = tpu.matmul %select_n3A_180, %get3A_186, %dot_general3A_187 {dimension_numbers = #tpu.dot_dimension_numbers<[1], [0], [0], [1], [0, 0, 1, 1], [], []>, transpose_lhs_hint = false} : vector<1024x96xf32>, vector<96x192xf32>, vector<1024x192xf32> -> vector<1024x192xf32>
    %add3A_189 = arith.addf %add3A_169, %dot_general3A_188 : vector<1024x192xf32>
    %get3A_190 = arith.constant 0 : index
    %get3A_191 = arith.constant 0 : index
    %get3A_192 = vector.load %arg7[%get3A_190, %get3A_191] : memref<1x192xf32, #tpu.memory_space<vmem>>, vector<1x192xf32>
    %add3A_193 = vector.broadcast %get3A_192 : vector<1x192xf32> to vector<1024x192xf32>
    %add3A_194 = arith.addf %add3A_189, %add3A_193 : vector<1024x192xf32>
    %logistic3A_195 = arith.negf %add3A_194 : vector<1024x192xf32>
    %logistic3A_196 = math.exp %logistic3A_195 : vector<1024x192xf32>
    %logistic3A_197 = arith.constant 1.000000e+00 : f32
    %logistic3A_198 = vector.broadcast %logistic3A_197 : f32 to vector<1024x192xf32>
    %logistic3A_199 = arith.addf %logistic3A_198, %logistic3A_196 : vector<1024x192xf32>
    %logistic3A_200 = arith.divf %logistic3A_198, %logistic3A_199 : vector<1024x192xf32>
    %mul3A_201 = arith.mulf %add3A_194, %logistic3A_200 : vector<1024x192xf32>
    %add3A_202 = arith.addf %get3A_8, %mul3A_201 : vector<1024x192xf32>
    %get3A_203 = arith.constant 0 : index
    %get3A_204 = arith.constant 0 : index
    %get3A_205 = vector.load %arg8[%get3A_203, %get3A_204] : memref<192x128xf32, #tpu.memory_space<vmem>>, vector<192x128xf32>
    %dot_general3A_206 = arith.constant dense<0.000000e+00> : vector<1024x128xf32>
    %dot_general3A_207 = tpu.matmul %add3A_202, %get3A_205, %dot_general3A_206 {dimension_numbers = #tpu.dot_dimension_numbers<[1], [0], [0], [1], [0, 0, 1, 1], [], []>, transpose_lhs_hint = false} : vector<1024x192xf32>, vector<192x128xf32>, vector<1024x128xf32> -> vector<1024x128xf32>
    %get3A_208 = arith.constant 0 : index
    %get3A_209 = arith.constant 0 : index
    %get3A_210 = vector.load %arg9[%get3A_208, %get3A_209] : memref<1x128xf32, #tpu.memory_space<vmem>>, vector<1x128xf32>
    %add3A_211 = vector.broadcast %get3A_210 : vector<1x128xf32> to vector<1024x128xf32>
    %add3A_212 = arith.addf %dot_general3A_207, %add3A_211 : vector<1024x128xf32>
    %get3A_213 = arith.constant 0 : index
    %get3A_214 = arith.constant 0 : index
    %get3A_215 = arith.constant 0 : index
    %get3A_216 = vector.load %arg3[%get3A_213, %get3A_214, %get3A_215] : memref<1x80x512xf32, #tpu.memory_space<vmem>>, vector<1x80x512xf32>
    %get3A_217 = vector.shape_cast %get3A_216 : vector<1x80x512xf32> to vector<80x512xf32>
    %get3A_218 = arith.constant 0 : index
    %get3A_219 = arith.constant 0 : index
    %get3A_220 = vector.load %arg10[%get3A_218, %get3A_219] : memref<512x128xf32, #tpu.memory_space<vmem>>, vector<512x128xf32>
    %dot_general3A_221 = arith.constant dense<0.000000e+00> : vector<80x128xf32>
    %dot_general3A_222 = tpu.matmul %get3A_217, %get3A_220, %dot_general3A_221 {dimension_numbers = #tpu.dot_dimension_numbers<[1], [0], [0], [1], [0, 0, 1, 1], [], []>, transpose_lhs_hint = false} : vector<80x512xf32>, vector<512x128xf32>, vector<80x128xf32> -> vector<80x128xf32>
    %get3A_223 = arith.constant 0 : index
    %get3A_224 = arith.constant 0 : index
    %get3A_225 = vector.load %arg11[%get3A_223, %get3A_224] : memref<1x128xf32, #tpu.memory_space<vmem>>, vector<1x128xf32>
    %add3A_226 = vector.broadcast %get3A_225 : vector<1x128xf32> to vector<80x128xf32>
    %add3A_227 = arith.addf %dot_general3A_222, %add3A_226 : vector<80x128xf32>
    %dot_general3A_228 = arith.constant dense<0.000000e+00> : vector<1024x80xf32>
    %dot_general3A_229 = tpu.matmul %add3A_212, %add3A_227, %dot_general3A_228 {dimension_numbers = #tpu.dot_dimension_numbers<[1], [1], [0], [0], [0, 0, 1, 0], [], []>, transpose_lhs_hint = false} : vector<1024x128xf32>, vector<80x128xf32>, vector<1024x80xf32> -> vector<1024x80xf32>
    %reduce_max3A = arith.constant dense<0xFF800000> : vector<1024xf32>
    %reduce_max3A_230 = vector.multi_reduction <maximumf>, %dot_general3A_229, %reduce_max3A [1] : vector<1024x80xf32> to vector<1024xf32>
    %broadcast_in_dim3A_231 = vector.shape_cast %reduce_max3A_230 : vector<1024xf32> to vector<1024x1xf32>
    %mul3A_232 = arith.constant 0.0883883461 : f32
    %mul3A_233 = vector.broadcast %mul3A_232 : f32 to vector<1024x1xf32>
    %mul3A_234 = arith.mulf %broadcast_in_dim3A_231, %mul3A_233 : vector<1024x1xf32>
    %get3A_235 = arith.constant 0 : index
    %get3A_236 = arith.constant 0 : index
    %get3A_237 = vector.load %arg12[%get3A_235, %get3A_236] : memref<1x1xf32, #tpu.memory_space<vmem>>, vector<1x1xf32>
    %add3A_238 = vector.broadcast %get3A_237 : vector<1x1xf32> to vector<1024x1xf32>
    %add3A_239 = arith.addf %mul3A_234, %add3A_238 : vector<1024x1xf32>
    %logistic3A_240 = arith.negf %add3A_239 : vector<1024x1xf32>
    %logistic3A_241 = math.exp %logistic3A_240 : vector<1024x1xf32>
    %logistic3A_242 = arith.constant 1.000000e+00 : f32
    %logistic3A_243 = vector.broadcast %logistic3A_242 : f32 to vector<1024x1xf32>
    %logistic3A_244 = arith.addf %logistic3A_243, %logistic3A_241 : vector<1024x1xf32>
    %logistic3A_245 = arith.divf %logistic3A_243, %logistic3A_244 : vector<1024x1xf32>
    %dot_general3A_246 = arith.constant dense<0.000000e+00> : vector<80x1024xf32>
    %dot_general3A_247 = tpu.matmul %add3A_227, %add3A_212, %dot_general3A_246 {dimension_numbers = #tpu.dot_dimension_numbers<[1], [1], [0], [0], [0, 0, 1, 0], [], []>, transpose_lhs_hint = false} : vector<80x128xf32>, vector<1024x128xf32>, vector<80x1024xf32> -> vector<80x1024xf32>
    %reduce_max3A_248 = arith.constant dense<0xFF800000> : vector<1024xf32>
    %reduce_max3A_249 = vector.multi_reduction <maximumf>, %dot_general3A_247, %reduce_max3A_248 [0] : vector<80x1024xf32> to vector<1024xf32>
    %broadcast_in_dim3A_250 = vector.shape_cast %reduce_max3A_249 : vector<1024xf32> to vector<1x1024xf32>
    %mul3A_251 = arith.constant 0.0883883461 : f32
    %mul3A_252 = vector.broadcast %mul3A_251 : f32 to vector<1x1024xf32>
    %mul3A_253 = arith.mulf %broadcast_in_dim3A_250, %mul3A_252 : vector<1x1024xf32>
    %get3A_254 = arith.constant 0 : index
    %get3A_255 = arith.constant 0 : index
    %get3A_256 = vector.load %arg12[%get3A_254, %get3A_255] : memref<1x1xf32, #tpu.memory_space<vmem>>, vector<1x1xf32>
    %add3A_257 = vector.broadcast %get3A_256 : vector<1x1xf32> to vector<1x1024xf32>
    %add3A_258 = arith.addf %mul3A_253, %add3A_257 : vector<1x1024xf32>
    %logistic3A_259 = arith.negf %add3A_258 : vector<1x1024xf32>
    %logistic3A_260 = math.exp %logistic3A_259 : vector<1x1024xf32>
    %logistic3A_261 = arith.constant 1.000000e+00 : f32
    %logistic3A_262 = vector.broadcast %logistic3A_261 : f32 to vector<1x1024xf32>
    %logistic3A_263 = arith.addf %logistic3A_262, %logistic3A_260 : vector<1x1024xf32>
    %logistic3A_264 = arith.divf %logistic3A_262, %logistic3A_263 : vector<1x1024xf32>
    %broadcast_in_dim3A_265 = arith.constant 0.000000e+00 : f32
    %broadcast_in_dim3A_266 = vector.broadcast %broadcast_in_dim3A_265 : f32 to vector<33x192xf32>
    %swap3A_267 = arith.constant 0 : index
    %swap3A_268 = arith.constant 0 : index
    %swap3A_269 = vector.load %arg20[%swap3A_267, %swap3A_268] : memref<1090x192xf32, #tpu.memory_space<vmem>>, vector<33x192xf32>
    tpu.vector_store %arg20[%swap3A_267, %swap3A_268], %broadcast_in_dim3A_266 {strides = array<i32>} : memref<1090x192xf32, #tpu.memory_space<vmem>>, vector<33x192xf32>,
    %swap3A_270 = arith.constant 33 : index
    %swap3A_271 = arith.constant 0 : index
    %swap3A_272 = vector.load %arg20[%swap3A_270, %swap3A_271] : memref<1090x192xf32, #tpu.memory_space<vmem>>, vector<1024x192xf32>
    tpu.vector_store %arg20[%swap3A_270, %swap3A_271], %add3A_202 {strides = array<i32>} : memref<1090x192xf32, #tpu.memory_space<vmem>>, vector<1024x192xf32>,
    %broadcast_in_dim3A_273 = arith.constant 0.000000e+00 : f32
    %broadcast_in_dim3A_274 = vector.broadcast %broadcast_in_dim3A_273 : f32 to vector<33x192xf32>
    %swap3A_275 = arith.constant 1057 : index
    %swap3A_276 = arith.constant 0 : index
    %swap3A_277 = vector.load %arg20[%swap3A_275, %swap3A_276] : memref<1090x192xf32, #tpu.memory_space<vmem>>, vector<33x192xf32>
    tpu.vector_store %arg20[%swap3A_275, %swap3A_276], %broadcast_in_dim3A_274 {strides = array<i32>} : memref<1090x192xf32, #tpu.memory_space<vmem>>, vector<33x192xf32>,
    %iota3A_278 = tpu.iota {dimensions = array<i32: 0>} : vector<1024x1xi32>
    %and3A_279 = arith.constant 31 : i32
    %and3A_280 = vector.broadcast %and3A_279 : i32 to vector<1024x1xi32>
    %and3A_281 = arith.andi %iota3A_278, %and3A_280 : vector<1024x1xi32>
    %broadcast_in_dim3A_282 = arith.constant 0.000000e+00 : f32
    %broadcast_in_dim3A_283 = vector.broadcast %broadcast_in_dim3A_282 : f32 to vector<1024x192xf32>
    %get3A_284 = arith.constant 0 : index
    %get3A_285 = arith.constant 0 : index
    %get3A_286 = vector.load %arg20[%get3A_284, %get3A_285] : memref<1090x192xf32, #tpu.memory_space<vmem>>, vector<1024x192xf32>
    %ne3A_287 = arith.constant 0 : i32
    %ne3A_288 = vector.broadcast %ne3A_287 : i32 to vector<1024x1xi32>
    %ne3A_289 = arith.cmpi ne, %and3A_281, %ne3A_288 : vector<1024x1xi32>
    %jit3A_290 = arith.constant 0.000000e+00 : f32
    %broadcast_in_dim3A_291 = vector.shape_cast %ne3A_289 : vector<1024x1xi1> to vector<1024x1xi1>
    %broadcast_in_dim3A_292 = vector.broadcast %broadcast_in_dim3A_291 : vector<1024x1xi1> to vector<1024x192xi1>
    %broadcast_in_dim3A_293 = vector.broadcast %jit3A_290 : f32 to vector<1024x192xf32>
    %select_n3A_294 = arith.select %broadcast_in_dim3A_292, %get3A_286, %broadcast_in_dim3A_293 : vector<1024x192xi1>, vector<1024x192xf32>
    %get3A_295 = arith.constant 0 : index
    %get3A_296 = arith.constant 0 : index
    %get3A_297 = arith.constant 0 : index
    %get3A_298 = arith.constant 0 : index
    %get3A_299 = vector.load %arg13[%get3A_295, %get3A_296, %get3A_297, %get3A_298] : memref<3x3x192x192xf32, #tpu.memory_space<vmem>>, vector<1x1x192x192xf32>
    %get3A_300 = vector.shape_cast %get3A_299 : vector<1x1x192x192xf32> to vector<192x192xf32>
    %dot_general3A_301 = arith.constant dense<0.000000e+00> : vector<1024x192xf32>
    %dot_general3A_302 = tpu.matmul %select_n3A_294, %get3A_300, %dot_general3A_301 {dimension_numbers = #tpu.dot_dimension_numbers<[1], [0], [0], [1], [0, 0, 1, 1], [], []>, transpose_lhs_hint = false} : vector<1024x192xf32>, vector<192x192xf32>, vector<1024x192xf32> -> vector<1024x192xf32>
    %add3A_303 = arith.addf %broadcast_in_dim3A_283, %dot_general3A_302 : vector<1024x192xf32>
    %get3A_304 = arith.constant 1 : index
    %get3A_305 = arith.constant 0 : index
    %get3A_306 = vector.load %arg20[%get3A_304, %get3A_305] : memref<1090x192xf32, #tpu.memory_space<vmem>>, vector<1024x192xf32>
    %get3A_307 = arith.constant 0 : index
    %get3A_308 = arith.constant 1 : index
    %get3A_309 = arith.constant 0 : index
    %get3A_310 = arith.constant 0 : index
    %get3A_311 = vector.load %arg13[%get3A_307, %get3A_308, %get3A_309, %get3A_310] : memref<3x3x192x192xf32, #tpu.memory_space<vmem>>, vector<1x1x192x192xf32>
    %get3A_312 = vector.shape_cast %get3A_311 : vector<1x1x192x192xf32> to vector<192x192xf32>
    %dot_general3A_313 = arith.constant dense<0.000000e+00> : vector<1024x192xf32>
    %dot_general3A_314 = tpu.matmul %get3A_306, %get3A_312, %dot_general3A_313 {dimension_numbers = #tpu.dot_dimension_numbers<[1], [0], [0], [1], [0, 0, 1, 1], [], []>, transpose_lhs_hint = false} : vector<1024x192xf32>, vector<192x192xf32>, vector<1024x192xf32> -> vector<1024x192xf32>
    %add3A_315 = arith.addf %add3A_303, %dot_general3A_314 : vector<1024x192xf32>
    %get3A_316 = arith.constant 2 : index
    %get3A_317 = arith.constant 0 : index
    %get3A_318 = vector.load %arg20[%get3A_316, %get3A_317] : memref<1090x192xf32, #tpu.memory_space<vmem>>, vector<1024x192xf32>
    %ne3A_319 = arith.constant 31 : i32
    %ne3A_320 = vector.broadcast %ne3A_319 : i32 to vector<1024x1xi32>
    %ne3A_321 = arith.cmpi ne, %and3A_281, %ne3A_320 : vector<1024x1xi32>
    %jit3A_322 = arith.constant 0.000000e+00 : f32
    %broadcast_in_dim3A_323 = vector.shape_cast %ne3A_321 : vector<1024x1xi1> to vector<1024x1xi1>
    %broadcast_in_dim3A_324 = vector.broadcast %broadcast_in_dim3A_323 : vector<1024x1xi1> to vector<1024x192xi1>
    %broadcast_in_dim3A_325 = vector.broadcast %jit3A_322 : f32 to vector<1024x192xf32>
    %select_n3A_326 = arith.select %broadcast_in_dim3A_324, %get3A_318, %broadcast_in_dim3A_325 : vector<1024x192xi1>, vector<1024x192xf32>
    %get3A_327 = arith.constant 0 : index
    %get3A_328 = arith.constant 2 : index
    %get3A_329 = arith.constant 0 : index
    %get3A_330 = arith.constant 0 : index
    %get3A_331 = vector.load %arg13[%get3A_327, %get3A_328, %get3A_329, %get3A_330] : memref<3x3x192x192xf32, #tpu.memory_space<vmem>>, vector<1x1x192x192xf32>
    %get3A_332 = vector.shape_cast %get3A_331 : vector<1x1x192x192xf32> to vector<192x192xf32>
    %dot_general3A_333 = arith.constant dense<0.000000e+00> : vector<1024x192xf32>
    %dot_general3A_334 = tpu.matmul %select_n3A_326, %get3A_332, %dot_general3A_333 {dimension_numbers = #tpu.dot_dimension_numbers<[1], [0], [0], [1], [0, 0, 1, 1], [], []>, transpose_lhs_hint = false} : vector<1024x192xf32>, vector<192x192xf32>, vector<1024x192xf32> -> vector<1024x192xf32>
    %add3A_335 = arith.addf %add3A_315, %dot_general3A_334 : vector<1024x192xf32>
    %get3A_336 = arith.constant 32 : index
    %get3A_337 = arith.constant 0 : index
    %get3A_338 = vector.load %arg20[%get3A_336, %get3A_337] : memref<1090x192xf32, #tpu.memory_space<vmem>>, vector<1024x192xf32>
    %ne3A_339 = arith.constant 0 : i32
    %ne3A_340 = vector.broadcast %ne3A_339 : i32 to vector<1024x1xi32>
    %ne3A_341 = arith.cmpi ne, %and3A_281, %ne3A_340 : vector<1024x1xi32>
    %jit3A_342 = arith.constant 0.000000e+00 : f32
    %broadcast_in_dim3A_343 = vector.shape_cast %ne3A_341 : vector<1024x1xi1> to vector<1024x1xi1>
    %broadcast_in_dim3A_344 = vector.broadcast %broadcast_in_dim3A_343 : vector<1024x1xi1> to vector<1024x192xi1>
    %broadcast_in_dim3A_345 = vector.broadcast %jit3A_342 : f32 to vector<1024x192xf32>
    %select_n3A_346 = arith.select %broadcast_in_dim3A_344, %get3A_338, %broadcast_in_dim3A_345 : vector<1024x192xi1>, vector<1024x192xf32>
    %get3A_347 = arith.constant 1 : index
    %get3A_348 = arith.constant 0 : index
    %get3A_349 = arith.constant 0 : index
    %get3A_350 = arith.constant 0 : index
    %get3A_351 = vector.load %arg13[%get3A_347, %get3A_348, %get3A_349, %get3A_350] : memref<3x3x192x192xf32, #tpu.memory_space<vmem>>, vector<1x1x192x192xf32>
    %get3A_352 = vector.shape_cast %get3A_351 : vector<1x1x192x192xf32> to vector<192x192xf32>
    %dot_general3A_353 = arith.constant dense<0.000000e+00> : vector<1024x192xf32>
    %dot_general3A_354 = tpu.matmul %select_n3A_346, %get3A_352, %dot_general3A_353 {dimension_numbers = #tpu.dot_dimension_numbers<[1], [0], [0], [1], [0, 0, 1, 1], [], []>, transpose_lhs_hint = false} : vector<1024x192xf32>, vector<192x192xf32>, vector<1024x192xf32> -> vector<1024x192xf32>
    %add3A_355 = arith.addf %add3A_335, %dot_general3A_354 : vector<1024x192xf32>
    %get3A_356 = arith.constant 33 : index
    %get3A_357 = arith.constant 0 : index
    %get3A_358 = vector.load %arg20[%get3A_356, %get3A_357] : memref<1090x192xf32, #tpu.memory_space<vmem>>, vector<1024x192xf32>
    %get3A_359 = arith.constant 1 : index
    %get3A_360 = arith.constant 1 : index
    %get3A_361 = arith.constant 0 : index
    %get3A_362 = arith.constant 0 : index
    %get3A_363 = vector.load %arg13[%get3A_359, %get3A_360, %get3A_361, %get3A_362] : memref<3x3x192x192xf32, #tpu.memory_space<vmem>>, vector<1x1x192x192xf32>
    %get3A_364 = vector.shape_cast %get3A_363 : vector<1x1x192x192xf32> to vector<192x192xf32>
    %dot_general3A_365 = arith.constant dense<0.000000e+00> : vector<1024x192xf32>
    %dot_general3A_366 = tpu.matmul %get3A_358, %get3A_364, %dot_general3A_365 {dimension_numbers = #tpu.dot_dimension_numbers<[1], [0], [0], [1], [0, 0, 1, 1], [], []>, transpose_lhs_hint = false} : vector<1024x192xf32>, vector<192x192xf32>, vector<1024x192xf32> -> vector<1024x192xf32>
    %add3A_367 = arith.addf %add3A_355, %dot_general3A_366 : vector<1024x192xf32>
    %get3A_368 = arith.constant 34 : index
    %get3A_369 = arith.constant 0 : index
    %get3A_370 = vector.load %arg20[%get3A_368, %get3A_369] : memref<1090x192xf32, #tpu.memory_space<vmem>>, vector<1024x192xf32>
    %ne3A_371 = arith.constant 31 : i32
    %ne3A_372 = vector.broadcast %ne3A_371 : i32 to vector<1024x1xi32>
    %ne3A_373 = arith.cmpi ne, %and3A_281, %ne3A_372 : vector<1024x1xi32>
    %jit3A_374 = arith.constant 0.000000e+00 : f32
    %broadcast_in_dim3A_375 = vector.shape_cast %ne3A_373 : vector<1024x1xi1> to vector<1024x1xi1>
    %broadcast_in_dim3A_376 = vector.broadcast %broadcast_in_dim3A_375 : vector<1024x1xi1> to vector<1024x192xi1>
    %broadcast_in_dim3A_377 = vector.broadcast %jit3A_374 : f32 to vector<1024x192xf32>
    %select_n3A_378 = arith.select %broadcast_in_dim3A_376, %get3A_370, %broadcast_in_dim3A_377 : vector<1024x192xi1>, vector<1024x192xf32>
    %get3A_379 = arith.constant 1 : index
    %get3A_380 = arith.constant 2 : index
    %get3A_381 = arith.constant 0 : index
    %get3A_382 = arith.constant 0 : index
    %get3A_383 = vector.load %arg13[%get3A_379, %get3A_380, %get3A_381, %get3A_382] : memref<3x3x192x192xf32, #tpu.memory_space<vmem>>, vector<1x1x192x192xf32>
    %get3A_384 = vector.shape_cast %get3A_383 : vector<1x1x192x192xf32> to vector<192x192xf32>
    %dot_general3A_385 = arith.constant dense<0.000000e+00> : vector<1024x192xf32>
    %dot_general3A_386 = tpu.matmul %select_n3A_378, %get3A_384, %dot_general3A_385 {dimension_numbers = #tpu.dot_dimension_numbers<[1], [0], [0], [1], [0, 0, 1, 1], [], []>, transpose_lhs_hint = false} : vector<1024x192xf32>, vector<192x192xf32>, vector<1024x192xf32> -> vector<1024x192xf32>
    %add3A_387 = arith.addf %add3A_367, %dot_general3A_386 : vector<1024x192xf32>
    %get3A_388 = arith.constant 64 : index
    %get3A_389 = arith.constant 0 : index
    %get3A_390 = vector.load %arg20[%get3A_388, %get3A_389] : memref<1090x192xf32, #tpu.memory_space<vmem>>, vector<1024x192xf32>
    %ne3A_391 = arith.constant 0 : i32
    %ne3A_392 = vector.broadcast %ne3A_391 : i32 to vector<1024x1xi32>
    %ne3A_393 = arith.cmpi ne, %and3A_281, %ne3A_392 : vector<1024x1xi32>
    %jit3A_394 = arith.constant 0.000000e+00 : f32
    %broadcast_in_dim3A_395 = vector.shape_cast %ne3A_393 : vector<1024x1xi1> to vector<1024x1xi1>
    %broadcast_in_dim3A_396 = vector.broadcast %broadcast_in_dim3A_395 : vector<1024x1xi1> to vector<1024x192xi1>
    %broadcast_in_dim3A_397 = vector.broadcast %jit3A_394 : f32 to vector<1024x192xf32>
    %select_n3A_398 = arith.select %broadcast_in_dim3A_396, %get3A_390, %broadcast_in_dim3A_397 : vector<1024x192xi1>, vector<1024x192xf32>
    %get3A_399 = arith.constant 2 : index
    %get3A_400 = arith.constant 0 : index
    %get3A_401 = arith.constant 0 : index
    %get3A_402 = arith.constant 0 : index
    %get3A_403 = vector.load %arg13[%get3A_399, %get3A_400, %get3A_401, %get3A_402] : memref<3x3x192x192xf32, #tpu.memory_space<vmem>>, vector<1x1x192x192xf32>
    %get3A_404 = vector.shape_cast %get3A_403 : vector<1x1x192x192xf32> to vector<192x192xf32>
    %dot_general3A_405 = arith.constant dense<0.000000e+00> : vector<1024x192xf32>
    %dot_general3A_406 = tpu.matmul %select_n3A_398, %get3A_404, %dot_general3A_405 {dimension_numbers = #tpu.dot_dimension_numbers<[1], [0], [0], [1], [0, 0, 1, 1], [], []>, transpose_lhs_hint = false} : vector<1024x192xf32>, vector<192x192xf32>, vector<1024x192xf32> -> vector<1024x192xf32>
    %add3A_407 = arith.addf %add3A_387, %dot_general3A_406 : vector<1024x192xf32>
    %get3A_408 = arith.constant 65 : index
    %get3A_409 = arith.constant 0 : index
    %get3A_410 = vector.load %arg20[%get3A_408, %get3A_409] : memref<1090x192xf32, #tpu.memory_space<vmem>>, vector<1024x192xf32>
    %get3A_411 = arith.constant 2 : index
    %get3A_412 = arith.constant 1 : index
    %get3A_413 = arith.constant 0 : index
    %get3A_414 = arith.constant 0 : index
    %get3A_415 = vector.load %arg13[%get3A_411, %get3A_412, %get3A_413, %get3A_414] : memref<3x3x192x192xf32, #tpu.memory_space<vmem>>, vector<1x1x192x192xf32>
    %get3A_416 = vector.shape_cast %get3A_415 : vector<1x1x192x192xf32> to vector<192x192xf32>
    %dot_general3A_417 = arith.constant dense<0.000000e+00> : vector<1024x192xf32>
    %dot_general3A_418 = tpu.matmul %get3A_410, %get3A_416, %dot_general3A_417 {dimension_numbers = #tpu.dot_dimension_numbers<[1], [0], [0], [1], [0, 0, 1, 1], [], []>, transpose_lhs_hint = false} : vector<1024x192xf32>, vector<192x192xf32>, vector<1024x192xf32> -> vector<1024x192xf32>
    %add3A_419 = arith.addf %add3A_407, %dot_general3A_418 : vector<1024x192xf32>
    %get3A_420 = arith.constant 66 : index
    %get3A_421 = arith.constant 0 : index
    %get3A_422 = vector.load %arg20[%get3A_420, %get3A_421] : memref<1090x192xf32, #tpu.memory_space<vmem>>, vector<1024x192xf32>
    %ne3A_423 = arith.constant 31 : i32
    %ne3A_424 = vector.broadcast %ne3A_423 : i32 to vector<1024x1xi32>
    %ne3A_425 = arith.cmpi ne, %and3A_281, %ne3A_424 : vector<1024x1xi32>
    %jit3A_426 = arith.constant 0.000000e+00 : f32
    %broadcast_in_dim3A_427 = vector.shape_cast %ne3A_425 : vector<1024x1xi1> to vector<1024x1xi1>
    %broadcast_in_dim3A_428 = vector.broadcast %broadcast_in_dim3A_427 : vector<1024x1xi1> to vector<1024x192xi1>
    %broadcast_in_dim3A_429 = vector.broadcast %jit3A_426 : f32 to vector<1024x192xf32>
    %select_n3A_430 = arith.select %broadcast_in_dim3A_428, %get3A_422, %broadcast_in_dim3A_429 : vector<1024x192xi1>, vector<1024x192xf32>
    %get3A_431 = arith.constant 2 : index
    %get3A_432 = arith.constant 2 : index
    %get3A_433 = arith.constant 0 : index
    %get3A_434 = arith.constant 0 : index
    %get3A_435 = vector.load %arg13[%get3A_431, %get3A_432, %get3A_433, %get3A_434] : memref<3x3x192x192xf32, #tpu.memory_space<vmem>>, vector<1x1x192x192xf32>
    %get3A_436 = vector.shape_cast %get3A_435 : vector<1x1x192x192xf32> to vector<192x192xf32>
    %dot_general3A_437 = arith.constant dense<0.000000e+00> : vector<1024x192xf32>
    %dot_general3A_438 = tpu.matmul %select_n3A_430, %get3A_436, %dot_general3A_437 {dimension_numbers = #tpu.dot_dimension_numbers<[1], [0], [0], [1], [0, 0, 1, 1], [], []>, transpose_lhs_hint = false} : vector<1024x192xf32>, vector<192x192xf32>, vector<1024x192xf32> -> vector<1024x192xf32>
    %add3A_439 = arith.addf %add3A_419, %dot_general3A_438 : vector<1024x192xf32>
    %get3A_440 = arith.constant 0 : index
    %get3A_441 = arith.constant 0 : index
    %get3A_442 = vector.load %arg14[%get3A_440, %get3A_441] : memref<1x192xf32, #tpu.memory_space<vmem>>, vector<1x192xf32>
    %add3A_443 = vector.broadcast %get3A_442 : vector<1x192xf32> to vector<1024x192xf32>
    %add3A_444 = arith.addf %add3A_439, %add3A_443 : vector<1024x192xf32>
    %mul3A_445 = vector.broadcast %logistic3A_245 : vector<1024x1xf32> to vector<1024x192xf32>
    %mul3A_446 = arith.mulf %add3A_444, %mul3A_445 : vector<1024x192xf32>
    %get3A_447 = arith.constant 0 : index
    %get3A_448 = arith.constant 0 : index
    %get3A_449 = vector.load %arg15[%get3A_447, %get3A_448] : memref<768x384xf32, #tpu.memory_space<vmem>>, vector<192x384xf32>
    %dot_general3A_450 = arith.constant dense<0.000000e+00> : vector<1024x384xf32>
    %dot_general3A_451 = tpu.matmul %get3A_3, %get3A_449, %dot_general3A_450 {dimension_numbers = #tpu.dot_dimension_numbers<[1], [0], [0], [1], [0, 0, 1, 1], [], []>, transpose_lhs_hint = false} : vector<1024x192xf32>, vector<192x384xf32>, vector<1024x384xf32> -> vector<1024x384xf32>
    %get3A_452 = arith.constant 192 : index
    %get3A_453 = arith.constant 0 : index
    %get3A_454 = vector.load %arg15[%get3A_452, %get3A_453] : memref<768x384xf32, #tpu.memory_space<vmem>>, vector<192x384xf32>
    %dot_general3A_455 = arith.constant dense<0.000000e+00> : vector<1024x384xf32>
    %dot_general3A_456 = tpu.matmul %get3A_8, %get3A_454, %dot_general3A_455 {dimension_numbers = #tpu.dot_dimension_numbers<[1], [0], [0], [1], [0, 0, 1, 1], [], []>, transpose_lhs_hint = false} : vector<1024x192xf32>, vector<192x384xf32>, vector<1024x384xf32> -> vector<1024x384xf32>
    %add3A_457 = arith.addf %dot_general3A_451, %dot_general3A_456 : vector<1024x384xf32>
    %get3A_458 = arith.constant 384 : index
    %get3A_459 = arith.constant 0 : index
    %get3A_460 = vector.load %arg15[%get3A_458, %get3A_459] : memref<768x384xf32, #tpu.memory_space<vmem>>, vector<192x384xf32>
    %dot_general3A_461 = arith.constant dense<0.000000e+00> : vector<1024x384xf32>
    %dot_general3A_462 = tpu.matmul %add3A_202, %get3A_460, %dot_general3A_461 {dimension_numbers = #tpu.dot_dimension_numbers<[1], [0], [0], [1], [0, 0, 1, 1], [], []>, transpose_lhs_hint = false} : vector<1024x192xf32>, vector<192x384xf32>, vector<1024x384xf32> -> vector<1024x384xf32>
    %add3A_463 = arith.addf %add3A_457, %dot_general3A_462 : vector<1024x384xf32>
    %get3A_464 = arith.constant 576 : index
    %get3A_465 = arith.constant 0 : index
    %get3A_466 = vector.load %arg15[%get3A_464, %get3A_465] : memref<768x384xf32, #tpu.memory_space<vmem>>, vector<192x384xf32>
    %dot_general3A_467 = arith.constant dense<0.000000e+00> : vector<1024x384xf32>
    %dot_general3A_468 = tpu.matmul %mul3A_446, %get3A_466, %dot_general3A_467 {dimension_numbers = #tpu.dot_dimension_numbers<[1], [0], [0], [1], [0, 0, 1, 1], [], []>, transpose_lhs_hint = false} : vector<1024x192xf32>, vector<192x384xf32>, vector<1024x384xf32> -> vector<1024x384xf32>
    %add3A_469 = arith.addf %add3A_463, %dot_general3A_468 : vector<1024x384xf32>
    %get3A_470 = arith.constant 0 : index
    %get3A_471 = arith.constant 0 : index
    %get3A_472 = vector.load %arg16[%get3A_470, %get3A_471] : memref<1x384xf32, #tpu.memory_space<vmem>>, vector<1x384xf32>
    %add3A_473 = vector.broadcast %get3A_472 : vector<1x384xf32> to vector<1024x384xf32>
    %add3A_474 = arith.addf %add3A_469, %add3A_473 : vector<1024x384xf32>
    %swap3A_475 = arith.constant 0 : index
    %swap3A_476 = arith.constant 0 : index
    %swap3A_477 = arith.constant 0 : index
    %swap3A_478 = vector.load %arg17[%swap3A_475, %swap3A_476, %swap3A_477] : memref<1x1024x384xf32, #tpu.memory_space<vmem>>, vector<1x1024x384xf32>
    %swap3A_479 = vector.shape_cast %swap3A_478 : vector<1x1024x384xf32> to vector<1024x384xf32>
    %swap3A_480 = vector.shape_cast %add3A_474 : vector<1024x384xf32> to vector<1x1024x384xf32>
    tpu.vector_store %arg17[%swap3A_475, %swap3A_476, %swap3A_477], %swap3A_480 {strides = array<i32>} : memref<1x1024x384xf32, #tpu.memory_space<vmem>>, vector<1x1024x384xf32>,
    %iota3A_481 = tpu.iota {dimensions = array<i32: 1>} : vector<1x1024xi32>
    %iota3A_482 = tpu.iota {dimensions = array<i32: 1>} : vector<1x5xi32>
    %broadcast_in_dim3A_483 = arith.constant 0 : i32
    %broadcast_in_dim3A_484 = vector.broadcast %broadcast_in_dim3A_483 : i32 to vector<1x5xi32>
    %reduce_max3A_485 = arith.constant dense<0xFF800000> : vector<1xf32>
    %reduce_max3A_486 = vector.multi_reduction <maximumf>, %logistic3A_264, %reduce_max3A_485 [1] : vector<1x1024xf32> to vector<1xf32>
    %broadcast_in_dim3A_487 = vector.shape_cast %reduce_max3A_486 : vector<1xf32> to vector<1x1xf32>
    %eq3A = vector.broadcast %broadcast_in_dim3A_487 : vector<1x1xf32> to vector<1x1024xf32>
    %eq3A_488 = arith.cmpf oeq, %logistic3A_264, %eq3A : vector<1x1024xf32>
    %jit3A_489 = arith.constant 1024 : i32
    %broadcast_in_dim3A_490 = vector.broadcast %jit3A_489 : i32 to vector<1x1024xi32>
    %select_n3A_491 = arith.select %eq3A_488, %iota3A_481, %broadcast_in_dim3A_490 : vector<1x1024xi1>, vector<1x1024xi32>
    %reduce_min3A = arith.constant dense<2147483647> : vector<1xi32>
    %reduce_min3A_492 = vector.multi_reduction <minsi>, %select_n3A_491, %reduce_min3A [1] : vector<1x1024xi32> to vector<1xi32>
    %broadcast_in_dim3A_493 = vector.shape_cast %reduce_min3A_492 : vector<1xi32> to vector<1x1xi32>
    %eq3A_494 = arith.constant 0 : i32
    %eq3A_495 = vector.broadcast %eq3A_494 : i32 to vector<1x5xi32>
    %eq3A_496 = arith.cmpi eq, %iota3A_482, %eq3A_495 : vector<1x5xi32>
    %jit3A_497 = arith.constant 0 : i32
    %broadcast_in_dim3A_498 = vector.shape_cast %broadcast_in_dim3A_493 : vector<1x1xi32> to vector<1x1xi32>
    %broadcast_in_dim3A_499 = vector.broadcast %broadcast_in_dim3A_498 : vector<1x1xi32> to vector<1x5xi32>
    %broadcast_in_dim3A_500 = vector.broadcast %jit3A_497 : i32 to vector<1x5xi32>
    %select_n3A_501 = arith.select %eq3A_496, %broadcast_in_dim3A_499, %broadcast_in_dim3A_500 : vector<1x5xi1>, vector<1x5xi32>
    %add3A_502 = arith.addi %broadcast_in_dim3A_484, %select_n3A_501 : vector<1x5xi32>
    %eq3A_503 = vector.broadcast %broadcast_in_dim3A_493 : vector<1x1xi32> to vector<1x1024xi32>
    %eq3A_504 = arith.cmpi eq, %iota3A_481, %eq3A_503 : vector<1x1024xi32>
    %jit3A_505 = arith.constant 0xFF800000 : f32
    %broadcast_in_dim3A_506 = vector.broadcast %jit3A_505 : f32 to vector<1x1024xf32>
    %select_n3A_507 = arith.select %eq3A_504, %broadcast_in_dim3A_506, %logistic3A_264 : vector<1x1024xi1>, vector<1x1024xf32>
    %reduce_max3A_508 = arith.constant dense<0xFF800000> : vector<1xf32>
    %reduce_max3A_509 = vector.multi_reduction <maximumf>, %select_n3A_507, %reduce_max3A_508 [1] : vector<1x1024xf32> to vector<1xf32>
    %broadcast_in_dim3A_510 = vector.shape_cast %reduce_max3A_509 : vector<1xf32> to vector<1x1xf32>
    %eq3A_511 = vector.broadcast %broadcast_in_dim3A_510 : vector<1x1xf32> to vector<1x1024xf32>
    %eq3A_512 = arith.cmpf oeq, %select_n3A_507, %eq3A_511 : vector<1x1024xf32>
    %jit3A_513 = arith.constant 1024 : i32
    %broadcast_in_dim3A_514 = vector.broadcast %jit3A_513 : i32 to vector<1x1024xi32>
    %select_n3A_515 = arith.select %eq3A_512, %iota3A_481, %broadcast_in_dim3A_514 : vector<1x1024xi1>, vector<1x1024xi32>
    %reduce_min3A_516 = arith.constant dense<2147483647> : vector<1xi32>
    %reduce_min3A_517 = vector.multi_reduction <minsi>, %select_n3A_515, %reduce_min3A_516 [1] : vector<1x1024xi32> to vector<1xi32>
    %broadcast_in_dim3A_518 = vector.shape_cast %reduce_min3A_517 : vector<1xi32> to vector<1x1xi32>
    %eq3A_519 = arith.constant 1 : i32
    %eq3A_520 = vector.broadcast %eq3A_519 : i32 to vector<1x5xi32>
    %eq3A_521 = arith.cmpi eq, %iota3A_482, %eq3A_520 : vector<1x5xi32>
    %jit3A_522 = arith.constant 0 : i32
    %broadcast_in_dim3A_523 = vector.shape_cast %broadcast_in_dim3A_518 : vector<1x1xi32> to vector<1x1xi32>
    %broadcast_in_dim3A_524 = vector.broadcast %broadcast_in_dim3A_523 : vector<1x1xi32> to vector<1x5xi32>
    %broadcast_in_dim3A_525 = vector.broadcast %jit3A_522 : i32 to vector<1x5xi32>
    %select_n3A_526 = arith.select %eq3A_521, %broadcast_in_dim3A_524, %broadcast_in_dim3A_525 : vector<1x5xi1>, vector<1x5xi32>
    %add3A_527 = arith.addi %add3A_502, %select_n3A_526 : vector<1x5xi32>
    %eq3A_528 = vector.broadcast %broadcast_in_dim3A_518 : vector<1x1xi32> to vector<1x1024xi32>
    %eq3A_529 = arith.cmpi eq, %iota3A_481, %eq3A_528 : vector<1x1024xi32>
    %jit3A_530 = arith.constant 0xFF800000 : f32
    %broadcast_in_dim3A_531 = vector.broadcast %jit3A_530 : f32 to vector<1x1024xf32>
    %select_n3A_532 = arith.select %eq3A_529, %broadcast_in_dim3A_531, %select_n3A_507 : vector<1x1024xi1>, vector<1x1024xf32>
    %reduce_max3A_533 = arith.constant dense<0xFF800000> : vector<1xf32>
    %reduce_max3A_534 = vector.multi_reduction <maximumf>, %select_n3A_532, %reduce_max3A_533 [1] : vector<1x1024xf32> to vector<1xf32>
    %broadcast_in_dim3A_535 = vector.shape_cast %reduce_max3A_534 : vector<1xf32> to vector<1x1xf32>
    %eq3A_536 = vector.broadcast %broadcast_in_dim3A_535 : vector<1x1xf32> to vector<1x1024xf32>
    %eq3A_537 = arith.cmpf oeq, %select_n3A_532, %eq3A_536 : vector<1x1024xf32>
    %jit3A_538 = arith.constant 1024 : i32
    %broadcast_in_dim3A_539 = vector.broadcast %jit3A_538 : i32 to vector<1x1024xi32>
    %select_n3A_540 = arith.select %eq3A_537, %iota3A_481, %broadcast_in_dim3A_539 : vector<1x1024xi1>, vector<1x1024xi32>
    %reduce_min3A_541 = arith.constant dense<2147483647> : vector<1xi32>
    %reduce_min3A_542 = vector.multi_reduction <minsi>, %select_n3A_540, %reduce_min3A_541 [1] : vector<1x1024xi32> to vector<1xi32>
    %broadcast_in_dim3A_543 = vector.shape_cast %reduce_min3A_542 : vector<1xi32> to vector<1x1xi32>
    %eq3A_544 = arith.constant 2 : i32
    %eq3A_545 = vector.broadcast %eq3A_544 : i32 to vector<1x5xi32>
    %eq3A_546 = arith.cmpi eq, %iota3A_482, %eq3A_545 : vector<1x5xi32>
    %jit3A_547 = arith.constant 0 : i32
    %broadcast_in_dim3A_548 = vector.shape_cast %broadcast_in_dim3A_543 : vector<1x1xi32> to vector<1x1xi32>
    %broadcast_in_dim3A_549 = vector.broadcast %broadcast_in_dim3A_548 : vector<1x1xi32> to vector<1x5xi32>
    %broadcast_in_dim3A_550 = vector.broadcast %jit3A_547 : i32 to vector<1x5xi32>
    %select_n3A_551 = arith.select %eq3A_546, %broadcast_in_dim3A_549, %broadcast_in_dim3A_550 : vector<1x5xi1>, vector<1x5xi32>
    %add3A_552 = arith.addi %add3A_527, %select_n3A_551 : vector<1x5xi32>
    %eq3A_553 = vector.broadcast %broadcast_in_dim3A_543 : vector<1x1xi32> to vector<1x1024xi32>
    %eq3A_554 = arith.cmpi eq, %iota3A_481, %eq3A_553 : vector<1x1024xi32>
    %jit3A_555 = arith.constant 0xFF800000 : f32
    %broadcast_in_dim3A_556 = vector.broadcast %jit3A_555 : f32 to vector<1x1024xf32>
    %select_n3A_557 = arith.select %eq3A_554, %broadcast_in_dim3A_556, %select_n3A_532 : vector<1x1024xi1>, vector<1x1024xf32>
    %reduce_max3A_558 = arith.constant dense<0xFF800000> : vector<1xf32>
    %reduce_max3A_559 = vector.multi_reduction <maximumf>, %select_n3A_557, %reduce_max3A_558 [1] : vector<1x1024xf32> to vector<1xf32>
    %broadcast_in_dim3A_560 = vector.shape_cast %reduce_max3A_559 : vector<1xf32> to vector<1x1xf32>
    %eq3A_561 = vector.broadcast %broadcast_in_dim3A_560 : vector<1x1xf32> to vector<1x1024xf32>
    %eq3A_562 = arith.cmpf oeq, %select_n3A_557, %eq3A_561 : vector<1x1024xf32>
    %jit3A_563 = arith.constant 1024 : i32
    %broadcast_in_dim3A_564 = vector.broadcast %jit3A_563 : i32 to vector<1x1024xi32>
    %select_n3A_565 = arith.select %eq3A_562, %iota3A_481, %broadcast_in_dim3A_564 : vector<1x1024xi1>, vector<1x1024xi32>
    %reduce_min3A_566 = arith.constant dense<2147483647> : vector<1xi32>
    %reduce_min3A_567 = vector.multi_reduction <minsi>, %select_n3A_565, %reduce_min3A_566 [1] : vector<1x1024xi32> to vector<1xi32>
    %broadcast_in_dim3A_568 = vector.shape_cast %reduce_min3A_567 : vector<1xi32> to vector<1x1xi32>
    %eq3A_569 = arith.constant 3 : i32
    %eq3A_570 = vector.broadcast %eq3A_569 : i32 to vector<1x5xi32>
    %eq3A_571 = arith.cmpi eq, %iota3A_482, %eq3A_570 : vector<1x5xi32>
    %jit3A_572 = arith.constant 0 : i32
    %broadcast_in_dim3A_573 = vector.shape_cast %broadcast_in_dim3A_568 : vector<1x1xi32> to vector<1x1xi32>
    %broadcast_in_dim3A_574 = vector.broadcast %broadcast_in_dim3A_573 : vector<1x1xi32> to vector<1x5xi32>
    %broadcast_in_dim3A_575 = vector.broadcast %jit3A_572 : i32 to vector<1x5xi32>
    %select_n3A_576 = arith.select %eq3A_571, %broadcast_in_dim3A_574, %broadcast_in_dim3A_575 : vector<1x5xi1>, vector<1x5xi32>
    %add3A_577 = arith.addi %add3A_552, %select_n3A_576 : vector<1x5xi32>
    %eq3A_578 = vector.broadcast %broadcast_in_dim3A_568 : vector<1x1xi32> to vector<1x1024xi32>
    %eq3A_579 = arith.cmpi eq, %iota3A_481, %eq3A_578 : vector<1x1024xi32>
    %jit3A_580 = arith.constant 0xFF800000 : f32
    %broadcast_in_dim3A_581 = vector.broadcast %jit3A_580 : f32 to vector<1x1024xf32>
    %select_n3A_582 = arith.select %eq3A_579, %broadcast_in_dim3A_581, %select_n3A_557 : vector<1x1024xi1>, vector<1x1024xf32>
    %reduce_max3A_583 = arith.constant dense<0xFF800000> : vector<1xf32>
    %reduce_max3A_584 = vector.multi_reduction <maximumf>, %select_n3A_582, %reduce_max3A_583 [1] : vector<1x1024xf32> to vector<1xf32>
    %broadcast_in_dim3A_585 = vector.shape_cast %reduce_max3A_584 : vector<1xf32> to vector<1x1xf32>
    %eq3A_586 = vector.broadcast %broadcast_in_dim3A_585 : vector<1x1xf32> to vector<1x1024xf32>
    %eq3A_587 = arith.cmpf oeq, %select_n3A_582, %eq3A_586 : vector<1x1024xf32>
    %jit3A_588 = arith.constant 1024 : i32
    %broadcast_in_dim3A_589 = vector.broadcast %jit3A_588 : i32 to vector<1x1024xi32>
    %select_n3A_590 = arith.select %eq3A_587, %iota3A_481, %broadcast_in_dim3A_589 : vector<1x1024xi1>, vector<1x1024xi32>
    %reduce_min3A_591 = arith.constant dense<2147483647> : vector<1xi32>
    %reduce_min3A_592 = vector.multi_reduction <minsi>, %select_n3A_590, %reduce_min3A_591 [1] : vector<1x1024xi32> to vector<1xi32>
    %broadcast_in_dim3A_593 = vector.shape_cast %reduce_min3A_592 : vector<1xi32> to vector<1x1xi32>
    %eq3A_594 = arith.constant 4 : i32
    %eq3A_595 = vector.broadcast %eq3A_594 : i32 to vector<1x5xi32>
    %eq3A_596 = arith.cmpi eq, %iota3A_482, %eq3A_595 : vector<1x5xi32>
    %jit3A_597 = arith.constant 0 : i32
    %broadcast_in_dim3A_598 = vector.shape_cast %broadcast_in_dim3A_593 : vector<1x1xi32> to vector<1x1xi32>
    %broadcast_in_dim3A_599 = vector.broadcast %broadcast_in_dim3A_598 : vector<1x1xi32> to vector<1x5xi32>
    %broadcast_in_dim3A_600 = vector.broadcast %jit3A_597 : i32 to vector<1x5xi32>
    %select_n3A_601 = arith.select %eq3A_596, %broadcast_in_dim3A_599, %broadcast_in_dim3A_600 : vector<1x5xi1>, vector<1x5xi32>
    %add3A_602 = arith.addi %add3A_577, %select_n3A_601 : vector<1x5xi32>
    %swap3A_603 = arith.constant 0 : index
    %swap3A_604 = arith.constant 0 : index
    %swap3A_605 = arith.constant 0 : index
    %swap3A_606 = vector.load %arg18[%swap3A_603, %swap3A_604, %swap3A_605] : memref<1x1x5xi32, #tpu.memory_space<vmem>>, vector<1x1x5xi32>
    %swap3A_607 = vector.shape_cast %swap3A_606 : vector<1x1x5xi32> to vector<1x5xi32>
    %swap3A_608 = vector.shape_cast %add3A_602 : vector<1x5xi32> to vector<1x1x5xi32>
    tpu.vector_store %arg18[%swap3A_603, %swap3A_604, %swap3A_605], %swap3A_608 {strides = array<i32>} : memref<1x1x5xi32, #tpu.memory_space<vmem>>, vector<1x1x5xi32>,
    return
  }
  func.func @transform_0(%arg0: i32) -> (i32, i32, i32) {
    %c0_i32 = arith.constant 0 : i32
    %c0_i32_0 = arith.constant 0 : i32
    %c0_i32_1 = arith.constant 0 : i32
    return %arg0, %c0_i32, %c0_i32_0 : i32, i32, i32
  }
  func.func @transform_1(%arg0: i32) -> (i32, i32, i32) {
    %c0_i32 = arith.constant 0 : i32
    %c0_i32_0 = arith.constant 0 : i32
    %c0_i32_1 = arith.constant 0 : i32
    return %arg0, %c0_i32, %c0_i32_0 : i32, i32, i32
  }
  func.func @transform_2(%arg0: i32) -> (i32, i32, i32) {
    %c0_i32 = arith.constant 0 : i32
    %c0_i32_0 = arith.constant 0 : i32
    %c0_i32_1 = arith.constant 0 : i32
    return %arg0, %c0_i32, %c0_i32_0 : i32, i32, i32
  }
  func.func @transform_3(%arg0: i32) -> (i32, i32) {
    %c0_i32 = arith.constant 0 : i32
    %c0_i32_0 = arith.constant 0 : i32
    %c0_i32_1 = arith.constant 0 : i32
    return %c0_i32, %c0_i32_0 : i32, i32
  }
  func.func @transform_4(%arg0: i32) -> (i32, i32) {
    %c0_i32 = arith.constant 0 : i32
    %c0_i32_0 = arith.constant 0 : i32
    %c0_i32_1 = arith.constant 0 : i32
    return %c0_i32, %c0_i32_0 : i32, i32
  }
  func.func @transform_5(%arg0: i32) -> (i32, i32, i32, i32) {
    %c0_i32 = arith.constant 0 : i32
    %c0_i32_0 = arith.constant 0 : i32
    %c0_i32_1 = arith.constant 0 : i32
    %c0_i32_2 = arith.constant 0 : i32
    %c0_i32_3 = arith.constant 0 : i32
    return %c0_i32, %c0_i32_0, %c0_i32_1, %c0_i32_2 : i32, i32, i32, i32
  }
  func.func @transform_6(%arg0: i32) -> (i32, i32) {
    %c0_i32 = arith.constant 0 : i32
    %c0_i32_0 = arith.constant 0 : i32
    %c0_i32_1 = arith.constant 0 : i32
    return %c0_i32, %c0_i32_0 : i32, i32
  }
  func.func @transform_7(%arg0: i32) -> (i32, i32) {
    %c0_i32 = arith.constant 0 : i32
    %c0_i32_0 = arith.constant 0 : i32
    %c0_i32_1 = arith.constant 0 : i32
    return %c0_i32, %c0_i32_0 : i32, i32
  }
  func.func @transform_8(%arg0: i32) -> (i32, i32) {
    %c0_i32 = arith.constant 0 : i32
    %c0_i32_0 = arith.constant 0 : i32
    %c0_i32_1 = arith.constant 0 : i32
    return %c0_i32, %c0_i32_0 : i32, i32
  }
  func.func @transform_9(%arg0: i32) -> (i32, i32) {
    %c0_i32 = arith.constant 0 : i32
    %c0_i32_0 = arith.constant 0 : i32
    %c0_i32_1 = arith.constant 0 : i32
    return %c0_i32, %c0_i32_0 : i32, i32
  }
  func.func @transform_10(%arg0: i32) -> (i32, i32) {
    %c0_i32 = arith.constant 0 : i32
    %c0_i32_0 = arith.constant 0 : i32
    %c0_i32_1 = arith.constant 0 : i32
    return %c0_i32, %c0_i32_0 : i32, i32
  }
  func.func @transform_11(%arg0: i32) -> (i32, i32) {
    %c0_i32 = arith.constant 0 : i32
    %c0_i32_0 = arith.constant 0 : i32
    %c0_i32_1 = arith.constant 0 : i32
    return %c0_i32, %c0_i32_0 : i32, i32
  }
  func.func @transform_12(%arg0: i32) -> (i32, i32, i32, i32) {
    %c0_i32 = arith.constant 0 : i32
    %c0_i32_0 = arith.constant 0 : i32
    %c0_i32_1 = arith.constant 0 : i32
    %c0_i32_2 = arith.constant 0 : i32
    %c0_i32_3 = arith.constant 0 : i32
    return %c0_i32, %c0_i32_0, %c0_i32_1, %c0_i32_2 : i32, i32, i32, i32
  }
  func.func @transform_13(%arg0: i32) -> (i32, i32) {
    %c0_i32 = arith.constant 0 : i32
    %c0_i32_0 = arith.constant 0 : i32
    %c0_i32_1 = arith.constant 0 : i32
    return %c0_i32, %c0_i32_0 : i32, i32
  }
  func.func @transform_14(%arg0: i32) -> (i32, i32) {
    %c0_i32 = arith.constant 0 : i32
    %c0_i32_0 = arith.constant 0 : i32
    %c0_i32_1 = arith.constant 0 : i32
    return %c0_i32, %c0_i32_0 : i32, i32
  }
  func.func @transform_15(%arg0: i32) -> (i32, i32) {
    %c0_i32 = arith.constant 0 : i32
    %c0_i32_0 = arith.constant 0 : i32
    %c0_i32_1 = arith.constant 0 : i32
    return %c0_i32, %c0_i32_0 : i32, i32
  }
  func.func @transform_16(%arg0: i32) -> (i32, i32, i32) {
    %c0_i32 = arith.constant 0 : i32
    %c0_i32_0 = arith.constant 0 : i32
    %c0_i32_1 = arith.constant 0 : i32
    return %arg0, %c0_i32, %c0_i32_0 : i32, i32, i32
  }
  func.func @transform_17(%arg0: i32) -> (i32, i32, i32) {
    %c0_i32 = arith.constant 0 : i32
    %c0_i32_0 = arith.constant 0 : i32
    %c0_i32_1 = arith.constant 0 : i32
    return %arg0, %c0_i32, %c0_i32_0 : i32, i32, i32
  }
}

module attributes {stable_mosaic.version = 14 : i64} {
  func.func @_trunk_body(%arg0: i32, %arg1: memref<1x256x384xf32, #tpu.memory_space<vmem>>, %arg2: memref<1x256x384xf32, #tpu.memory_space<vmem>>, %arg3: memref<1x80x512xf32, #tpu.memory_space<vmem>>, %arg4: memref<384x192xf32, #tpu.memory_space<vmem>>, %arg5: memref<1x192xf32, #tpu.memory_space<vmem>>, %arg6: memref<3x3x192x384xf32, #tpu.memory_space<vmem>>, %arg7: memref<1x384xf32, #tpu.memory_space<vmem>>, %arg8: memref<384x128xf32, #tpu.memory_space<vmem>>, %arg9: memref<1x128xf32, #tpu.memory_space<vmem>>, %arg10: memref<512x128xf32, #tpu.memory_space<vmem>>, %arg11: memref<1x128xf32, #tpu.memory_space<vmem>>, %arg12: memref<1x1xf32, #tpu.memory_space<vmem>>, %arg13: memref<3x3x384x384xf32, #tpu.memory_space<vmem>>, %arg14: memref<1x384xf32, #tpu.memory_space<vmem>>, %arg15: memref<1536x768xf32, #tpu.memory_space<vmem>>, %arg16: memref<1x768xf32, #tpu.memory_space<vmem>>, %arg17: memref<1x256x768xf32, #tpu.memory_space<vmem>>, %arg18: memref<1x1x1xi32, #tpu.memory_space<vmem>>, %arg19: memref<290x192xf32, #tpu.memory_space<vmem>>, %arg20: memref<290x384xf32, #tpu.memory_space<vmem>>) attributes {dimension_semantics = [#tpu.dimension_semantics<arbitrary>], iteration_bounds = array<i64: 4>, scalar_prefetch = 0 : i64, scratch_operands = 2 : i64, tpu.core_type = #tpu.core_type<tc>, window_params = [{transform_indices = @transform_0, window_bounds = array<i64: 1, 256, 384>}, {transform_indices = @transform_1, window_bounds = array<i64: 1, 256, 384>}, {transform_indices = @transform_2, window_bounds = array<i64: 1, 80, 512>}, {pipeline_mode = #tpu.pipeline_mode<synchronous>, transform_indices = @transform_3, window_bounds = array<i64: 384, 192>}, {pipeline_mode = #tpu.pipeline_mode<synchronous>, transform_indices = @transform_4, window_bounds = array<i64: 1, 192>}, {pipeline_mode = #tpu.pipeline_mode<synchronous>, transform_indices = @transform_5, window_bounds = array<i64: 3, 3, 192, 384>}, {pipeline_mode = #tpu.pipeline_mode<synchronous>, transform_indices = @transform_6, window_bounds = array<i64: 1, 384>}, {pipeline_mode = #tpu.pipeline_mode<synchronous>, transform_indices = @transform_7, window_bounds = array<i64: 384, 128>}, {pipeline_mode = #tpu.pipeline_mode<synchronous>, transform_indices = @transform_8, window_bounds = array<i64: 1, 128>}, {pipeline_mode = #tpu.pipeline_mode<synchronous>, transform_indices = @transform_9, window_bounds = array<i64: 512, 128>}, {pipeline_mode = #tpu.pipeline_mode<synchronous>, transform_indices = @transform_10, window_bounds = array<i64: 1, 128>}, {pipeline_mode = #tpu.pipeline_mode<synchronous>, transform_indices = @transform_11, window_bounds = array<i64: 1, 1>}, {pipeline_mode = #tpu.pipeline_mode<synchronous>, transform_indices = @transform_12, window_bounds = array<i64: 3, 3, 384, 384>}, {pipeline_mode = #tpu.pipeline_mode<synchronous>, transform_indices = @transform_13, window_bounds = array<i64: 1, 384>}, {pipeline_mode = #tpu.pipeline_mode<synchronous>, transform_indices = @transform_14, window_bounds = array<i64: 1536, 768>}, {pipeline_mode = #tpu.pipeline_mode<synchronous>, transform_indices = @transform_15, window_bounds = array<i64: 1, 768>}, {transform_indices = @transform_16, window_bounds = array<i64: 1, 256, 768>}, {transform_indices = @transform_17, window_bounds = array<i64: 1, 1, 1>}]} {
    %get3A = arith.constant 0 : index
    %get3A_0 = arith.constant 0 : index
    %get3A_1 = arith.constant 0 : index
    %get3A_2 = vector.load %arg1[%get3A, %get3A_0, %get3A_1] : memref<1x256x384xf32, #tpu.memory_space<vmem>>, vector<1x256x384xf32>
    %get3A_3 = vector.shape_cast %get3A_2 : vector<1x256x384xf32> to vector<256x384xf32>
    %get3A_4 = arith.constant 0 : index
    %get3A_5 = arith.constant 0 : index
    %get3A_6 = arith.constant 0 : index
    %get3A_7 = vector.load %arg2[%get3A_4, %get3A_5, %get3A_6] : memref<1x256x384xf32, #tpu.memory_space<vmem>>, vector<1x256x384xf32>
    %get3A_8 = vector.shape_cast %get3A_7 : vector<1x256x384xf32> to vector<256x384xf32>
    %get3A_9 = arith.constant 0 : index
    %get3A_10 = arith.constant 0 : index
    %get3A_11 = vector.load %arg4[%get3A_9, %get3A_10] : memref<384x192xf32, #tpu.memory_space<vmem>>, vector<384x192xf32>
    %dot_general3A = arith.constant dense<0.000000e+00> : vector<256x192xf32>
    %dot_general3A_12 = tpu.matmul %get3A_8, %get3A_11, %dot_general3A {dimension_numbers = #tpu.dot_dimension_numbers<[1], [0], [0], [1], [0, 0, 1, 1], [], []>, transpose_lhs_hint = false} : vector<256x384xf32>, vector<384x192xf32>, vector<256x192xf32> -> vector<256x192xf32>
    %get3A_13 = arith.constant 0 : index
    %get3A_14 = arith.constant 0 : index
    %get3A_15 = vector.load %arg5[%get3A_13, %get3A_14] : memref<1x192xf32, #tpu.memory_space<vmem>>, vector<1x192xf32>
    %add3A = vector.broadcast %get3A_15 : vector<1x192xf32> to vector<256x192xf32>
    %add3A_16 = arith.addf %dot_general3A_12, %add3A : vector<256x192xf32>
    %logistic3A = arith.negf %add3A_16 : vector<256x192xf32>
    %logistic3A_17 = math.exp %logistic3A : vector<256x192xf32>
    %logistic3A_18 = arith.constant 1.000000e+00 : f32
    %logistic3A_19 = vector.broadcast %logistic3A_18 : f32 to vector<256x192xf32>
    %logistic3A_20 = arith.addf %logistic3A_19, %logistic3A_17 : vector<256x192xf32>
    %logistic3A_21 = arith.divf %logistic3A_19, %logistic3A_20 : vector<256x192xf32>
    %mul3A = arith.mulf %add3A_16, %logistic3A_21 : vector<256x192xf32>
    %broadcast_in_dim3A = arith.constant 0.000000e+00 : f32
    %broadcast_in_dim3A_22 = vector.broadcast %broadcast_in_dim3A : f32 to vector<17x192xf32>
    %swap3A = arith.constant 0 : index
    %swap3A_23 = arith.constant 0 : index
    %swap3A_24 = vector.load %arg19[%swap3A, %swap3A_23] : memref<290x192xf32, #tpu.memory_space<vmem>>, vector<17x192xf32>
    tpu.vector_store %arg19[%swap3A, %swap3A_23], %broadcast_in_dim3A_22 {strides = array<i32>} : memref<290x192xf32, #tpu.memory_space<vmem>>, vector<17x192xf32>,
    %swap3A_25 = arith.constant 17 : index
    %swap3A_26 = arith.constant 0 : index
    %swap3A_27 = vector.load %arg19[%swap3A_25, %swap3A_26] : memref<290x192xf32, #tpu.memory_space<vmem>>, vector<256x192xf32>
    tpu.vector_store %arg19[%swap3A_25, %swap3A_26], %mul3A {strides = array<i32>} : memref<290x192xf32, #tpu.memory_space<vmem>>, vector<256x192xf32>,
    %broadcast_in_dim3A_28 = arith.constant 0.000000e+00 : f32
    %broadcast_in_dim3A_29 = vector.broadcast %broadcast_in_dim3A_28 : f32 to vector<17x192xf32>
    %swap3A_30 = arith.constant 273 : index
    %swap3A_31 = arith.constant 0 : index
    %swap3A_32 = vector.load %arg19[%swap3A_30, %swap3A_31] : memref<290x192xf32, #tpu.memory_space<vmem>>, vector<17x192xf32>
    tpu.vector_store %arg19[%swap3A_30, %swap3A_31], %broadcast_in_dim3A_29 {strides = array<i32>} : memref<290x192xf32, #tpu.memory_space<vmem>>, vector<17x192xf32>,
    %iota3A = tpu.iota {dimensions = array<i32: 0>} : vector<256x1xi32>
    %and3A = arith.constant 15 : i32
    %and3A_33 = vector.broadcast %and3A : i32 to vector<256x1xi32>
    %and3A_34 = arith.andi %iota3A, %and3A_33 : vector<256x1xi32>
    %broadcast_in_dim3A_35 = arith.constant 0.000000e+00 : f32
    %broadcast_in_dim3A_36 = vector.broadcast %broadcast_in_dim3A_35 : f32 to vector<256x384xf32>
    %get3A_37 = arith.constant 0 : index
    %get3A_38 = arith.constant 0 : index
    %get3A_39 = vector.load %arg19[%get3A_37, %get3A_38] : memref<290x192xf32, #tpu.memory_space<vmem>>, vector<256x192xf32>
    %ne3A = arith.constant 0 : i32
    %ne3A_40 = vector.broadcast %ne3A : i32 to vector<256x1xi32>
    %ne3A_41 = arith.cmpi ne, %and3A_34, %ne3A_40 : vector<256x1xi32>
    %jit3A = arith.constant 0.000000e+00 : f32
    %broadcast_in_dim3A_42 = vector.shape_cast %ne3A_41 : vector<256x1xi1> to vector<256x1xi1>
    %broadcast_in_dim3A_43 = vector.broadcast %broadcast_in_dim3A_42 : vector<256x1xi1> to vector<256x192xi1>
    %broadcast_in_dim3A_44 = vector.broadcast %jit3A : f32 to vector<256x192xf32>
    %select_n3A = arith.select %broadcast_in_dim3A_43, %get3A_39, %broadcast_in_dim3A_44 : vector<256x192xi1>, vector<256x192xf32>
    %get3A_45 = arith.constant 0 : index
    %get3A_46 = arith.constant 0 : index
    %get3A_47 = arith.constant 0 : index
    %get3A_48 = arith.constant 0 : index
    %get3A_49 = vector.load %arg6[%get3A_45, %get3A_46, %get3A_47, %get3A_48] : memref<3x3x192x384xf32, #tpu.memory_space<vmem>>, vector<1x1x192x384xf32>
    %get3A_50 = vector.shape_cast %get3A_49 : vector<1x1x192x384xf32> to vector<192x384xf32>
    %dot_general3A_51 = arith.constant dense<0.000000e+00> : vector<256x384xf32>
    %dot_general3A_52 = tpu.matmul %select_n3A, %get3A_50, %dot_general3A_51 {dimension_numbers = #tpu.dot_dimension_numbers<[1], [0], [0], [1], [0, 0, 1, 1], [], []>, transpose_lhs_hint = false} : vector<256x192xf32>, vector<192x384xf32>, vector<256x384xf32> -> vector<256x384xf32>
    %add3A_53 = arith.addf %broadcast_in_dim3A_36, %dot_general3A_52 : vector<256x384xf32>
    %get3A_54 = arith.constant 1 : index
    %get3A_55 = arith.constant 0 : index
    %get3A_56 = vector.load %arg19[%get3A_54, %get3A_55] : memref<290x192xf32, #tpu.memory_space<vmem>>, vector<256x192xf32>
    %get3A_57 = arith.constant 0 : index
    %get3A_58 = arith.constant 1 : index
    %get3A_59 = arith.constant 0 : index
    %get3A_60 = arith.constant 0 : index
    %get3A_61 = vector.load %arg6[%get3A_57, %get3A_58, %get3A_59, %get3A_60] : memref<3x3x192x384xf32, #tpu.memory_space<vmem>>, vector<1x1x192x384xf32>
    %get3A_62 = vector.shape_cast %get3A_61 : vector<1x1x192x384xf32> to vector<192x384xf32>
    %dot_general3A_63 = arith.constant dense<0.000000e+00> : vector<256x384xf32>
    %dot_general3A_64 = tpu.matmul %get3A_56, %get3A_62, %dot_general3A_63 {dimension_numbers = #tpu.dot_dimension_numbers<[1], [0], [0], [1], [0, 0, 1, 1], [], []>, transpose_lhs_hint = false} : vector<256x192xf32>, vector<192x384xf32>, vector<256x384xf32> -> vector<256x384xf32>
    %add3A_65 = arith.addf %add3A_53, %dot_general3A_64 : vector<256x384xf32>
    %get3A_66 = arith.constant 2 : index
    %get3A_67 = arith.constant 0 : index
    %get3A_68 = vector.load %arg19[%get3A_66, %get3A_67] : memref<290x192xf32, #tpu.memory_space<vmem>>, vector<256x192xf32>
    %ne3A_69 = arith.constant 15 : i32
    %ne3A_70 = vector.broadcast %ne3A_69 : i32 to vector<256x1xi32>
    %ne3A_71 = arith.cmpi ne, %and3A_34, %ne3A_70 : vector<256x1xi32>
    %jit3A_72 = arith.constant 0.000000e+00 : f32
    %broadcast_in_dim3A_73 = vector.shape_cast %ne3A_71 : vector<256x1xi1> to vector<256x1xi1>
    %broadcast_in_dim3A_74 = vector.broadcast %broadcast_in_dim3A_73 : vector<256x1xi1> to vector<256x192xi1>
    %broadcast_in_dim3A_75 = vector.broadcast %jit3A_72 : f32 to vector<256x192xf32>
    %select_n3A_76 = arith.select %broadcast_in_dim3A_74, %get3A_68, %broadcast_in_dim3A_75 : vector<256x192xi1>, vector<256x192xf32>
    %get3A_77 = arith.constant 0 : index
    %get3A_78 = arith.constant 2 : index
    %get3A_79 = arith.constant 0 : index
    %get3A_80 = arith.constant 0 : index
    %get3A_81 = vector.load %arg6[%get3A_77, %get3A_78, %get3A_79, %get3A_80] : memref<3x3x192x384xf32, #tpu.memory_space<vmem>>, vector<1x1x192x384xf32>
    %get3A_82 = vector.shape_cast %get3A_81 : vector<1x1x192x384xf32> to vector<192x384xf32>
    %dot_general3A_83 = arith.constant dense<0.000000e+00> : vector<256x384xf32>
    %dot_general3A_84 = tpu.matmul %select_n3A_76, %get3A_82, %dot_general3A_83 {dimension_numbers = #tpu.dot_dimension_numbers<[1], [0], [0], [1], [0, 0, 1, 1], [], []>, transpose_lhs_hint = false} : vector<256x192xf32>, vector<192x384xf32>, vector<256x384xf32> -> vector<256x384xf32>
    %add3A_85 = arith.addf %add3A_65, %dot_general3A_84 : vector<256x384xf32>
    %get3A_86 = arith.constant 16 : index
    %get3A_87 = arith.constant 0 : index
    %get3A_88 = vector.load %arg19[%get3A_86, %get3A_87] : memref<290x192xf32, #tpu.memory_space<vmem>>, vector<256x192xf32>
    %ne3A_89 = arith.constant 0 : i32
    %ne3A_90 = vector.broadcast %ne3A_89 : i32 to vector<256x1xi32>
    %ne3A_91 = arith.cmpi ne, %and3A_34, %ne3A_90 : vector<256x1xi32>
    %jit3A_92 = arith.constant 0.000000e+00 : f32
    %broadcast_in_dim3A_93 = vector.shape_cast %ne3A_91 : vector<256x1xi1> to vector<256x1xi1>
    %broadcast_in_dim3A_94 = vector.broadcast %broadcast_in_dim3A_93 : vector<256x1xi1> to vector<256x192xi1>
    %broadcast_in_dim3A_95 = vector.broadcast %jit3A_92 : f32 to vector<256x192xf32>
    %select_n3A_96 = arith.select %broadcast_in_dim3A_94, %get3A_88, %broadcast_in_dim3A_95 : vector<256x192xi1>, vector<256x192xf32>
    %get3A_97 = arith.constant 1 : index
    %get3A_98 = arith.constant 0 : index
    %get3A_99 = arith.constant 0 : index
    %get3A_100 = arith.constant 0 : index
    %get3A_101 = vector.load %arg6[%get3A_97, %get3A_98, %get3A_99, %get3A_100] : memref<3x3x192x384xf32, #tpu.memory_space<vmem>>, vector<1x1x192x384xf32>
    %get3A_102 = vector.shape_cast %get3A_101 : vector<1x1x192x384xf32> to vector<192x384xf32>
    %dot_general3A_103 = arith.constant dense<0.000000e+00> : vector<256x384xf32>
    %dot_general3A_104 = tpu.matmul %select_n3A_96, %get3A_102, %dot_general3A_103 {dimension_numbers = #tpu.dot_dimension_numbers<[1], [0], [0], [1], [0, 0, 1, 1], [], []>, transpose_lhs_hint = false} : vector<256x192xf32>, vector<192x384xf32>, vector<256x384xf32> -> vector<256x384xf32>
    %add3A_105 = arith.addf %add3A_85, %dot_general3A_104 : vector<256x384xf32>
    %get3A_106 = arith.constant 17 : index
    %get3A_107 = arith.constant 0 : index
    %get3A_108 = vector.load %arg19[%get3A_106, %get3A_107] : memref<290x192xf32, #tpu.memory_space<vmem>>, vector<256x192xf32>
    %get3A_109 = arith.constant 1 : index
    %get3A_110 = arith.constant 1 : index
    %get3A_111 = arith.constant 0 : index
    %get3A_112 = arith.constant 0 : index
    %get3A_113 = vector.load %arg6[%get3A_109, %get3A_110, %get3A_111, %get3A_112] : memref<3x3x192x384xf32, #tpu.memory_space<vmem>>, vector<1x1x192x384xf32>
    %get3A_114 = vector.shape_cast %get3A_113 : vector<1x1x192x384xf32> to vector<192x384xf32>
    %dot_general3A_115 = arith.constant dense<0.000000e+00> : vector<256x384xf32>
    %dot_general3A_116 = tpu.matmul %get3A_108, %get3A_114, %dot_general3A_115 {dimension_numbers = #tpu.dot_dimension_numbers<[1], [0], [0], [1], [0, 0, 1, 1], [], []>, transpose_lhs_hint = false} : vector<256x192xf32>, vector<192x384xf32>, vector<256x384xf32> -> vector<256x384xf32>
    %add3A_117 = arith.addf %add3A_105, %dot_general3A_116 : vector<256x384xf32>
    %get3A_118 = arith.constant 18 : index
    %get3A_119 = arith.constant 0 : index
    %get3A_120 = vector.load %arg19[%get3A_118, %get3A_119] : memref<290x192xf32, #tpu.memory_space<vmem>>, vector<256x192xf32>
    %ne3A_121 = arith.constant 15 : i32
    %ne3A_122 = vector.broadcast %ne3A_121 : i32 to vector<256x1xi32>
    %ne3A_123 = arith.cmpi ne, %and3A_34, %ne3A_122 : vector<256x1xi32>
    %jit3A_124 = arith.constant 0.000000e+00 : f32
    %broadcast_in_dim3A_125 = vector.shape_cast %ne3A_123 : vector<256x1xi1> to vector<256x1xi1>
    %broadcast_in_dim3A_126 = vector.broadcast %broadcast_in_dim3A_125 : vector<256x1xi1> to vector<256x192xi1>
    %broadcast_in_dim3A_127 = vector.broadcast %jit3A_124 : f32 to vector<256x192xf32>
    %select_n3A_128 = arith.select %broadcast_in_dim3A_126, %get3A_120, %broadcast_in_dim3A_127 : vector<256x192xi1>, vector<256x192xf32>
    %get3A_129 = arith.constant 1 : index
    %get3A_130 = arith.constant 2 : index
    %get3A_131 = arith.constant 0 : index
    %get3A_132 = arith.constant 0 : index
    %get3A_133 = vector.load %arg6[%get3A_129, %get3A_130, %get3A_131, %get3A_132] : memref<3x3x192x384xf32, #tpu.memory_space<vmem>>, vector<1x1x192x384xf32>
    %get3A_134 = vector.shape_cast %get3A_133 : vector<1x1x192x384xf32> to vector<192x384xf32>
    %dot_general3A_135 = arith.constant dense<0.000000e+00> : vector<256x384xf32>
    %dot_general3A_136 = tpu.matmul %select_n3A_128, %get3A_134, %dot_general3A_135 {dimension_numbers = #tpu.dot_dimension_numbers<[1], [0], [0], [1], [0, 0, 1, 1], [], []>, transpose_lhs_hint = false} : vector<256x192xf32>, vector<192x384xf32>, vector<256x384xf32> -> vector<256x384xf32>
    %add3A_137 = arith.addf %add3A_117, %dot_general3A_136 : vector<256x384xf32>
    %get3A_138 = arith.constant 32 : index
    %get3A_139 = arith.constant 0 : index
    %get3A_140 = vector.load %arg19[%get3A_138, %get3A_139] : memref<290x192xf32, #tpu.memory_space<vmem>>, vector<256x192xf32>
    %ne3A_141 = arith.constant 0 : i32
    %ne3A_142 = vector.broadcast %ne3A_141 : i32 to vector<256x1xi32>
    %ne3A_143 = arith.cmpi ne, %and3A_34, %ne3A_142 : vector<256x1xi32>
    %jit3A_144 = arith.constant 0.000000e+00 : f32
    %broadcast_in_dim3A_145 = vector.shape_cast %ne3A_143 : vector<256x1xi1> to vector<256x1xi1>
    %broadcast_in_dim3A_146 = vector.broadcast %broadcast_in_dim3A_145 : vector<256x1xi1> to vector<256x192xi1>
    %broadcast_in_dim3A_147 = vector.broadcast %jit3A_144 : f32 to vector<256x192xf32>
    %select_n3A_148 = arith.select %broadcast_in_dim3A_146, %get3A_140, %broadcast_in_dim3A_147 : vector<256x192xi1>, vector<256x192xf32>
    %get3A_149 = arith.constant 2 : index
    %get3A_150 = arith.constant 0 : index
    %get3A_151 = arith.constant 0 : index
    %get3A_152 = arith.constant 0 : index
    %get3A_153 = vector.load %arg6[%get3A_149, %get3A_150, %get3A_151, %get3A_152] : memref<3x3x192x384xf32, #tpu.memory_space<vmem>>, vector<1x1x192x384xf32>
    %get3A_154 = vector.shape_cast %get3A_153 : vector<1x1x192x384xf32> to vector<192x384xf32>
    %dot_general3A_155 = arith.constant dense<0.000000e+00> : vector<256x384xf32>
    %dot_general3A_156 = tpu.matmul %select_n3A_148, %get3A_154, %dot_general3A_155 {dimension_numbers = #tpu.dot_dimension_numbers<[1], [0], [0], [1], [0, 0, 1, 1], [], []>, transpose_lhs_hint = false} : vector<256x192xf32>, vector<192x384xf32>, vector<256x384xf32> -> vector<256x384xf32>
    %add3A_157 = arith.addf %add3A_137, %dot_general3A_156 : vector<256x384xf32>
    %get3A_158 = arith.constant 33 : index
    %get3A_159 = arith.constant 0 : index
    %get3A_160 = vector.load %arg19[%get3A_158, %get3A_159] : memref<290x192xf32, #tpu.memory_space<vmem>>, vector<256x192xf32>
    %get3A_161 = arith.constant 2 : index
    %get3A_162 = arith.constant 1 : index
    %get3A_163 = arith.constant 0 : index
    %get3A_164 = arith.constant 0 : index
    %get3A_165 = vector.load %arg6[%get3A_161, %get3A_162, %get3A_163, %get3A_164] : memref<3x3x192x384xf32, #tpu.memory_space<vmem>>, vector<1x1x192x384xf32>
    %get3A_166 = vector.shape_cast %get3A_165 : vector<1x1x192x384xf32> to vector<192x384xf32>
    %dot_general3A_167 = arith.constant dense<0.000000e+00> : vector<256x384xf32>
    %dot_general3A_168 = tpu.matmul %get3A_160, %get3A_166, %dot_general3A_167 {dimension_numbers = #tpu.dot_dimension_numbers<[1], [0], [0], [1], [0, 0, 1, 1], [], []>, transpose_lhs_hint = false} : vector<256x192xf32>, vector<192x384xf32>, vector<256x384xf32> -> vector<256x384xf32>
    %add3A_169 = arith.addf %add3A_157, %dot_general3A_168 : vector<256x384xf32>
    %get3A_170 = arith.constant 34 : index
    %get3A_171 = arith.constant 0 : index
    %get3A_172 = vector.load %arg19[%get3A_170, %get3A_171] : memref<290x192xf32, #tpu.memory_space<vmem>>, vector<256x192xf32>
    %ne3A_173 = arith.constant 15 : i32
    %ne3A_174 = vector.broadcast %ne3A_173 : i32 to vector<256x1xi32>
    %ne3A_175 = arith.cmpi ne, %and3A_34, %ne3A_174 : vector<256x1xi32>
    %jit3A_176 = arith.constant 0.000000e+00 : f32
    %broadcast_in_dim3A_177 = vector.shape_cast %ne3A_175 : vector<256x1xi1> to vector<256x1xi1>
    %broadcast_in_dim3A_178 = vector.broadcast %broadcast_in_dim3A_177 : vector<256x1xi1> to vector<256x192xi1>
    %broadcast_in_dim3A_179 = vector.broadcast %jit3A_176 : f32 to vector<256x192xf32>
    %select_n3A_180 = arith.select %broadcast_in_dim3A_178, %get3A_172, %broadcast_in_dim3A_179 : vector<256x192xi1>, vector<256x192xf32>
    %get3A_181 = arith.constant 2 : index
    %get3A_182 = arith.constant 2 : index
    %get3A_183 = arith.constant 0 : index
    %get3A_184 = arith.constant 0 : index
    %get3A_185 = vector.load %arg6[%get3A_181, %get3A_182, %get3A_183, %get3A_184] : memref<3x3x192x384xf32, #tpu.memory_space<vmem>>, vector<1x1x192x384xf32>
    %get3A_186 = vector.shape_cast %get3A_185 : vector<1x1x192x384xf32> to vector<192x384xf32>
    %dot_general3A_187 = arith.constant dense<0.000000e+00> : vector<256x384xf32>
    %dot_general3A_188 = tpu.matmul %select_n3A_180, %get3A_186, %dot_general3A_187 {dimension_numbers = #tpu.dot_dimension_numbers<[1], [0], [0], [1], [0, 0, 1, 1], [], []>, transpose_lhs_hint = false} : vector<256x192xf32>, vector<192x384xf32>, vector<256x384xf32> -> vector<256x384xf32>
    %add3A_189 = arith.addf %add3A_169, %dot_general3A_188 : vector<256x384xf32>
    %get3A_190 = arith.constant 0 : index
    %get3A_191 = arith.constant 0 : index
    %get3A_192 = vector.load %arg7[%get3A_190, %get3A_191] : memref<1x384xf32, #tpu.memory_space<vmem>>, vector<1x384xf32>
    %add3A_193 = vector.broadcast %get3A_192 : vector<1x384xf32> to vector<256x384xf32>
    %add3A_194 = arith.addf %add3A_189, %add3A_193 : vector<256x384xf32>
    %logistic3A_195 = arith.negf %add3A_194 : vector<256x384xf32>
    %logistic3A_196 = math.exp %logistic3A_195 : vector<256x384xf32>
    %logistic3A_197 = arith.constant 1.000000e+00 : f32
    %logistic3A_198 = vector.broadcast %logistic3A_197 : f32 to vector<256x384xf32>
    %logistic3A_199 = arith.addf %logistic3A_198, %logistic3A_196 : vector<256x384xf32>
    %logistic3A_200 = arith.divf %logistic3A_198, %logistic3A_199 : vector<256x384xf32>
    %mul3A_201 = arith.mulf %add3A_194, %logistic3A_200 : vector<256x384xf32>
    %add3A_202 = arith.addf %get3A_8, %mul3A_201 : vector<256x384xf32>
    %get3A_203 = arith.constant 0 : index
    %get3A_204 = arith.constant 0 : index
    %get3A_205 = vector.load %arg8[%get3A_203, %get3A_204] : memref<384x128xf32, #tpu.memory_space<vmem>>, vector<384x128xf32>
    %dot_general3A_206 = arith.constant dense<0.000000e+00> : vector<256x128xf32>
    %dot_general3A_207 = tpu.matmul %add3A_202, %get3A_205, %dot_general3A_206 {dimension_numbers = #tpu.dot_dimension_numbers<[1], [0], [0], [1], [0, 0, 1, 1], [], []>, transpose_lhs_hint = false} : vector<256x384xf32>, vector<384x128xf32>, vector<256x128xf32> -> vector<256x128xf32>
    %get3A_208 = arith.constant 0 : index
    %get3A_209 = arith.constant 0 : index
    %get3A_210 = vector.load %arg9[%get3A_208, %get3A_209] : memref<1x128xf32, #tpu.memory_space<vmem>>, vector<1x128xf32>
    %add3A_211 = vector.broadcast %get3A_210 : vector<1x128xf32> to vector<256x128xf32>
    %add3A_212 = arith.addf %dot_general3A_207, %add3A_211 : vector<256x128xf32>
    %get3A_213 = arith.constant 0 : index
    %get3A_214 = arith.constant 0 : index
    %get3A_215 = arith.constant 0 : index
    %get3A_216 = vector.load %arg3[%get3A_213, %get3A_214, %get3A_215] : memref<1x80x512xf32, #tpu.memory_space<vmem>>, vector<1x80x512xf32>
    %get3A_217 = vector.shape_cast %get3A_216 : vector<1x80x512xf32> to vector<80x512xf32>
    %get3A_218 = arith.constant 0 : index
    %get3A_219 = arith.constant 0 : index
    %get3A_220 = vector.load %arg10[%get3A_218, %get3A_219] : memref<512x128xf32, #tpu.memory_space<vmem>>, vector<512x128xf32>
    %dot_general3A_221 = arith.constant dense<0.000000e+00> : vector<80x128xf32>
    %dot_general3A_222 = tpu.matmul %get3A_217, %get3A_220, %dot_general3A_221 {dimension_numbers = #tpu.dot_dimension_numbers<[1], [0], [0], [1], [0, 0, 1, 1], [], []>, transpose_lhs_hint = false} : vector<80x512xf32>, vector<512x128xf32>, vector<80x128xf32> -> vector<80x128xf32>
    %get3A_223 = arith.constant 0 : index
    %get3A_224 = arith.constant 0 : index
    %get3A_225 = vector.load %arg11[%get3A_223, %get3A_224] : memref<1x128xf32, #tpu.memory_space<vmem>>, vector<1x128xf32>
    %add3A_226 = vector.broadcast %get3A_225 : vector<1x128xf32> to vector<80x128xf32>
    %add3A_227 = arith.addf %dot_general3A_222, %add3A_226 : vector<80x128xf32>
    %dot_general3A_228 = arith.constant dense<0.000000e+00> : vector<256x80xf32>
    %dot_general3A_229 = tpu.matmul %add3A_212, %add3A_227, %dot_general3A_228 {dimension_numbers = #tpu.dot_dimension_numbers<[1], [1], [0], [0], [0, 0, 1, 0], [], []>, transpose_lhs_hint = false} : vector<256x128xf32>, vector<80x128xf32>, vector<256x80xf32> -> vector<256x80xf32>
    %reduce_max3A = arith.constant dense<0xFF800000> : vector<256xf32>
    %reduce_max3A_230 = vector.multi_reduction <maximumf>, %dot_general3A_229, %reduce_max3A [1] : vector<256x80xf32> to vector<256xf32>
    %broadcast_in_dim3A_231 = vector.shape_cast %reduce_max3A_230 : vector<256xf32> to vector<256x1xf32>
    %mul3A_232 = arith.constant 0.0883883461 : f32
    %mul3A_233 = vector.broadcast %mul3A_232 : f32 to vector<256x1xf32>
    %mul3A_234 = arith.mulf %broadcast_in_dim3A_231, %mul3A_233 : vector<256x1xf32>
    %get3A_235 = arith.constant 0 : index
    %get3A_236 = arith.constant 0 : index
    %get3A_237 = vector.load %arg12[%get3A_235, %get3A_236] : memref<1x1xf32, #tpu.memory_space<vmem>>, vector<1x1xf32>
    %add3A_238 = vector.broadcast %get3A_237 : vector<1x1xf32> to vector<256x1xf32>
    %add3A_239 = arith.addf %mul3A_234, %add3A_238 : vector<256x1xf32>
    %logistic3A_240 = arith.negf %add3A_239 : vector<256x1xf32>
    %logistic3A_241 = math.exp %logistic3A_240 : vector<256x1xf32>
    %logistic3A_242 = arith.constant 1.000000e+00 : f32
    %logistic3A_243 = vector.broadcast %logistic3A_242 : f32 to vector<256x1xf32>
    %logistic3A_244 = arith.addf %logistic3A_243, %logistic3A_241 : vector<256x1xf32>
    %logistic3A_245 = arith.divf %logistic3A_243, %logistic3A_244 : vector<256x1xf32>
    %dot_general3A_246 = arith.constant dense<0.000000e+00> : vector<80x256xf32>
    %dot_general3A_247 = tpu.matmul %add3A_227, %add3A_212, %dot_general3A_246 {dimension_numbers = #tpu.dot_dimension_numbers<[1], [1], [0], [0], [0, 0, 1, 0], [], []>, transpose_lhs_hint = false} : vector<80x128xf32>, vector<256x128xf32>, vector<80x256xf32> -> vector<80x256xf32>
    %reduce_max3A_248 = arith.constant dense<0xFF800000> : vector<256xf32>
    %reduce_max3A_249 = vector.multi_reduction <maximumf>, %dot_general3A_247, %reduce_max3A_248 [0] : vector<80x256xf32> to vector<256xf32>
    %broadcast_in_dim3A_250 = vector.shape_cast %reduce_max3A_249 : vector<256xf32> to vector<1x256xf32>
    %mul3A_251 = arith.constant 0.0883883461 : f32
    %mul3A_252 = vector.broadcast %mul3A_251 : f32 to vector<1x256xf32>
    %mul3A_253 = arith.mulf %broadcast_in_dim3A_250, %mul3A_252 : vector<1x256xf32>
    %get3A_254 = arith.constant 0 : index
    %get3A_255 = arith.constant 0 : index
    %get3A_256 = vector.load %arg12[%get3A_254, %get3A_255] : memref<1x1xf32, #tpu.memory_space<vmem>>, vector<1x1xf32>
    %add3A_257 = vector.broadcast %get3A_256 : vector<1x1xf32> to vector<1x256xf32>
    %add3A_258 = arith.addf %mul3A_253, %add3A_257 : vector<1x256xf32>
    %logistic3A_259 = arith.negf %add3A_258 : vector<1x256xf32>
    %logistic3A_260 = math.exp %logistic3A_259 : vector<1x256xf32>
    %logistic3A_261 = arith.constant 1.000000e+00 : f32
    %logistic3A_262 = vector.broadcast %logistic3A_261 : f32 to vector<1x256xf32>
    %logistic3A_263 = arith.addf %logistic3A_262, %logistic3A_260 : vector<1x256xf32>
    %logistic3A_264 = arith.divf %logistic3A_262, %logistic3A_263 : vector<1x256xf32>
    %broadcast_in_dim3A_265 = arith.constant 0.000000e+00 : f32
    %broadcast_in_dim3A_266 = vector.broadcast %broadcast_in_dim3A_265 : f32 to vector<17x384xf32>
    %swap3A_267 = arith.constant 0 : index
    %swap3A_268 = arith.constant 0 : index
    %swap3A_269 = vector.load %arg20[%swap3A_267, %swap3A_268] : memref<290x384xf32, #tpu.memory_space<vmem>>, vector<17x384xf32>
    tpu.vector_store %arg20[%swap3A_267, %swap3A_268], %broadcast_in_dim3A_266 {strides = array<i32>} : memref<290x384xf32, #tpu.memory_space<vmem>>, vector<17x384xf32>,
    %swap3A_270 = arith.constant 17 : index
    %swap3A_271 = arith.constant 0 : index
    %swap3A_272 = vector.load %arg20[%swap3A_270, %swap3A_271] : memref<290x384xf32, #tpu.memory_space<vmem>>, vector<256x384xf32>
    tpu.vector_store %arg20[%swap3A_270, %swap3A_271], %add3A_202 {strides = array<i32>} : memref<290x384xf32, #tpu.memory_space<vmem>>, vector<256x384xf32>,
    %broadcast_in_dim3A_273 = arith.constant 0.000000e+00 : f32
    %broadcast_in_dim3A_274 = vector.broadcast %broadcast_in_dim3A_273 : f32 to vector<17x384xf32>
    %swap3A_275 = arith.constant 273 : index
    %swap3A_276 = arith.constant 0 : index
    %swap3A_277 = vector.load %arg20[%swap3A_275, %swap3A_276] : memref<290x384xf32, #tpu.memory_space<vmem>>, vector<17x384xf32>
    tpu.vector_store %arg20[%swap3A_275, %swap3A_276], %broadcast_in_dim3A_274 {strides = array<i32>} : memref<290x384xf32, #tpu.memory_space<vmem>>, vector<17x384xf32>,
    %iota3A_278 = tpu.iota {dimensions = array<i32: 0>} : vector<256x1xi32>
    %and3A_279 = arith.constant 15 : i32
    %and3A_280 = vector.broadcast %and3A_279 : i32 to vector<256x1xi32>
    %and3A_281 = arith.andi %iota3A_278, %and3A_280 : vector<256x1xi32>
    %broadcast_in_dim3A_282 = arith.constant 0.000000e+00 : f32
    %broadcast_in_dim3A_283 = vector.broadcast %broadcast_in_dim3A_282 : f32 to vector<256x384xf32>
    %get3A_284 = arith.constant 0 : index
    %get3A_285 = arith.constant 0 : index
    %get3A_286 = vector.load %arg20[%get3A_284, %get3A_285] : memref<290x384xf32, #tpu.memory_space<vmem>>, vector<256x384xf32>
    %ne3A_287 = arith.constant 0 : i32
    %ne3A_288 = vector.broadcast %ne3A_287 : i32 to vector<256x1xi32>
    %ne3A_289 = arith.cmpi ne, %and3A_281, %ne3A_288 : vector<256x1xi32>
    %jit3A_290 = arith.constant 0.000000e+00 : f32
    %broadcast_in_dim3A_291 = vector.shape_cast %ne3A_289 : vector<256x1xi1> to vector<256x1xi1>
    %broadcast_in_dim3A_292 = vector.broadcast %broadcast_in_dim3A_291 : vector<256x1xi1> to vector<256x384xi1>
    %broadcast_in_dim3A_293 = vector.broadcast %jit3A_290 : f32 to vector<256x384xf32>
    %select_n3A_294 = arith.select %broadcast_in_dim3A_292, %get3A_286, %broadcast_in_dim3A_293 : vector<256x384xi1>, vector<256x384xf32>
    %get3A_295 = arith.constant 0 : index
    %get3A_296 = arith.constant 0 : index
    %get3A_297 = arith.constant 0 : index
    %get3A_298 = arith.constant 0 : index
    %get3A_299 = vector.load %arg13[%get3A_295, %get3A_296, %get3A_297, %get3A_298] : memref<3x3x384x384xf32, #tpu.memory_space<vmem>>, vector<1x1x384x384xf32>
    %get3A_300 = vector.shape_cast %get3A_299 : vector<1x1x384x384xf32> to vector<384x384xf32>
    %dot_general3A_301 = arith.constant dense<0.000000e+00> : vector<256x384xf32>
    %dot_general3A_302 = tpu.matmul %select_n3A_294, %get3A_300, %dot_general3A_301 {dimension_numbers = #tpu.dot_dimension_numbers<[1], [0], [0], [1], [0, 0, 1, 1], [], []>, transpose_lhs_hint = false} : vector<256x384xf32>, vector<384x384xf32>, vector<256x384xf32> -> vector<256x384xf32>
    %add3A_303 = arith.addf %broadcast_in_dim3A_283, %dot_general3A_302 : vector<256x384xf32>
    %get3A_304 = arith.constant 1 : index
    %get3A_305 = arith.constant 0 : index
    %get3A_306 = vector.load %arg20[%get3A_304, %get3A_305] : memref<290x384xf32, #tpu.memory_space<vmem>>, vector<256x384xf32>
    %get3A_307 = arith.constant 0 : index
    %get3A_308 = arith.constant 1 : index
    %get3A_309 = arith.constant 0 : index
    %get3A_310 = arith.constant 0 : index
    %get3A_311 = vector.load %arg13[%get3A_307, %get3A_308, %get3A_309, %get3A_310] : memref<3x3x384x384xf32, #tpu.memory_space<vmem>>, vector<1x1x384x384xf32>
    %get3A_312 = vector.shape_cast %get3A_311 : vector<1x1x384x384xf32> to vector<384x384xf32>
    %dot_general3A_313 = arith.constant dense<0.000000e+00> : vector<256x384xf32>
    %dot_general3A_314 = tpu.matmul %get3A_306, %get3A_312, %dot_general3A_313 {dimension_numbers = #tpu.dot_dimension_numbers<[1], [0], [0], [1], [0, 0, 1, 1], [], []>, transpose_lhs_hint = false} : vector<256x384xf32>, vector<384x384xf32>, vector<256x384xf32> -> vector<256x384xf32>
    %add3A_315 = arith.addf %add3A_303, %dot_general3A_314 : vector<256x384xf32>
    %get3A_316 = arith.constant 2 : index
    %get3A_317 = arith.constant 0 : index
    %get3A_318 = vector.load %arg20[%get3A_316, %get3A_317] : memref<290x384xf32, #tpu.memory_space<vmem>>, vector<256x384xf32>
    %ne3A_319 = arith.constant 15 : i32
    %ne3A_320 = vector.broadcast %ne3A_319 : i32 to vector<256x1xi32>
    %ne3A_321 = arith.cmpi ne, %and3A_281, %ne3A_320 : vector<256x1xi32>
    %jit3A_322 = arith.constant 0.000000e+00 : f32
    %broadcast_in_dim3A_323 = vector.shape_cast %ne3A_321 : vector<256x1xi1> to vector<256x1xi1>
    %broadcast_in_dim3A_324 = vector.broadcast %broadcast_in_dim3A_323 : vector<256x1xi1> to vector<256x384xi1>
    %broadcast_in_dim3A_325 = vector.broadcast %jit3A_322 : f32 to vector<256x384xf32>
    %select_n3A_326 = arith.select %broadcast_in_dim3A_324, %get3A_318, %broadcast_in_dim3A_325 : vector<256x384xi1>, vector<256x384xf32>
    %get3A_327 = arith.constant 0 : index
    %get3A_328 = arith.constant 2 : index
    %get3A_329 = arith.constant 0 : index
    %get3A_330 = arith.constant 0 : index
    %get3A_331 = vector.load %arg13[%get3A_327, %get3A_328, %get3A_329, %get3A_330] : memref<3x3x384x384xf32, #tpu.memory_space<vmem>>, vector<1x1x384x384xf32>
    %get3A_332 = vector.shape_cast %get3A_331 : vector<1x1x384x384xf32> to vector<384x384xf32>
    %dot_general3A_333 = arith.constant dense<0.000000e+00> : vector<256x384xf32>
    %dot_general3A_334 = tpu.matmul %select_n3A_326, %get3A_332, %dot_general3A_333 {dimension_numbers = #tpu.dot_dimension_numbers<[1], [0], [0], [1], [0, 0, 1, 1], [], []>, transpose_lhs_hint = false} : vector<256x384xf32>, vector<384x384xf32>, vector<256x384xf32> -> vector<256x384xf32>
    %add3A_335 = arith.addf %add3A_315, %dot_general3A_334 : vector<256x384xf32>
    %get3A_336 = arith.constant 16 : index
    %get3A_337 = arith.constant 0 : index
    %get3A_338 = vector.load %arg20[%get3A_336, %get3A_337] : memref<290x384xf32, #tpu.memory_space<vmem>>, vector<256x384xf32>
    %ne3A_339 = arith.constant 0 : i32
    %ne3A_340 = vector.broadcast %ne3A_339 : i32 to vector<256x1xi32>
    %ne3A_341 = arith.cmpi ne, %and3A_281, %ne3A_340 : vector<256x1xi32>
    %jit3A_342 = arith.constant 0.000000e+00 : f32
    %broadcast_in_dim3A_343 = vector.shape_cast %ne3A_341 : vector<256x1xi1> to vector<256x1xi1>
    %broadcast_in_dim3A_344 = vector.broadcast %broadcast_in_dim3A_343 : vector<256x1xi1> to vector<256x384xi1>
    %broadcast_in_dim3A_345 = vector.broadcast %jit3A_342 : f32 to vector<256x384xf32>
    %select_n3A_346 = arith.select %broadcast_in_dim3A_344, %get3A_338, %broadcast_in_dim3A_345 : vector<256x384xi1>, vector<256x384xf32>
    %get3A_347 = arith.constant 1 : index
    %get3A_348 = arith.constant 0 : index
    %get3A_349 = arith.constant 0 : index
    %get3A_350 = arith.constant 0 : index
    %get3A_351 = vector.load %arg13[%get3A_347, %get3A_348, %get3A_349, %get3A_350] : memref<3x3x384x384xf32, #tpu.memory_space<vmem>>, vector<1x1x384x384xf32>
    %get3A_352 = vector.shape_cast %get3A_351 : vector<1x1x384x384xf32> to vector<384x384xf32>
    %dot_general3A_353 = arith.constant dense<0.000000e+00> : vector<256x384xf32>
    %dot_general3A_354 = tpu.matmul %select_n3A_346, %get3A_352, %dot_general3A_353 {dimension_numbers = #tpu.dot_dimension_numbers<[1], [0], [0], [1], [0, 0, 1, 1], [], []>, transpose_lhs_hint = false} : vector<256x384xf32>, vector<384x384xf32>, vector<256x384xf32> -> vector<256x384xf32>
    %add3A_355 = arith.addf %add3A_335, %dot_general3A_354 : vector<256x384xf32>
    %get3A_356 = arith.constant 17 : index
    %get3A_357 = arith.constant 0 : index
    %get3A_358 = vector.load %arg20[%get3A_356, %get3A_357] : memref<290x384xf32, #tpu.memory_space<vmem>>, vector<256x384xf32>
    %get3A_359 = arith.constant 1 : index
    %get3A_360 = arith.constant 1 : index
    %get3A_361 = arith.constant 0 : index
    %get3A_362 = arith.constant 0 : index
    %get3A_363 = vector.load %arg13[%get3A_359, %get3A_360, %get3A_361, %get3A_362] : memref<3x3x384x384xf32, #tpu.memory_space<vmem>>, vector<1x1x384x384xf32>
    %get3A_364 = vector.shape_cast %get3A_363 : vector<1x1x384x384xf32> to vector<384x384xf32>
    %dot_general3A_365 = arith.constant dense<0.000000e+00> : vector<256x384xf32>
    %dot_general3A_366 = tpu.matmul %get3A_358, %get3A_364, %dot_general3A_365 {dimension_numbers = #tpu.dot_dimension_numbers<[1], [0], [0], [1], [0, 0, 1, 1], [], []>, transpose_lhs_hint = false} : vector<256x384xf32>, vector<384x384xf32>, vector<256x384xf32> -> vector<256x384xf32>
    %add3A_367 = arith.addf %add3A_355, %dot_general3A_366 : vector<256x384xf32>
    %get3A_368 = arith.constant 18 : index
    %get3A_369 = arith.constant 0 : index
    %get3A_370 = vector.load %arg20[%get3A_368, %get3A_369] : memref<290x384xf32, #tpu.memory_space<vmem>>, vector<256x384xf32>
    %ne3A_371 = arith.constant 15 : i32
    %ne3A_372 = vector.broadcast %ne3A_371 : i32 to vector<256x1xi32>
    %ne3A_373 = arith.cmpi ne, %and3A_281, %ne3A_372 : vector<256x1xi32>
    %jit3A_374 = arith.constant 0.000000e+00 : f32
    %broadcast_in_dim3A_375 = vector.shape_cast %ne3A_373 : vector<256x1xi1> to vector<256x1xi1>
    %broadcast_in_dim3A_376 = vector.broadcast %broadcast_in_dim3A_375 : vector<256x1xi1> to vector<256x384xi1>
    %broadcast_in_dim3A_377 = vector.broadcast %jit3A_374 : f32 to vector<256x384xf32>
    %select_n3A_378 = arith.select %broadcast_in_dim3A_376, %get3A_370, %broadcast_in_dim3A_377 : vector<256x384xi1>, vector<256x384xf32>
    %get3A_379 = arith.constant 1 : index
    %get3A_380 = arith.constant 2 : index
    %get3A_381 = arith.constant 0 : index
    %get3A_382 = arith.constant 0 : index
    %get3A_383 = vector.load %arg13[%get3A_379, %get3A_380, %get3A_381, %get3A_382] : memref<3x3x384x384xf32, #tpu.memory_space<vmem>>, vector<1x1x384x384xf32>
    %get3A_384 = vector.shape_cast %get3A_383 : vector<1x1x384x384xf32> to vector<384x384xf32>
    %dot_general3A_385 = arith.constant dense<0.000000e+00> : vector<256x384xf32>
    %dot_general3A_386 = tpu.matmul %select_n3A_378, %get3A_384, %dot_general3A_385 {dimension_numbers = #tpu.dot_dimension_numbers<[1], [0], [0], [1], [0, 0, 1, 1], [], []>, transpose_lhs_hint = false} : vector<256x384xf32>, vector<384x384xf32>, vector<256x384xf32> -> vector<256x384xf32>
    %add3A_387 = arith.addf %add3A_367, %dot_general3A_386 : vector<256x384xf32>
    %get3A_388 = arith.constant 32 : index
    %get3A_389 = arith.constant 0 : index
    %get3A_390 = vector.load %arg20[%get3A_388, %get3A_389] : memref<290x384xf32, #tpu.memory_space<vmem>>, vector<256x384xf32>
    %ne3A_391 = arith.constant 0 : i32
    %ne3A_392 = vector.broadcast %ne3A_391 : i32 to vector<256x1xi32>
    %ne3A_393 = arith.cmpi ne, %and3A_281, %ne3A_392 : vector<256x1xi32>
    %jit3A_394 = arith.constant 0.000000e+00 : f32
    %broadcast_in_dim3A_395 = vector.shape_cast %ne3A_393 : vector<256x1xi1> to vector<256x1xi1>
    %broadcast_in_dim3A_396 = vector.broadcast %broadcast_in_dim3A_395 : vector<256x1xi1> to vector<256x384xi1>
    %broadcast_in_dim3A_397 = vector.broadcast %jit3A_394 : f32 to vector<256x384xf32>
    %select_n3A_398 = arith.select %broadcast_in_dim3A_396, %get3A_390, %broadcast_in_dim3A_397 : vector<256x384xi1>, vector<256x384xf32>
    %get3A_399 = arith.constant 2 : index
    %get3A_400 = arith.constant 0 : index
    %get3A_401 = arith.constant 0 : index
    %get3A_402 = arith.constant 0 : index
    %get3A_403 = vector.load %arg13[%get3A_399, %get3A_400, %get3A_401, %get3A_402] : memref<3x3x384x384xf32, #tpu.memory_space<vmem>>, vector<1x1x384x384xf32>
    %get3A_404 = vector.shape_cast %get3A_403 : vector<1x1x384x384xf32> to vector<384x384xf32>
    %dot_general3A_405 = arith.constant dense<0.000000e+00> : vector<256x384xf32>
    %dot_general3A_406 = tpu.matmul %select_n3A_398, %get3A_404, %dot_general3A_405 {dimension_numbers = #tpu.dot_dimension_numbers<[1], [0], [0], [1], [0, 0, 1, 1], [], []>, transpose_lhs_hint = false} : vector<256x384xf32>, vector<384x384xf32>, vector<256x384xf32> -> vector<256x384xf32>
    %add3A_407 = arith.addf %add3A_387, %dot_general3A_406 : vector<256x384xf32>
    %get3A_408 = arith.constant 33 : index
    %get3A_409 = arith.constant 0 : index
    %get3A_410 = vector.load %arg20[%get3A_408, %get3A_409] : memref<290x384xf32, #tpu.memory_space<vmem>>, vector<256x384xf32>
    %get3A_411 = arith.constant 2 : index
    %get3A_412 = arith.constant 1 : index
    %get3A_413 = arith.constant 0 : index
    %get3A_414 = arith.constant 0 : index
    %get3A_415 = vector.load %arg13[%get3A_411, %get3A_412, %get3A_413, %get3A_414] : memref<3x3x384x384xf32, #tpu.memory_space<vmem>>, vector<1x1x384x384xf32>
    %get3A_416 = vector.shape_cast %get3A_415 : vector<1x1x384x384xf32> to vector<384x384xf32>
    %dot_general3A_417 = arith.constant dense<0.000000e+00> : vector<256x384xf32>
    %dot_general3A_418 = tpu.matmul %get3A_410, %get3A_416, %dot_general3A_417 {dimension_numbers = #tpu.dot_dimension_numbers<[1], [0], [0], [1], [0, 0, 1, 1], [], []>, transpose_lhs_hint = false} : vector<256x384xf32>, vector<384x384xf32>, vector<256x384xf32> -> vector<256x384xf32>
    %add3A_419 = arith.addf %add3A_407, %dot_general3A_418 : vector<256x384xf32>
    %get3A_420 = arith.constant 34 : index
    %get3A_421 = arith.constant 0 : index
    %get3A_422 = vector.load %arg20[%get3A_420, %get3A_421] : memref<290x384xf32, #tpu.memory_space<vmem>>, vector<256x384xf32>
    %ne3A_423 = arith.constant 15 : i32
    %ne3A_424 = vector.broadcast %ne3A_423 : i32 to vector<256x1xi32>
    %ne3A_425 = arith.cmpi ne, %and3A_281, %ne3A_424 : vector<256x1xi32>
    %jit3A_426 = arith.constant 0.000000e+00 : f32
    %broadcast_in_dim3A_427 = vector.shape_cast %ne3A_425 : vector<256x1xi1> to vector<256x1xi1>
    %broadcast_in_dim3A_428 = vector.broadcast %broadcast_in_dim3A_427 : vector<256x1xi1> to vector<256x384xi1>
    %broadcast_in_dim3A_429 = vector.broadcast %jit3A_426 : f32 to vector<256x384xf32>
    %select_n3A_430 = arith.select %broadcast_in_dim3A_428, %get3A_422, %broadcast_in_dim3A_429 : vector<256x384xi1>, vector<256x384xf32>
    %get3A_431 = arith.constant 2 : index
    %get3A_432 = arith.constant 2 : index
    %get3A_433 = arith.constant 0 : index
    %get3A_434 = arith.constant 0 : index
    %get3A_435 = vector.load %arg13[%get3A_431, %get3A_432, %get3A_433, %get3A_434] : memref<3x3x384x384xf32, #tpu.memory_space<vmem>>, vector<1x1x384x384xf32>
    %get3A_436 = vector.shape_cast %get3A_435 : vector<1x1x384x384xf32> to vector<384x384xf32>
    %dot_general3A_437 = arith.constant dense<0.000000e+00> : vector<256x384xf32>
    %dot_general3A_438 = tpu.matmul %select_n3A_430, %get3A_436, %dot_general3A_437 {dimension_numbers = #tpu.dot_dimension_numbers<[1], [0], [0], [1], [0, 0, 1, 1], [], []>, transpose_lhs_hint = false} : vector<256x384xf32>, vector<384x384xf32>, vector<256x384xf32> -> vector<256x384xf32>
    %add3A_439 = arith.addf %add3A_419, %dot_general3A_438 : vector<256x384xf32>
    %get3A_440 = arith.constant 0 : index
    %get3A_441 = arith.constant 0 : index
    %get3A_442 = vector.load %arg14[%get3A_440, %get3A_441] : memref<1x384xf32, #tpu.memory_space<vmem>>, vector<1x384xf32>
    %add3A_443 = vector.broadcast %get3A_442 : vector<1x384xf32> to vector<256x384xf32>
    %add3A_444 = arith.addf %add3A_439, %add3A_443 : vector<256x384xf32>
    %mul3A_445 = vector.broadcast %logistic3A_245 : vector<256x1xf32> to vector<256x384xf32>
    %mul3A_446 = arith.mulf %add3A_444, %mul3A_445 : vector<256x384xf32>
    %get3A_447 = arith.constant 0 : index
    %get3A_448 = arith.constant 0 : index
    %get3A_449 = vector.load %arg15[%get3A_447, %get3A_448] : memref<1536x768xf32, #tpu.memory_space<vmem>>, vector<384x768xf32>
    %dot_general3A_450 = arith.constant dense<0.000000e+00> : vector<256x768xf32>
    %dot_general3A_451 = tpu.matmul %get3A_3, %get3A_449, %dot_general3A_450 {dimension_numbers = #tpu.dot_dimension_numbers<[1], [0], [0], [1], [0, 0, 1, 1], [], []>, transpose_lhs_hint = false} : vector<256x384xf32>, vector<384x768xf32>, vector<256x768xf32> -> vector<256x768xf32>
    %get3A_452 = arith.constant 384 : index
    %get3A_453 = arith.constant 0 : index
    %get3A_454 = vector.load %arg15[%get3A_452, %get3A_453] : memref<1536x768xf32, #tpu.memory_space<vmem>>, vector<384x768xf32>
    %dot_general3A_455 = arith.constant dense<0.000000e+00> : vector<256x768xf32>
    %dot_general3A_456 = tpu.matmul %get3A_8, %get3A_454, %dot_general3A_455 {dimension_numbers = #tpu.dot_dimension_numbers<[1], [0], [0], [1], [0, 0, 1, 1], [], []>, transpose_lhs_hint = false} : vector<256x384xf32>, vector<384x768xf32>, vector<256x768xf32> -> vector<256x768xf32>
    %add3A_457 = arith.addf %dot_general3A_451, %dot_general3A_456 : vector<256x768xf32>
    %get3A_458 = arith.constant 768 : index
    %get3A_459 = arith.constant 0 : index
    %get3A_460 = vector.load %arg15[%get3A_458, %get3A_459] : memref<1536x768xf32, #tpu.memory_space<vmem>>, vector<384x768xf32>
    %dot_general3A_461 = arith.constant dense<0.000000e+00> : vector<256x768xf32>
    %dot_general3A_462 = tpu.matmul %add3A_202, %get3A_460, %dot_general3A_461 {dimension_numbers = #tpu.dot_dimension_numbers<[1], [0], [0], [1], [0, 0, 1, 1], [], []>, transpose_lhs_hint = false} : vector<256x384xf32>, vector<384x768xf32>, vector<256x768xf32> -> vector<256x768xf32>
    %add3A_463 = arith.addf %add3A_457, %dot_general3A_462 : vector<256x768xf32>
    %get3A_464 = arith.constant 1152 : index
    %get3A_465 = arith.constant 0 : index
    %get3A_466 = vector.load %arg15[%get3A_464, %get3A_465] : memref<1536x768xf32, #tpu.memory_space<vmem>>, vector<384x768xf32>
    %dot_general3A_467 = arith.constant dense<0.000000e+00> : vector<256x768xf32>
    %dot_general3A_468 = tpu.matmul %mul3A_446, %get3A_466, %dot_general3A_467 {dimension_numbers = #tpu.dot_dimension_numbers<[1], [0], [0], [1], [0, 0, 1, 1], [], []>, transpose_lhs_hint = false} : vector<256x384xf32>, vector<384x768xf32>, vector<256x768xf32> -> vector<256x768xf32>
    %add3A_469 = arith.addf %add3A_463, %dot_general3A_468 : vector<256x768xf32>
    %get3A_470 = arith.constant 0 : index
    %get3A_471 = arith.constant 0 : index
    %get3A_472 = vector.load %arg16[%get3A_470, %get3A_471] : memref<1x768xf32, #tpu.memory_space<vmem>>, vector<1x768xf32>
    %add3A_473 = vector.broadcast %get3A_472 : vector<1x768xf32> to vector<256x768xf32>
    %add3A_474 = arith.addf %add3A_469, %add3A_473 : vector<256x768xf32>
    %swap3A_475 = arith.constant 0 : index
    %swap3A_476 = arith.constant 0 : index
    %swap3A_477 = arith.constant 0 : index
    %swap3A_478 = vector.load %arg17[%swap3A_475, %swap3A_476, %swap3A_477] : memref<1x256x768xf32, #tpu.memory_space<vmem>>, vector<1x256x768xf32>
    %swap3A_479 = vector.shape_cast %swap3A_478 : vector<1x256x768xf32> to vector<256x768xf32>
    %swap3A_480 = vector.shape_cast %add3A_474 : vector<256x768xf32> to vector<1x256x768xf32>
    tpu.vector_store %arg17[%swap3A_475, %swap3A_476, %swap3A_477], %swap3A_480 {strides = array<i32>} : memref<1x256x768xf32, #tpu.memory_space<vmem>>, vector<1x256x768xf32>,
    %iota3A_481 = tpu.iota {dimensions = array<i32: 1>} : vector<1x256xi32>
    %iota3A_482 = tpu.iota {dimensions = array<i32: 1>} : vector<1x1xi32>
    %broadcast_in_dim3A_483 = arith.constant 0 : i32
    %broadcast_in_dim3A_484 = vector.broadcast %broadcast_in_dim3A_483 : i32 to vector<1x1xi32>
    %reduce_max3A_485 = arith.constant dense<0xFF800000> : vector<1xf32>
    %reduce_max3A_486 = vector.multi_reduction <maximumf>, %logistic3A_264, %reduce_max3A_485 [1] : vector<1x256xf32> to vector<1xf32>
    %broadcast_in_dim3A_487 = vector.shape_cast %reduce_max3A_486 : vector<1xf32> to vector<1x1xf32>
    %eq3A = vector.broadcast %broadcast_in_dim3A_487 : vector<1x1xf32> to vector<1x256xf32>
    %eq3A_488 = arith.cmpf oeq, %logistic3A_264, %eq3A : vector<1x256xf32>
    %jit3A_489 = arith.constant 256 : i32
    %broadcast_in_dim3A_490 = vector.broadcast %jit3A_489 : i32 to vector<1x256xi32>
    %select_n3A_491 = arith.select %eq3A_488, %iota3A_481, %broadcast_in_dim3A_490 : vector<1x256xi1>, vector<1x256xi32>
    %reduce_min3A = arith.constant dense<2147483647> : vector<1xi32>
    %reduce_min3A_492 = vector.multi_reduction <minsi>, %select_n3A_491, %reduce_min3A [1] : vector<1x256xi32> to vector<1xi32>
    %broadcast_in_dim3A_493 = vector.shape_cast %reduce_min3A_492 : vector<1xi32> to vector<1x1xi32>
    %eq3A_494 = arith.constant 0 : i32
    %eq3A_495 = vector.broadcast %eq3A_494 : i32 to vector<1x1xi32>
    %eq3A_496 = arith.cmpi eq, %iota3A_482, %eq3A_495 : vector<1x1xi32>
    %jit3A_497 = arith.constant 0 : i32
    %broadcast_in_dim3A_498 = vector.broadcast %jit3A_497 : i32 to vector<1x1xi32>
    %select_n3A_499 = arith.select %eq3A_496, %broadcast_in_dim3A_493, %broadcast_in_dim3A_498 : vector<1x1xi1>, vector<1x1xi32>
    %add3A_500 = arith.addi %broadcast_in_dim3A_484, %select_n3A_499 : vector<1x1xi32>
    %swap3A_501 = arith.constant 0 : index
    %swap3A_502 = arith.constant 0 : index
    %swap3A_503 = arith.constant 0 : index
    %swap3A_504 = vector.load %arg18[%swap3A_501, %swap3A_502, %swap3A_503] : memref<1x1x1xi32, #tpu.memory_space<vmem>>, vector<1x1x1xi32>
    %swap3A_505 = vector.shape_cast %swap3A_504 : vector<1x1x1xi32> to vector<1x1xi32>
    %swap3A_506 = vector.shape_cast %add3A_500 : vector<1x1xi32> to vector<1x1x1xi32>
    tpu.vector_store %arg18[%swap3A_501, %swap3A_502, %swap3A_503], %swap3A_506 {strides = array<i32>} : memref<1x1x1xi32, #tpu.memory_space<vmem>>, vector<1x1x1xi32>,
    return
  }
  func.func @transform_0(%arg0: i32) -> (i32, i32, i32) {
    %c0_i32 = arith.constant 0 : i32
    %c0_i32_0 = arith.constant 0 : i32
    %c0_i32_1 = arith.constant 0 : i32
    return %arg0, %c0_i32, %c0_i32_0 : i32, i32, i32
  }
  func.func @transform_1(%arg0: i32) -> (i32, i32, i32) {
    %c0_i32 = arith.constant 0 : i32
    %c0_i32_0 = arith.constant 0 : i32
    %c0_i32_1 = arith.constant 0 : i32
    return %arg0, %c0_i32, %c0_i32_0 : i32, i32, i32
  }
  func.func @transform_2(%arg0: i32) -> (i32, i32, i32) {
    %c0_i32 = arith.constant 0 : i32
    %c0_i32_0 = arith.constant 0 : i32
    %c0_i32_1 = arith.constant 0 : i32
    return %arg0, %c0_i32, %c0_i32_0 : i32, i32, i32
  }
  func.func @transform_3(%arg0: i32) -> (i32, i32) {
    %c0_i32 = arith.constant 0 : i32
    %c0_i32_0 = arith.constant 0 : i32
    %c0_i32_1 = arith.constant 0 : i32
    return %c0_i32, %c0_i32_0 : i32, i32
  }
  func.func @transform_4(%arg0: i32) -> (i32, i32) {
    %c0_i32 = arith.constant 0 : i32
    %c0_i32_0 = arith.constant 0 : i32
    %c0_i32_1 = arith.constant 0 : i32
    return %c0_i32, %c0_i32_0 : i32, i32
  }
  func.func @transform_5(%arg0: i32) -> (i32, i32, i32, i32) {
    %c0_i32 = arith.constant 0 : i32
    %c0_i32_0 = arith.constant 0 : i32
    %c0_i32_1 = arith.constant 0 : i32
    %c0_i32_2 = arith.constant 0 : i32
    %c0_i32_3 = arith.constant 0 : i32
    return %c0_i32, %c0_i32_0, %c0_i32_1, %c0_i32_2 : i32, i32, i32, i32
  }
  func.func @transform_6(%arg0: i32) -> (i32, i32) {
    %c0_i32 = arith.constant 0 : i32
    %c0_i32_0 = arith.constant 0 : i32
    %c0_i32_1 = arith.constant 0 : i32
    return %c0_i32, %c0_i32_0 : i32, i32
  }
  func.func @transform_7(%arg0: i32) -> (i32, i32) {
    %c0_i32 = arith.constant 0 : i32
    %c0_i32_0 = arith.constant 0 : i32
    %c0_i32_1 = arith.constant 0 : i32
    return %c0_i32, %c0_i32_0 : i32, i32
  }
  func.func @transform_8(%arg0: i32) -> (i32, i32) {
    %c0_i32 = arith.constant 0 : i32
    %c0_i32_0 = arith.constant 0 : i32
    %c0_i32_1 = arith.constant 0 : i32
    return %c0_i32, %c0_i32_0 : i32, i32
  }
  func.func @transform_9(%arg0: i32) -> (i32, i32) {
    %c0_i32 = arith.constant 0 : i32
    %c0_i32_0 = arith.constant 0 : i32
    %c0_i32_1 = arith.constant 0 : i32
    return %c0_i32, %c0_i32_0 : i32, i32
  }
  func.func @transform_10(%arg0: i32) -> (i32, i32) {
    %c0_i32 = arith.constant 0 : i32
    %c0_i32_0 = arith.constant 0 : i32
    %c0_i32_1 = arith.constant 0 : i32
    return %c0_i32, %c0_i32_0 : i32, i32
  }
  func.func @transform_11(%arg0: i32) -> (i32, i32) {
    %c0_i32 = arith.constant 0 : i32
    %c0_i32_0 = arith.constant 0 : i32
    %c0_i32_1 = arith.constant 0 : i32
    return %c0_i32, %c0_i32_0 : i32, i32
  }
  func.func @transform_12(%arg0: i32) -> (i32, i32, i32, i32) {
    %c0_i32 = arith.constant 0 : i32
    %c0_i32_0 = arith.constant 0 : i32
    %c0_i32_1 = arith.constant 0 : i32
    %c0_i32_2 = arith.constant 0 : i32
    %c0_i32_3 = arith.constant 0 : i32
    return %c0_i32, %c0_i32_0, %c0_i32_1, %c0_i32_2 : i32, i32, i32, i32
  }
  func.func @transform_13(%arg0: i32) -> (i32, i32) {
    %c0_i32 = arith.constant 0 : i32
    %c0_i32_0 = arith.constant 0 : i32
    %c0_i32_1 = arith.constant 0 : i32
    return %c0_i32, %c0_i32_0 : i32, i32
  }
  func.func @transform_14(%arg0: i32) -> (i32, i32) {
    %c0_i32 = arith.constant 0 : i32
    %c0_i32_0 = arith.constant 0 : i32
    %c0_i32_1 = arith.constant 0 : i32
    return %c0_i32, %c0_i32_0 : i32, i32
  }
  func.func @transform_15(%arg0: i32) -> (i32, i32) {
    %c0_i32 = arith.constant 0 : i32
    %c0_i32_0 = arith.constant 0 : i32
    %c0_i32_1 = arith.constant 0 : i32
    return %c0_i32, %c0_i32_0 : i32, i32
  }
  func.func @transform_16(%arg0: i32) -> (i32, i32, i32) {
    %c0_i32 = arith.constant 0 : i32
    %c0_i32_0 = arith.constant 0 : i32
    %c0_i32_1 = arith.constant 0 : i32
    return %arg0, %c0_i32, %c0_i32_0 : i32, i32, i32
  }
  func.func @transform_17(%arg0: i32) -> (i32, i32, i32) {
    %c0_i32 = arith.constant 0 : i32
    %c0_i32_0 = arith.constant 0 : i32
    %c0_i32_1 = arith.constant 0 : i32
    return %arg0, %c0_i32, %c0_i32_0 : i32, i32, i32
  }
}

module attributes {stable_mosaic.version = 14 : i64} {
  func.func @_trunk_body(%arg0: i32, %arg1: memref<1x4096x96xf32, #tpu.memory_space<vmem>>, %arg2: memref<1x4096x96xf32, #tpu.memory_space<vmem>>, %arg3: memref<1x80x512xf32, #tpu.memory_space<vmem>>, %arg4: memref<96x48xf32, #tpu.memory_space<vmem>>, %arg5: memref<1x48xf32, #tpu.memory_space<vmem>>, %arg6: memref<3x3x48x96xf32, #tpu.memory_space<vmem>>, %arg7: memref<1x96xf32, #tpu.memory_space<vmem>>, %arg8: memref<96x128xf32, #tpu.memory_space<vmem>>, %arg9: memref<1x128xf32, #tpu.memory_space<vmem>>, %arg10: memref<512x128xf32, #tpu.memory_space<vmem>>, %arg11: memref<1x128xf32, #tpu.memory_space<vmem>>, %arg12: memref<1x1xf32, #tpu.memory_space<vmem>>, %arg13: memref<3x3x96x96xf32, #tpu.memory_space<vmem>>, %arg14: memref<1x96xf32, #tpu.memory_space<vmem>>, %arg15: memref<384x192xf32, #tpu.memory_space<vmem>>, %arg16: memref<1x192xf32, #tpu.memory_space<vmem>>, %arg17: memref<1x4096x192xf32, #tpu.memory_space<vmem>>, %arg18: memref<1x1x20xi32, #tpu.memory_space<vmem>>, %arg19: memref<4226x48xf32, #tpu.memory_space<vmem>>, %arg20: memref<4226x96xf32, #tpu.memory_space<vmem>>) attributes {dimension_semantics = [#tpu.dimension_semantics<arbitrary>], iteration_bounds = array<i64: 4>, scalar_prefetch = 0 : i64, scratch_operands = 2 : i64, tpu.core_type = #tpu.core_type<tc>, window_params = [{transform_indices = @transform_0, window_bounds = array<i64: 1, 4096, 96>}, {transform_indices = @transform_1, window_bounds = array<i64: 1, 4096, 96>}, {transform_indices = @transform_2, window_bounds = array<i64: 1, 80, 512>}, {pipeline_mode = #tpu.pipeline_mode<synchronous>, transform_indices = @transform_3, window_bounds = array<i64: 96, 48>}, {pipeline_mode = #tpu.pipeline_mode<synchronous>, transform_indices = @transform_4, window_bounds = array<i64: 1, 48>}, {pipeline_mode = #tpu.pipeline_mode<synchronous>, transform_indices = @transform_5, window_bounds = array<i64: 3, 3, 48, 96>}, {pipeline_mode = #tpu.pipeline_mode<synchronous>, transform_indices = @transform_6, window_bounds = array<i64: 1, 96>}, {pipeline_mode = #tpu.pipeline_mode<synchronous>, transform_indices = @transform_7, window_bounds = array<i64: 96, 128>}, {pipeline_mode = #tpu.pipeline_mode<synchronous>, transform_indices = @transform_8, window_bounds = array<i64: 1, 128>}, {pipeline_mode = #tpu.pipeline_mode<synchronous>, transform_indices = @transform_9, window_bounds = array<i64: 512, 128>}, {pipeline_mode = #tpu.pipeline_mode<synchronous>, transform_indices = @transform_10, window_bounds = array<i64: 1, 128>}, {pipeline_mode = #tpu.pipeline_mode<synchronous>, transform_indices = @transform_11, window_bounds = array<i64: 1, 1>}, {pipeline_mode = #tpu.pipeline_mode<synchronous>, transform_indices = @transform_12, window_bounds = array<i64: 3, 3, 96, 96>}, {pipeline_mode = #tpu.pipeline_mode<synchronous>, transform_indices = @transform_13, window_bounds = array<i64: 1, 96>}, {pipeline_mode = #tpu.pipeline_mode<synchronous>, transform_indices = @transform_14, window_bounds = array<i64: 384, 192>}, {pipeline_mode = #tpu.pipeline_mode<synchronous>, transform_indices = @transform_15, window_bounds = array<i64: 1, 192>}, {transform_indices = @transform_16, window_bounds = array<i64: 1, 4096, 192>}, {transform_indices = @transform_17, window_bounds = array<i64: 1, 1, 20>}]} {
    %get3A = arith.constant 0 : index
    %get3A_0 = arith.constant 0 : index
    %get3A_1 = arith.constant 0 : index
    %get3A_2 = vector.load %arg1[%get3A, %get3A_0, %get3A_1] : memref<1x4096x96xf32, #tpu.memory_space<vmem>>, vector<1x4096x96xf32>
    %get3A_3 = vector.shape_cast %get3A_2 : vector<1x4096x96xf32> to vector<4096x96xf32>
    %get3A_4 = arith.constant 0 : index
    %get3A_5 = arith.constant 0 : index
    %get3A_6 = arith.constant 0 : index
    %get3A_7 = vector.load %arg2[%get3A_4, %get3A_5, %get3A_6] : memref<1x4096x96xf32, #tpu.memory_space<vmem>>, vector<1x4096x96xf32>
    %get3A_8 = vector.shape_cast %get3A_7 : vector<1x4096x96xf32> to vector<4096x96xf32>
    %get3A_9 = arith.constant 0 : index
    %get3A_10 = arith.constant 0 : index
    %get3A_11 = vector.load %arg4[%get3A_9, %get3A_10] : memref<96x48xf32, #tpu.memory_space<vmem>>, vector<96x48xf32>
    %dot_general3A = arith.constant dense<0.000000e+00> : vector<4096x48xf32>
    %dot_general3A_12 = tpu.matmul %get3A_8, %get3A_11, %dot_general3A {dimension_numbers = #tpu.dot_dimension_numbers<[1], [0], [0], [1], [0, 0, 1, 1], [], []>, transpose_lhs_hint = false} : vector<4096x96xf32>, vector<96x48xf32>, vector<4096x48xf32> -> vector<4096x48xf32>
    %get3A_13 = arith.constant 0 : index
    %get3A_14 = arith.constant 0 : index
    %get3A_15 = vector.load %arg5[%get3A_13, %get3A_14] : memref<1x48xf32, #tpu.memory_space<vmem>>, vector<1x48xf32>
    %add3A = vector.broadcast %get3A_15 : vector<1x48xf32> to vector<4096x48xf32>
    %add3A_16 = arith.addf %dot_general3A_12, %add3A : vector<4096x48xf32>
    %logistic3A = arith.negf %add3A_16 : vector<4096x48xf32>
    %logistic3A_17 = math.exp %logistic3A : vector<4096x48xf32>
    %logistic3A_18 = arith.constant 1.000000e+00 : f32
    %logistic3A_19 = vector.broadcast %logistic3A_18 : f32 to vector<4096x48xf32>
    %logistic3A_20 = arith.addf %logistic3A_19, %logistic3A_17 : vector<4096x48xf32>
    %logistic3A_21 = arith.divf %logistic3A_19, %logistic3A_20 : vector<4096x48xf32>
    %mul3A = arith.mulf %add3A_16, %logistic3A_21 : vector<4096x48xf32>
    %broadcast_in_dim3A = arith.constant 0.000000e+00 : f32
    %broadcast_in_dim3A_22 = vector.broadcast %broadcast_in_dim3A : f32 to vector<65x48xf32>
    %swap3A = arith.constant 0 : index
    %swap3A_23 = arith.constant 0 : index
    %swap3A_24 = vector.load %arg19[%swap3A, %swap3A_23] : memref<4226x48xf32, #tpu.memory_space<vmem>>, vector<65x48xf32>
    tpu.vector_store %arg19[%swap3A, %swap3A_23], %broadcast_in_dim3A_22 {strides = array<i32>} : memref<4226x48xf32, #tpu.memory_space<vmem>>, vector<65x48xf32>,
    %swap3A_25 = arith.constant 65 : index
    %swap3A_26 = arith.constant 0 : index
    %swap3A_27 = vector.load %arg19[%swap3A_25, %swap3A_26] : memref<4226x48xf32, #tpu.memory_space<vmem>>, vector<4096x48xf32>
    tpu.vector_store %arg19[%swap3A_25, %swap3A_26], %mul3A {strides = array<i32>} : memref<4226x48xf32, #tpu.memory_space<vmem>>, vector<4096x48xf32>,
    %broadcast_in_dim3A_28 = arith.constant 0.000000e+00 : f32
    %broadcast_in_dim3A_29 = vector.broadcast %broadcast_in_dim3A_28 : f32 to vector<65x48xf32>
    %swap3A_30 = arith.constant 4161 : index
    %swap3A_31 = arith.constant 0 : index
    %swap3A_32 = vector.load %arg19[%swap3A_30, %swap3A_31] : memref<4226x48xf32, #tpu.memory_space<vmem>>, vector<65x48xf32>
    tpu.vector_store %arg19[%swap3A_30, %swap3A_31], %broadcast_in_dim3A_29 {strides = array<i32>} : memref<4226x48xf32, #tpu.memory_space<vmem>>, vector<65x48xf32>,
    %iota3A = tpu.iota {dimensions = array<i32: 0>} : vector<4096x1xi32>
    %and3A = arith.constant 63 : i32
    %and3A_33 = vector.broadcast %and3A : i32 to vector<4096x1xi32>
    %and3A_34 = arith.andi %iota3A, %and3A_33 : vector<4096x1xi32>
    %broadcast_in_dim3A_35 = arith.constant 0.000000e+00 : f32
    %broadcast_in_dim3A_36 = vector.broadcast %broadcast_in_dim3A_35 : f32 to vector<4096x96xf32>
    %get3A_37 = arith.constant 0 : index
    %get3A_38 = arith.constant 0 : index
    %get3A_39 = vector.load %arg19[%get3A_37, %get3A_38] : memref<4226x48xf32, #tpu.memory_space<vmem>>, vector<4096x48xf32>
    %ne3A = arith.constant 0 : i32
    %ne3A_40 = vector.broadcast %ne3A : i32 to vector<4096x1xi32>
    %ne3A_41 = arith.cmpi ne, %and3A_34, %ne3A_40 : vector<4096x1xi32>
    %jit3A = arith.constant 0.000000e+00 : f32
    %broadcast_in_dim3A_42 = vector.shape_cast %ne3A_41 : vector<4096x1xi1> to vector<4096x1xi1>
    %broadcast_in_dim3A_43 = vector.broadcast %broadcast_in_dim3A_42 : vector<4096x1xi1> to vector<4096x48xi1>
    %broadcast_in_dim3A_44 = vector.broadcast %jit3A : f32 to vector<4096x48xf32>
    %select_n3A = arith.select %broadcast_in_dim3A_43, %get3A_39, %broadcast_in_dim3A_44 : vector<4096x48xi1>, vector<4096x48xf32>
    %get3A_45 = arith.constant 0 : index
    %get3A_46 = arith.constant 0 : index
    %get3A_47 = arith.constant 0 : index
    %get3A_48 = arith.constant 0 : index
    %get3A_49 = vector.load %arg6[%get3A_45, %get3A_46, %get3A_47, %get3A_48] : memref<3x3x48x96xf32, #tpu.memory_space<vmem>>, vector<1x1x48x96xf32>
    %get3A_50 = vector.shape_cast %get3A_49 : vector<1x1x48x96xf32> to vector<48x96xf32>
    %dot_general3A_51 = arith.constant dense<0.000000e+00> : vector<4096x96xf32>
    %dot_general3A_52 = tpu.matmul %select_n3A, %get3A_50, %dot_general3A_51 {dimension_numbers = #tpu.dot_dimension_numbers<[1], [0], [0], [1], [0, 0, 1, 1], [], []>, transpose_lhs_hint = false} : vector<4096x48xf32>, vector<48x96xf32>, vector<4096x96xf32> -> vector<4096x96xf32>
    %add3A_53 = arith.addf %broadcast_in_dim3A_36, %dot_general3A_52 : vector<4096x96xf32>
    %get3A_54 = arith.constant 1 : index
    %get3A_55 = arith.constant 0 : index
    %get3A_56 = vector.load %arg19[%get3A_54, %get3A_55] : memref<4226x48xf32, #tpu.memory_space<vmem>>, vector<4096x48xf32>
    %get3A_57 = arith.constant 0 : index
    %get3A_58 = arith.constant 1 : index
    %get3A_59 = arith.constant 0 : index
    %get3A_60 = arith.constant 0 : index
    %get3A_61 = vector.load %arg6[%get3A_57, %get3A_58, %get3A_59, %get3A_60] : memref<3x3x48x96xf32, #tpu.memory_space<vmem>>, vector<1x1x48x96xf32>
    %get3A_62 = vector.shape_cast %get3A_61 : vector<1x1x48x96xf32> to vector<48x96xf32>
    %dot_general3A_63 = arith.constant dense<0.000000e+00> : vector<4096x96xf32>
    %dot_general3A_64 = tpu.matmul %get3A_56, %get3A_62, %dot_general3A_63 {dimension_numbers = #tpu.dot_dimension_numbers<[1], [0], [0], [1], [0, 0, 1, 1], [], []>, transpose_lhs_hint = false} : vector<4096x48xf32>, vector<48x96xf32>, vector<4096x96xf32> -> vector<4096x96xf32>
    %add3A_65 = arith.addf %add3A_53, %dot_general3A_64 : vector<4096x96xf32>
    %get3A_66 = arith.constant 2 : index
    %get3A_67 = arith.constant 0 : index
    %get3A_68 = vector.load %arg19[%get3A_66, %get3A_67] : memref<4226x48xf32, #tpu.memory_space<vmem>>, vector<4096x48xf32>
    %ne3A_69 = arith.constant 63 : i32
    %ne3A_70 = vector.broadcast %ne3A_69 : i32 to vector<4096x1xi32>
    %ne3A_71 = arith.cmpi ne, %and3A_34, %ne3A_70 : vector<4096x1xi32>
    %jit3A_72 = arith.constant 0.000000e+00 : f32
    %broadcast_in_dim3A_73 = vector.shape_cast %ne3A_71 : vector<4096x1xi1> to vector<4096x1xi1>
    %broadcast_in_dim3A_74 = vector.broadcast %broadcast_in_dim3A_73 : vector<4096x1xi1> to vector<4096x48xi1>
    %broadcast_in_dim3A_75 = vector.broadcast %jit3A_72 : f32 to vector<4096x48xf32>
    %select_n3A_76 = arith.select %broadcast_in_dim3A_74, %get3A_68, %broadcast_in_dim3A_75 : vector<4096x48xi1>, vector<4096x48xf32>
    %get3A_77 = arith.constant 0 : index
    %get3A_78 = arith.constant 2 : index
    %get3A_79 = arith.constant 0 : index
    %get3A_80 = arith.constant 0 : index
    %get3A_81 = vector.load %arg6[%get3A_77, %get3A_78, %get3A_79, %get3A_80] : memref<3x3x48x96xf32, #tpu.memory_space<vmem>>, vector<1x1x48x96xf32>
    %get3A_82 = vector.shape_cast %get3A_81 : vector<1x1x48x96xf32> to vector<48x96xf32>
    %dot_general3A_83 = arith.constant dense<0.000000e+00> : vector<4096x96xf32>
    %dot_general3A_84 = tpu.matmul %select_n3A_76, %get3A_82, %dot_general3A_83 {dimension_numbers = #tpu.dot_dimension_numbers<[1], [0], [0], [1], [0, 0, 1, 1], [], []>, transpose_lhs_hint = false} : vector<4096x48xf32>, vector<48x96xf32>, vector<4096x96xf32> -> vector<4096x96xf32>
    %add3A_85 = arith.addf %add3A_65, %dot_general3A_84 : vector<4096x96xf32>
    %get3A_86 = arith.constant 64 : index
    %get3A_87 = arith.constant 0 : index
    %get3A_88 = vector.load %arg19[%get3A_86, %get3A_87] : memref<4226x48xf32, #tpu.memory_space<vmem>>, vector<4096x48xf32>
    %ne3A_89 = arith.constant 0 : i32
    %ne3A_90 = vector.broadcast %ne3A_89 : i32 to vector<4096x1xi32>
    %ne3A_91 = arith.cmpi ne, %and3A_34, %ne3A_90 : vector<4096x1xi32>
    %jit3A_92 = arith.constant 0.000000e+00 : f32
    %broadcast_in_dim3A_93 = vector.shape_cast %ne3A_91 : vector<4096x1xi1> to vector<4096x1xi1>
    %broadcast_in_dim3A_94 = vector.broadcast %broadcast_in_dim3A_93 : vector<4096x1xi1> to vector<4096x48xi1>
    %broadcast_in_dim3A_95 = vector.broadcast %jit3A_92 : f32 to vector<4096x48xf32>
    %select_n3A_96 = arith.select %broadcast_in_dim3A_94, %get3A_88, %broadcast_in_dim3A_95 : vector<4096x48xi1>, vector<4096x48xf32>
    %get3A_97 = arith.constant 1 : index
    %get3A_98 = arith.constant 0 : index
    %get3A_99 = arith.constant 0 : index
    %get3A_100 = arith.constant 0 : index
    %get3A_101 = vector.load %arg6[%get3A_97, %get3A_98, %get3A_99, %get3A_100] : memref<3x3x48x96xf32, #tpu.memory_space<vmem>>, vector<1x1x48x96xf32>
    %get3A_102 = vector.shape_cast %get3A_101 : vector<1x1x48x96xf32> to vector<48x96xf32>
    %dot_general3A_103 = arith.constant dense<0.000000e+00> : vector<4096x96xf32>
    %dot_general3A_104 = tpu.matmul %select_n3A_96, %get3A_102, %dot_general3A_103 {dimension_numbers = #tpu.dot_dimension_numbers<[1], [0], [0], [1], [0, 0, 1, 1], [], []>, transpose_lhs_hint = false} : vector<4096x48xf32>, vector<48x96xf32>, vector<4096x96xf32> -> vector<4096x96xf32>
    %add3A_105 = arith.addf %add3A_85, %dot_general3A_104 : vector<4096x96xf32>
    %get3A_106 = arith.constant 65 : index
    %get3A_107 = arith.constant 0 : index
    %get3A_108 = vector.load %arg19[%get3A_106, %get3A_107] : memref<4226x48xf32, #tpu.memory_space<vmem>>, vector<4096x48xf32>
    %get3A_109 = arith.constant 1 : index
    %get3A_110 = arith.constant 1 : index
    %get3A_111 = arith.constant 0 : index
    %get3A_112 = arith.constant 0 : index
    %get3A_113 = vector.load %arg6[%get3A_109, %get3A_110, %get3A_111, %get3A_112] : memref<3x3x48x96xf32, #tpu.memory_space<vmem>>, vector<1x1x48x96xf32>
    %get3A_114 = vector.shape_cast %get3A_113 : vector<1x1x48x96xf32> to vector<48x96xf32>
    %dot_general3A_115 = arith.constant dense<0.000000e+00> : vector<4096x96xf32>
    %dot_general3A_116 = tpu.matmul %get3A_108, %get3A_114, %dot_general3A_115 {dimension_numbers = #tpu.dot_dimension_numbers<[1], [0], [0], [1], [0, 0, 1, 1], [], []>, transpose_lhs_hint = false} : vector<4096x48xf32>, vector<48x96xf32>, vector<4096x96xf32> -> vector<4096x96xf32>
    %add3A_117 = arith.addf %add3A_105, %dot_general3A_116 : vector<4096x96xf32>
    %get3A_118 = arith.constant 66 : index
    %get3A_119 = arith.constant 0 : index
    %get3A_120 = vector.load %arg19[%get3A_118, %get3A_119] : memref<4226x48xf32, #tpu.memory_space<vmem>>, vector<4096x48xf32>
    %ne3A_121 = arith.constant 63 : i32
    %ne3A_122 = vector.broadcast %ne3A_121 : i32 to vector<4096x1xi32>
    %ne3A_123 = arith.cmpi ne, %and3A_34, %ne3A_122 : vector<4096x1xi32>
    %jit3A_124 = arith.constant 0.000000e+00 : f32
    %broadcast_in_dim3A_125 = vector.shape_cast %ne3A_123 : vector<4096x1xi1> to vector<4096x1xi1>
    %broadcast_in_dim3A_126 = vector.broadcast %broadcast_in_dim3A_125 : vector<4096x1xi1> to vector<4096x48xi1>
    %broadcast_in_dim3A_127 = vector.broadcast %jit3A_124 : f32 to vector<4096x48xf32>
    %select_n3A_128 = arith.select %broadcast_in_dim3A_126, %get3A_120, %broadcast_in_dim3A_127 : vector<4096x48xi1>, vector<4096x48xf32>
    %get3A_129 = arith.constant 1 : index
    %get3A_130 = arith.constant 2 : index
    %get3A_131 = arith.constant 0 : index
    %get3A_132 = arith.constant 0 : index
    %get3A_133 = vector.load %arg6[%get3A_129, %get3A_130, %get3A_131, %get3A_132] : memref<3x3x48x96xf32, #tpu.memory_space<vmem>>, vector<1x1x48x96xf32>
    %get3A_134 = vector.shape_cast %get3A_133 : vector<1x1x48x96xf32> to vector<48x96xf32>
    %dot_general3A_135 = arith.constant dense<0.000000e+00> : vector<4096x96xf32>
    %dot_general3A_136 = tpu.matmul %select_n3A_128, %get3A_134, %dot_general3A_135 {dimension_numbers = #tpu.dot_dimension_numbers<[1], [0], [0], [1], [0, 0, 1, 1], [], []>, transpose_lhs_hint = false} : vector<4096x48xf32>, vector<48x96xf32>, vector<4096x96xf32> -> vector<4096x96xf32>
    %add3A_137 = arith.addf %add3A_117, %dot_general3A_136 : vector<4096x96xf32>
    %get3A_138 = arith.constant 128 : index
    %get3A_139 = arith.constant 0 : index
    %get3A_140 = vector.load %arg19[%get3A_138, %get3A_139] : memref<4226x48xf32, #tpu.memory_space<vmem>>, vector<4096x48xf32>
    %ne3A_141 = arith.constant 0 : i32
    %ne3A_142 = vector.broadcast %ne3A_141 : i32 to vector<4096x1xi32>
    %ne3A_143 = arith.cmpi ne, %and3A_34, %ne3A_142 : vector<4096x1xi32>
    %jit3A_144 = arith.constant 0.000000e+00 : f32
    %broadcast_in_dim3A_145 = vector.shape_cast %ne3A_143 : vector<4096x1xi1> to vector<4096x1xi1>
    %broadcast_in_dim3A_146 = vector.broadcast %broadcast_in_dim3A_145 : vector<4096x1xi1> to vector<4096x48xi1>
    %broadcast_in_dim3A_147 = vector.broadcast %jit3A_144 : f32 to vector<4096x48xf32>
    %select_n3A_148 = arith.select %broadcast_in_dim3A_146, %get3A_140, %broadcast_in_dim3A_147 : vector<4096x48xi1>, vector<4096x48xf32>
    %get3A_149 = arith.constant 2 : index
    %get3A_150 = arith.constant 0 : index
    %get3A_151 = arith.constant 0 : index
    %get3A_152 = arith.constant 0 : index
    %get3A_153 = vector.load %arg6[%get3A_149, %get3A_150, %get3A_151, %get3A_152] : memref<3x3x48x96xf32, #tpu.memory_space<vmem>>, vector<1x1x48x96xf32>
    %get3A_154 = vector.shape_cast %get3A_153 : vector<1x1x48x96xf32> to vector<48x96xf32>
    %dot_general3A_155 = arith.constant dense<0.000000e+00> : vector<4096x96xf32>
    %dot_general3A_156 = tpu.matmul %select_n3A_148, %get3A_154, %dot_general3A_155 {dimension_numbers = #tpu.dot_dimension_numbers<[1], [0], [0], [1], [0, 0, 1, 1], [], []>, transpose_lhs_hint = false} : vector<4096x48xf32>, vector<48x96xf32>, vector<4096x96xf32> -> vector<4096x96xf32>
    %add3A_157 = arith.addf %add3A_137, %dot_general3A_156 : vector<4096x96xf32>
    %get3A_158 = arith.constant 129 : index
    %get3A_159 = arith.constant 0 : index
    %get3A_160 = vector.load %arg19[%get3A_158, %get3A_159] : memref<4226x48xf32, #tpu.memory_space<vmem>>, vector<4096x48xf32>
    %get3A_161 = arith.constant 2 : index
    %get3A_162 = arith.constant 1 : index
    %get3A_163 = arith.constant 0 : index
    %get3A_164 = arith.constant 0 : index
    %get3A_165 = vector.load %arg6[%get3A_161, %get3A_162, %get3A_163, %get3A_164] : memref<3x3x48x96xf32, #tpu.memory_space<vmem>>, vector<1x1x48x96xf32>
    %get3A_166 = vector.shape_cast %get3A_165 : vector<1x1x48x96xf32> to vector<48x96xf32>
    %dot_general3A_167 = arith.constant dense<0.000000e+00> : vector<4096x96xf32>
    %dot_general3A_168 = tpu.matmul %get3A_160, %get3A_166, %dot_general3A_167 {dimension_numbers = #tpu.dot_dimension_numbers<[1], [0], [0], [1], [0, 0, 1, 1], [], []>, transpose_lhs_hint = false} : vector<4096x48xf32>, vector<48x96xf32>, vector<4096x96xf32> -> vector<4096x96xf32>
    %add3A_169 = arith.addf %add3A_157, %dot_general3A_168 : vector<4096x96xf32>
    %get3A_170 = arith.constant 130 : index
    %get3A_171 = arith.constant 0 : index
    %get3A_172 = vector.load %arg19[%get3A_170, %get3A_171] : memref<4226x48xf32, #tpu.memory_space<vmem>>, vector<4096x48xf32>
    %ne3A_173 = arith.constant 63 : i32
    %ne3A_174 = vector.broadcast %ne3A_173 : i32 to vector<4096x1xi32>
    %ne3A_175 = arith.cmpi ne, %and3A_34, %ne3A_174 : vector<4096x1xi32>
    %jit3A_176 = arith.constant 0.000000e+00 : f32
    %broadcast_in_dim3A_177 = vector.shape_cast %ne3A_175 : vector<4096x1xi1> to vector<4096x1xi1>
    %broadcast_in_dim3A_178 = vector.broadcast %broadcast_in_dim3A_177 : vector<4096x1xi1> to vector<4096x48xi1>
    %broadcast_in_dim3A_179 = vector.broadcast %jit3A_176 : f32 to vector<4096x48xf32>
    %select_n3A_180 = arith.select %broadcast_in_dim3A_178, %get3A_172, %broadcast_in_dim3A_179 : vector<4096x48xi1>, vector<4096x48xf32>
    %get3A_181 = arith.constant 2 : index
    %get3A_182 = arith.constant 2 : index
    %get3A_183 = arith.constant 0 : index
    %get3A_184 = arith.constant 0 : index
    %get3A_185 = vector.load %arg6[%get3A_181, %get3A_182, %get3A_183, %get3A_184] : memref<3x3x48x96xf32, #tpu.memory_space<vmem>>, vector<1x1x48x96xf32>
    %get3A_186 = vector.shape_cast %get3A_185 : vector<1x1x48x96xf32> to vector<48x96xf32>
    %dot_general3A_187 = arith.constant dense<0.000000e+00> : vector<4096x96xf32>
    %dot_general3A_188 = tpu.matmul %select_n3A_180, %get3A_186, %dot_general3A_187 {dimension_numbers = #tpu.dot_dimension_numbers<[1], [0], [0], [1], [0, 0, 1, 1], [], []>, transpose_lhs_hint = false} : vector<4096x48xf32>, vector<48x96xf32>, vector<4096x96xf32> -> vector<4096x96xf32>
    %add3A_189 = arith.addf %add3A_169, %dot_general3A_188 : vector<4096x96xf32>
    %get3A_190 = arith.constant 0 : index
    %get3A_191 = arith.constant 0 : index
    %get3A_192 = vector.load %arg7[%get3A_190, %get3A_191] : memref<1x96xf32, #tpu.memory_space<vmem>>, vector<1x96xf32>
    %add3A_193 = vector.broadcast %get3A_192 : vector<1x96xf32> to vector<4096x96xf32>
    %add3A_194 = arith.addf %add3A_189, %add3A_193 : vector<4096x96xf32>
    %logistic3A_195 = arith.negf %add3A_194 : vector<4096x96xf32>
    %logistic3A_196 = math.exp %logistic3A_195 : vector<4096x96xf32>
    %logistic3A_197 = arith.constant 1.000000e+00 : f32
    %logistic3A_198 = vector.broadcast %logistic3A_197 : f32 to vector<4096x96xf32>
    %logistic3A_199 = arith.addf %logistic3A_198, %logistic3A_196 : vector<4096x96xf32>
    %logistic3A_200 = arith.divf %logistic3A_198, %logistic3A_199 : vector<4096x96xf32>
    %mul3A_201 = arith.mulf %add3A_194, %logistic3A_200 : vector<4096x96xf32>
    %add3A_202 = arith.addf %get3A_8, %mul3A_201 : vector<4096x96xf32>
    %get3A_203 = arith.constant 0 : index
    %get3A_204 = arith.constant 0 : index
    %get3A_205 = vector.load %arg8[%get3A_203, %get3A_204] : memref<96x128xf32, #tpu.memory_space<vmem>>, vector<96x128xf32>
    %dot_general3A_206 = arith.constant dense<0.000000e+00> : vector<4096x128xf32>
    %dot_general3A_207 = tpu.matmul %add3A_202, %get3A_205, %dot_general3A_206 {dimension_numbers = #tpu.dot_dimension_numbers<[1], [0], [0], [1], [0, 0, 1, 1], [], []>, transpose_lhs_hint = false} : vector<4096x96xf32>, vector<96x128xf32>, vector<4096x128xf32> -> vector<4096x128xf32>
    %get3A_208 = arith.constant 0 : index
    %get3A_209 = arith.constant 0 : index
    %get3A_210 = vector.load %arg9[%get3A_208, %get3A_209] : memref<1x128xf32, #tpu.memory_space<vmem>>, vector<1x128xf32>
    %add3A_211 = vector.broadcast %get3A_210 : vector<1x128xf32> to vector<4096x128xf32>
    %add3A_212 = arith.addf %dot_general3A_207, %add3A_211 : vector<4096x128xf32>
    %get3A_213 = arith.constant 0 : index
    %get3A_214 = arith.constant 0 : index
    %get3A_215 = arith.constant 0 : index
    %get3A_216 = vector.load %arg3[%get3A_213, %get3A_214, %get3A_215] : memref<1x80x512xf32, #tpu.memory_space<vmem>>, vector<1x80x512xf32>
    %get3A_217 = vector.shape_cast %get3A_216 : vector<1x80x512xf32> to vector<80x512xf32>
    %get3A_218 = arith.constant 0 : index
    %get3A_219 = arith.constant 0 : index
    %get3A_220 = vector.load %arg10[%get3A_218, %get3A_219] : memref<512x128xf32, #tpu.memory_space<vmem>>, vector<512x128xf32>
    %dot_general3A_221 = arith.constant dense<0.000000e+00> : vector<80x128xf32>
    %dot_general3A_222 = tpu.matmul %get3A_217, %get3A_220, %dot_general3A_221 {dimension_numbers = #tpu.dot_dimension_numbers<[1], [0], [0], [1], [0, 0, 1, 1], [], []>, transpose_lhs_hint = false} : vector<80x512xf32>, vector<512x128xf32>, vector<80x128xf32> -> vector<80x128xf32>
    %get3A_223 = arith.constant 0 : index
    %get3A_224 = arith.constant 0 : index
    %get3A_225 = vector.load %arg11[%get3A_223, %get3A_224] : memref<1x128xf32, #tpu.memory_space<vmem>>, vector<1x128xf32>
    %add3A_226 = vector.broadcast %get3A_225 : vector<1x128xf32> to vector<80x128xf32>
    %add3A_227 = arith.addf %dot_general3A_222, %add3A_226 : vector<80x128xf32>
    %dot_general3A_228 = arith.constant dense<0.000000e+00> : vector<4096x80xf32>
    %dot_general3A_229 = tpu.matmul %add3A_212, %add3A_227, %dot_general3A_228 {dimension_numbers = #tpu.dot_dimension_numbers<[1], [1], [0], [0], [0, 0, 1, 0], [], []>, transpose_lhs_hint = false} : vector<4096x128xf32>, vector<80x128xf32>, vector<4096x80xf32> -> vector<4096x80xf32>
    %reduce_max3A = arith.constant dense<0xFF800000> : vector<4096xf32>
    %reduce_max3A_230 = vector.multi_reduction <maximumf>, %dot_general3A_229, %reduce_max3A [1] : vector<4096x80xf32> to vector<4096xf32>
    %broadcast_in_dim3A_231 = vector.shape_cast %reduce_max3A_230 : vector<4096xf32> to vector<4096x1xf32>
    %mul3A_232 = arith.constant 0.0883883461 : f32
    %mul3A_233 = vector.broadcast %mul3A_232 : f32 to vector<4096x1xf32>
    %mul3A_234 = arith.mulf %broadcast_in_dim3A_231, %mul3A_233 : vector<4096x1xf32>
    %get3A_235 = arith.constant 0 : index
    %get3A_236 = arith.constant 0 : index
    %get3A_237 = vector.load %arg12[%get3A_235, %get3A_236] : memref<1x1xf32, #tpu.memory_space<vmem>>, vector<1x1xf32>
    %add3A_238 = vector.broadcast %get3A_237 : vector<1x1xf32> to vector<4096x1xf32>
    %add3A_239 = arith.addf %mul3A_234, %add3A_238 : vector<4096x1xf32>
    %logistic3A_240 = arith.negf %add3A_239 : vector<4096x1xf32>
    %logistic3A_241 = math.exp %logistic3A_240 : vector<4096x1xf32>
    %logistic3A_242 = arith.constant 1.000000e+00 : f32
    %logistic3A_243 = vector.broadcast %logistic3A_242 : f32 to vector<4096x1xf32>
    %logistic3A_244 = arith.addf %logistic3A_243, %logistic3A_241 : vector<4096x1xf32>
    %logistic3A_245 = arith.divf %logistic3A_243, %logistic3A_244 : vector<4096x1xf32>
    %dot_general3A_246 = arith.constant dense<0.000000e+00> : vector<80x4096xf32>
    %dot_general3A_247 = tpu.matmul %add3A_227, %add3A_212, %dot_general3A_246 {dimension_numbers = #tpu.dot_dimension_numbers<[1], [1], [0], [0], [0, 0, 1, 0], [], []>, transpose_lhs_hint = false} : vector<80x128xf32>, vector<4096x128xf32>, vector<80x4096xf32> -> vector<80x4096xf32>
    %reduce_max3A_248 = arith.constant dense<0xFF800000> : vector<4096xf32>
    %reduce_max3A_249 = vector.multi_reduction <maximumf>, %dot_general3A_247, %reduce_max3A_248 [0] : vector<80x4096xf32> to vector<4096xf32>
    %broadcast_in_dim3A_250 = vector.shape_cast %reduce_max3A_249 : vector<4096xf32> to vector<1x4096xf32>
    %mul3A_251 = arith.constant 0.0883883461 : f32
    %mul3A_252 = vector.broadcast %mul3A_251 : f32 to vector<1x4096xf32>
    %mul3A_253 = arith.mulf %broadcast_in_dim3A_250, %mul3A_252 : vector<1x4096xf32>
    %get3A_254 = arith.constant 0 : index
    %get3A_255 = arith.constant 0 : index
    %get3A_256 = vector.load %arg12[%get3A_254, %get3A_255] : memref<1x1xf32, #tpu.memory_space<vmem>>, vector<1x1xf32>
    %add3A_257 = vector.broadcast %get3A_256 : vector<1x1xf32> to vector<1x4096xf32>
    %add3A_258 = arith.addf %mul3A_253, %add3A_257 : vector<1x4096xf32>
    %logistic3A_259 = arith.negf %add3A_258 : vector<1x4096xf32>
    %logistic3A_260 = math.exp %logistic3A_259 : vector<1x4096xf32>
    %logistic3A_261 = arith.constant 1.000000e+00 : f32
    %logistic3A_262 = vector.broadcast %logistic3A_261 : f32 to vector<1x4096xf32>
    %logistic3A_263 = arith.addf %logistic3A_262, %logistic3A_260 : vector<1x4096xf32>
    %logistic3A_264 = arith.divf %logistic3A_262, %logistic3A_263 : vector<1x4096xf32>
    %broadcast_in_dim3A_265 = arith.constant 0.000000e+00 : f32
    %broadcast_in_dim3A_266 = vector.broadcast %broadcast_in_dim3A_265 : f32 to vector<65x96xf32>
    %swap3A_267 = arith.constant 0 : index
    %swap3A_268 = arith.constant 0 : index
    %swap3A_269 = vector.load %arg20[%swap3A_267, %swap3A_268] : memref<4226x96xf32, #tpu.memory_space<vmem>>, vector<65x96xf32>
    tpu.vector_store %arg20[%swap3A_267, %swap3A_268], %broadcast_in_dim3A_266 {strides = array<i32>} : memref<4226x96xf32, #tpu.memory_space<vmem>>, vector<65x96xf32>,
    %swap3A_270 = arith.constant 65 : index
    %swap3A_271 = arith.constant 0 : index
    %swap3A_272 = vector.load %arg20[%swap3A_270, %swap3A_271] : memref<4226x96xf32, #tpu.memory_space<vmem>>, vector<4096x96xf32>
    tpu.vector_store %arg20[%swap3A_270, %swap3A_271], %add3A_202 {strides = array<i32>} : memref<4226x96xf32, #tpu.memory_space<vmem>>, vector<4096x96xf32>,
    %broadcast_in_dim3A_273 = arith.constant 0.000000e+00 : f32
    %broadcast_in_dim3A_274 = vector.broadcast %broadcast_in_dim3A_273 : f32 to vector<65x96xf32>
    %swap3A_275 = arith.constant 4161 : index
    %swap3A_276 = arith.constant 0 : index
    %swap3A_277 = vector.load %arg20[%swap3A_275, %swap3A_276] : memref<4226x96xf32, #tpu.memory_space<vmem>>, vector<65x96xf32>
    tpu.vector_store %arg20[%swap3A_275, %swap3A_276], %broadcast_in_dim3A_274 {strides = array<i32>} : memref<4226x96xf32, #tpu.memory_space<vmem>>, vector<65x96xf32>,
    %iota3A_278 = tpu.iota {dimensions = array<i32: 0>} : vector<4096x1xi32>
    %and3A_279 = arith.constant 63 : i32
    %and3A_280 = vector.broadcast %and3A_279 : i32 to vector<4096x1xi32>
    %and3A_281 = arith.andi %iota3A_278, %and3A_280 : vector<4096x1xi32>
    %broadcast_in_dim3A_282 = arith.constant 0.000000e+00 : f32
    %broadcast_in_dim3A_283 = vector.broadcast %broadcast_in_dim3A_282 : f32 to vector<4096x96xf32>
    %get3A_284 = arith.constant 0 : index
    %get3A_285 = arith.constant 0 : index
    %get3A_286 = vector.load %arg20[%get3A_284, %get3A_285] : memref<4226x96xf32, #tpu.memory_space<vmem>>, vector<4096x96xf32>
    %ne3A_287 = arith.constant 0 : i32
    %ne3A_288 = vector.broadcast %ne3A_287 : i32 to vector<4096x1xi32>
    %ne3A_289 = arith.cmpi ne, %and3A_281, %ne3A_288 : vector<4096x1xi32>
    %jit3A_290 = arith.constant 0.000000e+00 : f32
    %broadcast_in_dim3A_291 = vector.shape_cast %ne3A_289 : vector<4096x1xi1> to vector<4096x1xi1>
    %broadcast_in_dim3A_292 = vector.broadcast %broadcast_in_dim3A_291 : vector<4096x1xi1> to vector<4096x96xi1>
    %broadcast_in_dim3A_293 = vector.broadcast %jit3A_290 : f32 to vector<4096x96xf32>
    %select_n3A_294 = arith.select %broadcast_in_dim3A_292, %get3A_286, %broadcast_in_dim3A_293 : vector<4096x96xi1>, vector<4096x96xf32>
    %get3A_295 = arith.constant 0 : index
    %get3A_296 = arith.constant 0 : index
    %get3A_297 = arith.constant 0 : index
    %get3A_298 = arith.constant 0 : index
    %get3A_299 = vector.load %arg13[%get3A_295, %get3A_296, %get3A_297, %get3A_298] : memref<3x3x96x96xf32, #tpu.memory_space<vmem>>, vector<1x1x96x96xf32>
    %get3A_300 = vector.shape_cast %get3A_299 : vector<1x1x96x96xf32> to vector<96x96xf32>
    %dot_general3A_301 = arith.constant dense<0.000000e+00> : vector<4096x96xf32>
    %dot_general3A_302 = tpu.matmul %select_n3A_294, %get3A_300, %dot_general3A_301 {dimension_numbers = #tpu.dot_dimension_numbers<[1], [0], [0], [1], [0, 0, 1, 1], [], []>, transpose_lhs_hint = false} : vector<4096x96xf32>, vector<96x96xf32>, vector<4096x96xf32> -> vector<4096x96xf32>
    %add3A_303 = arith.addf %broadcast_in_dim3A_283, %dot_general3A_302 : vector<4096x96xf32>
    %get3A_304 = arith.constant 1 : index
    %get3A_305 = arith.constant 0 : index
    %get3A_306 = vector.load %arg20[%get3A_304, %get3A_305] : memref<4226x96xf32, #tpu.memory_space<vmem>>, vector<4096x96xf32>
    %get3A_307 = arith.constant 0 : index
    %get3A_308 = arith.constant 1 : index
    %get3A_309 = arith.constant 0 : index
    %get3A_310 = arith.constant 0 : index
    %get3A_311 = vector.load %arg13[%get3A_307, %get3A_308, %get3A_309, %get3A_310] : memref<3x3x96x96xf32, #tpu.memory_space<vmem>>, vector<1x1x96x96xf32>
    %get3A_312 = vector.shape_cast %get3A_311 : vector<1x1x96x96xf32> to vector<96x96xf32>
    %dot_general3A_313 = arith.constant dense<0.000000e+00> : vector<4096x96xf32>
    %dot_general3A_314 = tpu.matmul %get3A_306, %get3A_312, %dot_general3A_313 {dimension_numbers = #tpu.dot_dimension_numbers<[1], [0], [0], [1], [0, 0, 1, 1], [], []>, transpose_lhs_hint = false} : vector<4096x96xf32>, vector<96x96xf32>, vector<4096x96xf32> -> vector<4096x96xf32>
    %add3A_315 = arith.addf %add3A_303, %dot_general3A_314 : vector<4096x96xf32>
    %get3A_316 = arith.constant 2 : index
    %get3A_317 = arith.constant 0 : index
    %get3A_318 = vector.load %arg20[%get3A_316, %get3A_317] : memref<4226x96xf32, #tpu.memory_space<vmem>>, vector<4096x96xf32>
    %ne3A_319 = arith.constant 63 : i32
    %ne3A_320 = vector.broadcast %ne3A_319 : i32 to vector<4096x1xi32>
    %ne3A_321 = arith.cmpi ne, %and3A_281, %ne3A_320 : vector<4096x1xi32>
    %jit3A_322 = arith.constant 0.000000e+00 : f32
    %broadcast_in_dim3A_323 = vector.shape_cast %ne3A_321 : vector<4096x1xi1> to vector<4096x1xi1>
    %broadcast_in_dim3A_324 = vector.broadcast %broadcast_in_dim3A_323 : vector<4096x1xi1> to vector<4096x96xi1>
    %broadcast_in_dim3A_325 = vector.broadcast %jit3A_322 : f32 to vector<4096x96xf32>
    %select_n3A_326 = arith.select %broadcast_in_dim3A_324, %get3A_318, %broadcast_in_dim3A_325 : vector<4096x96xi1>, vector<4096x96xf32>
    %get3A_327 = arith.constant 0 : index
    %get3A_328 = arith.constant 2 : index
    %get3A_329 = arith.constant 0 : index
    %get3A_330 = arith.constant 0 : index
    %get3A_331 = vector.load %arg13[%get3A_327, %get3A_328, %get3A_329, %get3A_330] : memref<3x3x96x96xf32, #tpu.memory_space<vmem>>, vector<1x1x96x96xf32>
    %get3A_332 = vector.shape_cast %get3A_331 : vector<1x1x96x96xf32> to vector<96x96xf32>
    %dot_general3A_333 = arith.constant dense<0.000000e+00> : vector<4096x96xf32>
    %dot_general3A_334 = tpu.matmul %select_n3A_326, %get3A_332, %dot_general3A_333 {dimension_numbers = #tpu.dot_dimension_numbers<[1], [0], [0], [1], [0, 0, 1, 1], [], []>, transpose_lhs_hint = false} : vector<4096x96xf32>, vector<96x96xf32>, vector<4096x96xf32> -> vector<4096x96xf32>
    %add3A_335 = arith.addf %add3A_315, %dot_general3A_334 : vector<4096x96xf32>
    %get3A_336 = arith.constant 64 : index
    %get3A_337 = arith.constant 0 : index
    %get3A_338 = vector.load %arg20[%get3A_336, %get3A_337] : memref<4226x96xf32, #tpu.memory_space<vmem>>, vector<4096x96xf32>
    %ne3A_339 = arith.constant 0 : i32
    %ne3A_340 = vector.broadcast %ne3A_339 : i32 to vector<4096x1xi32>
    %ne3A_341 = arith.cmpi ne, %and3A_281, %ne3A_340 : vector<4096x1xi32>
    %jit3A_342 = arith.constant 0.000000e+00 : f32
    %broadcast_in_dim3A_343 = vector.shape_cast %ne3A_341 : vector<4096x1xi1> to vector<4096x1xi1>
    %broadcast_in_dim3A_344 = vector.broadcast %broadcast_in_dim3A_343 : vector<4096x1xi1> to vector<4096x96xi1>
    %broadcast_in_dim3A_345 = vector.broadcast %jit3A_342 : f32 to vector<4096x96xf32>
    %select_n3A_346 = arith.select %broadcast_in_dim3A_344, %get3A_338, %broadcast_in_dim3A_345 : vector<4096x96xi1>, vector<4096x96xf32>
    %get3A_347 = arith.constant 1 : index
    %get3A_348 = arith.constant 0 : index
    %get3A_349 = arith.constant 0 : index
    %get3A_350 = arith.constant 0 : index
    %get3A_351 = vector.load %arg13[%get3A_347, %get3A_348, %get3A_349, %get3A_350] : memref<3x3x96x96xf32, #tpu.memory_space<vmem>>, vector<1x1x96x96xf32>
    %get3A_352 = vector.shape_cast %get3A_351 : vector<1x1x96x96xf32> to vector<96x96xf32>
    %dot_general3A_353 = arith.constant dense<0.000000e+00> : vector<4096x96xf32>
    %dot_general3A_354 = tpu.matmul %select_n3A_346, %get3A_352, %dot_general3A_353 {dimension_numbers = #tpu.dot_dimension_numbers<[1], [0], [0], [1], [0, 0, 1, 1], [], []>, transpose_lhs_hint = false} : vector<4096x96xf32>, vector<96x96xf32>, vector<4096x96xf32> -> vector<4096x96xf32>
    %add3A_355 = arith.addf %add3A_335, %dot_general3A_354 : vector<4096x96xf32>
    %get3A_356 = arith.constant 65 : index
    %get3A_357 = arith.constant 0 : index
    %get3A_358 = vector.load %arg20[%get3A_356, %get3A_357] : memref<4226x96xf32, #tpu.memory_space<vmem>>, vector<4096x96xf32>
    %get3A_359 = arith.constant 1 : index
    %get3A_360 = arith.constant 1 : index
    %get3A_361 = arith.constant 0 : index
    %get3A_362 = arith.constant 0 : index
    %get3A_363 = vector.load %arg13[%get3A_359, %get3A_360, %get3A_361, %get3A_362] : memref<3x3x96x96xf32, #tpu.memory_space<vmem>>, vector<1x1x96x96xf32>
    %get3A_364 = vector.shape_cast %get3A_363 : vector<1x1x96x96xf32> to vector<96x96xf32>
    %dot_general3A_365 = arith.constant dense<0.000000e+00> : vector<4096x96xf32>
    %dot_general3A_366 = tpu.matmul %get3A_358, %get3A_364, %dot_general3A_365 {dimension_numbers = #tpu.dot_dimension_numbers<[1], [0], [0], [1], [0, 0, 1, 1], [], []>, transpose_lhs_hint = false} : vector<4096x96xf32>, vector<96x96xf32>, vector<4096x96xf32> -> vector<4096x96xf32>
    %add3A_367 = arith.addf %add3A_355, %dot_general3A_366 : vector<4096x96xf32>
    %get3A_368 = arith.constant 66 : index
    %get3A_369 = arith.constant 0 : index
    %get3A_370 = vector.load %arg20[%get3A_368, %get3A_369] : memref<4226x96xf32, #tpu.memory_space<vmem>>, vector<4096x96xf32>
    %ne3A_371 = arith.constant 63 : i32
    %ne3A_372 = vector.broadcast %ne3A_371 : i32 to vector<4096x1xi32>
    %ne3A_373 = arith.cmpi ne, %and3A_281, %ne3A_372 : vector<4096x1xi32>
    %jit3A_374 = arith.constant 0.000000e+00 : f32
    %broadcast_in_dim3A_375 = vector.shape_cast %ne3A_373 : vector<4096x1xi1> to vector<4096x1xi1>
    %broadcast_in_dim3A_376 = vector.broadcast %broadcast_in_dim3A_375 : vector<4096x1xi1> to vector<4096x96xi1>
    %broadcast_in_dim3A_377 = vector.broadcast %jit3A_374 : f32 to vector<4096x96xf32>
    %select_n3A_378 = arith.select %broadcast_in_dim3A_376, %get3A_370, %broadcast_in_dim3A_377 : vector<4096x96xi1>, vector<4096x96xf32>
    %get3A_379 = arith.constant 1 : index
    %get3A_380 = arith.constant 2 : index
    %get3A_381 = arith.constant 0 : index
    %get3A_382 = arith.constant 0 : index
    %get3A_383 = vector.load %arg13[%get3A_379, %get3A_380, %get3A_381, %get3A_382] : memref<3x3x96x96xf32, #tpu.memory_space<vmem>>, vector<1x1x96x96xf32>
    %get3A_384 = vector.shape_cast %get3A_383 : vector<1x1x96x96xf32> to vector<96x96xf32>
    %dot_general3A_385 = arith.constant dense<0.000000e+00> : vector<4096x96xf32>
    %dot_general3A_386 = tpu.matmul %select_n3A_378, %get3A_384, %dot_general3A_385 {dimension_numbers = #tpu.dot_dimension_numbers<[1], [0], [0], [1], [0, 0, 1, 1], [], []>, transpose_lhs_hint = false} : vector<4096x96xf32>, vector<96x96xf32>, vector<4096x96xf32> -> vector<4096x96xf32>
    %add3A_387 = arith.addf %add3A_367, %dot_general3A_386 : vector<4096x96xf32>
    %get3A_388 = arith.constant 128 : index
    %get3A_389 = arith.constant 0 : index
    %get3A_390 = vector.load %arg20[%get3A_388, %get3A_389] : memref<4226x96xf32, #tpu.memory_space<vmem>>, vector<4096x96xf32>
    %ne3A_391 = arith.constant 0 : i32
    %ne3A_392 = vector.broadcast %ne3A_391 : i32 to vector<4096x1xi32>
    %ne3A_393 = arith.cmpi ne, %and3A_281, %ne3A_392 : vector<4096x1xi32>
    %jit3A_394 = arith.constant 0.000000e+00 : f32
    %broadcast_in_dim3A_395 = vector.shape_cast %ne3A_393 : vector<4096x1xi1> to vector<4096x1xi1>
    %broadcast_in_dim3A_396 = vector.broadcast %broadcast_in_dim3A_395 : vector<4096x1xi1> to vector<4096x96xi1>
    %broadcast_in_dim3A_397 = vector.broadcast %jit3A_394 : f32 to vector<4096x96xf32>
    %select_n3A_398 = arith.select %broadcast_in_dim3A_396, %get3A_390, %broadcast_in_dim3A_397 : vector<4096x96xi1>, vector<4096x96xf32>
    %get3A_399 = arith.constant 2 : index
    %get3A_400 = arith.constant 0 : index
    %get3A_401 = arith.constant 0 : index
    %get3A_402 = arith.constant 0 : index
    %get3A_403 = vector.load %arg13[%get3A_399, %get3A_400, %get3A_401, %get3A_402] : memref<3x3x96x96xf32, #tpu.memory_space<vmem>>, vector<1x1x96x96xf32>
    %get3A_404 = vector.shape_cast %get3A_403 : vector<1x1x96x96xf32> to vector<96x96xf32>
    %dot_general3A_405 = arith.constant dense<0.000000e+00> : vector<4096x96xf32>
    %dot_general3A_406 = tpu.matmul %select_n3A_398, %get3A_404, %dot_general3A_405 {dimension_numbers = #tpu.dot_dimension_numbers<[1], [0], [0], [1], [0, 0, 1, 1], [], []>, transpose_lhs_hint = false} : vector<4096x96xf32>, vector<96x96xf32>, vector<4096x96xf32> -> vector<4096x96xf32>
    %add3A_407 = arith.addf %add3A_387, %dot_general3A_406 : vector<4096x96xf32>
    %get3A_408 = arith.constant 129 : index
    %get3A_409 = arith.constant 0 : index
    %get3A_410 = vector.load %arg20[%get3A_408, %get3A_409] : memref<4226x96xf32, #tpu.memory_space<vmem>>, vector<4096x96xf32>
    %get3A_411 = arith.constant 2 : index
    %get3A_412 = arith.constant 1 : index
    %get3A_413 = arith.constant 0 : index
    %get3A_414 = arith.constant 0 : index
    %get3A_415 = vector.load %arg13[%get3A_411, %get3A_412, %get3A_413, %get3A_414] : memref<3x3x96x96xf32, #tpu.memory_space<vmem>>, vector<1x1x96x96xf32>
    %get3A_416 = vector.shape_cast %get3A_415 : vector<1x1x96x96xf32> to vector<96x96xf32>
    %dot_general3A_417 = arith.constant dense<0.000000e+00> : vector<4096x96xf32>
    %dot_general3A_418 = tpu.matmul %get3A_410, %get3A_416, %dot_general3A_417 {dimension_numbers = #tpu.dot_dimension_numbers<[1], [0], [0], [1], [0, 0, 1, 1], [], []>, transpose_lhs_hint = false} : vector<4096x96xf32>, vector<96x96xf32>, vector<4096x96xf32> -> vector<4096x96xf32>
    %add3A_419 = arith.addf %add3A_407, %dot_general3A_418 : vector<4096x96xf32>
    %get3A_420 = arith.constant 130 : index
    %get3A_421 = arith.constant 0 : index
    %get3A_422 = vector.load %arg20[%get3A_420, %get3A_421] : memref<4226x96xf32, #tpu.memory_space<vmem>>, vector<4096x96xf32>
    %ne3A_423 = arith.constant 63 : i32
    %ne3A_424 = vector.broadcast %ne3A_423 : i32 to vector<4096x1xi32>
    %ne3A_425 = arith.cmpi ne, %and3A_281, %ne3A_424 : vector<4096x1xi32>
    %jit3A_426 = arith.constant 0.000000e+00 : f32
    %broadcast_in_dim3A_427 = vector.shape_cast %ne3A_425 : vector<4096x1xi1> to vector<4096x1xi1>
    %broadcast_in_dim3A_428 = vector.broadcast %broadcast_in_dim3A_427 : vector<4096x1xi1> to vector<4096x96xi1>
    %broadcast_in_dim3A_429 = vector.broadcast %jit3A_426 : f32 to vector<4096x96xf32>
    %select_n3A_430 = arith.select %broadcast_in_dim3A_428, %get3A_422, %broadcast_in_dim3A_429 : vector<4096x96xi1>, vector<4096x96xf32>
    %get3A_431 = arith.constant 2 : index
    %get3A_432 = arith.constant 2 : index
    %get3A_433 = arith.constant 0 : index
    %get3A_434 = arith.constant 0 : index
    %get3A_435 = vector.load %arg13[%get3A_431, %get3A_432, %get3A_433, %get3A_434] : memref<3x3x96x96xf32, #tpu.memory_space<vmem>>, vector<1x1x96x96xf32>
    %get3A_436 = vector.shape_cast %get3A_435 : vector<1x1x96x96xf32> to vector<96x96xf32>
    %dot_general3A_437 = arith.constant dense<0.000000e+00> : vector<4096x96xf32>
    %dot_general3A_438 = tpu.matmul %select_n3A_430, %get3A_436, %dot_general3A_437 {dimension_numbers = #tpu.dot_dimension_numbers<[1], [0], [0], [1], [0, 0, 1, 1], [], []>, transpose_lhs_hint = false} : vector<4096x96xf32>, vector<96x96xf32>, vector<4096x96xf32> -> vector<4096x96xf32>
    %add3A_439 = arith.addf %add3A_419, %dot_general3A_438 : vector<4096x96xf32>
    %get3A_440 = arith.constant 0 : index
    %get3A_441 = arith.constant 0 : index
    %get3A_442 = vector.load %arg14[%get3A_440, %get3A_441] : memref<1x96xf32, #tpu.memory_space<vmem>>, vector<1x96xf32>
    %add3A_443 = vector.broadcast %get3A_442 : vector<1x96xf32> to vector<4096x96xf32>
    %add3A_444 = arith.addf %add3A_439, %add3A_443 : vector<4096x96xf32>
    %mul3A_445 = vector.broadcast %logistic3A_245 : vector<4096x1xf32> to vector<4096x96xf32>
    %mul3A_446 = arith.mulf %add3A_444, %mul3A_445 : vector<4096x96xf32>
    %get3A_447 = arith.constant 0 : index
    %get3A_448 = arith.constant 0 : index
    %get3A_449 = vector.load %arg15[%get3A_447, %get3A_448] : memref<384x192xf32, #tpu.memory_space<vmem>>, vector<96x192xf32>
    %dot_general3A_450 = arith.constant dense<0.000000e+00> : vector<4096x192xf32>
    %dot_general3A_451 = tpu.matmul %get3A_3, %get3A_449, %dot_general3A_450 {dimension_numbers = #tpu.dot_dimension_numbers<[1], [0], [0], [1], [0, 0, 1, 1], [], []>, transpose_lhs_hint = false} : vector<4096x96xf32>, vector<96x192xf32>, vector<4096x192xf32> -> vector<4096x192xf32>
    %get3A_452 = arith.constant 96 : index
    %get3A_453 = arith.constant 0 : index
    %get3A_454 = vector.load %arg15[%get3A_452, %get3A_453] : memref<384x192xf32, #tpu.memory_space<vmem>>, vector<96x192xf32>
    %dot_general3A_455 = arith.constant dense<0.000000e+00> : vector<4096x192xf32>
    %dot_general3A_456 = tpu.matmul %get3A_8, %get3A_454, %dot_general3A_455 {dimension_numbers = #tpu.dot_dimension_numbers<[1], [0], [0], [1], [0, 0, 1, 1], [], []>, transpose_lhs_hint = false} : vector<4096x96xf32>, vector<96x192xf32>, vector<4096x192xf32> -> vector<4096x192xf32>
    %add3A_457 = arith.addf %dot_general3A_451, %dot_general3A_456 : vector<4096x192xf32>
    %get3A_458 = arith.constant 192 : index
    %get3A_459 = arith.constant 0 : index
    %get3A_460 = vector.load %arg15[%get3A_458, %get3A_459] : memref<384x192xf32, #tpu.memory_space<vmem>>, vector<96x192xf32>
    %dot_general3A_461 = arith.constant dense<0.000000e+00> : vector<4096x192xf32>
    %dot_general3A_462 = tpu.matmul %add3A_202, %get3A_460, %dot_general3A_461 {dimension_numbers = #tpu.dot_dimension_numbers<[1], [0], [0], [1], [0, 0, 1, 1], [], []>, transpose_lhs_hint = false} : vector<4096x96xf32>, vector<96x192xf32>, vector<4096x192xf32> -> vector<4096x192xf32>
    %add3A_463 = arith.addf %add3A_457, %dot_general3A_462 : vector<4096x192xf32>
    %get3A_464 = arith.constant 288 : index
    %get3A_465 = arith.constant 0 : index
    %get3A_466 = vector.load %arg15[%get3A_464, %get3A_465] : memref<384x192xf32, #tpu.memory_space<vmem>>, vector<96x192xf32>
    %dot_general3A_467 = arith.constant dense<0.000000e+00> : vector<4096x192xf32>
    %dot_general3A_468 = tpu.matmul %mul3A_446, %get3A_466, %dot_general3A_467 {dimension_numbers = #tpu.dot_dimension_numbers<[1], [0], [0], [1], [0, 0, 1, 1], [], []>, transpose_lhs_hint = false} : vector<4096x96xf32>, vector<96x192xf32>, vector<4096x192xf32> -> vector<4096x192xf32>
    %add3A_469 = arith.addf %add3A_463, %dot_general3A_468 : vector<4096x192xf32>
    %get3A_470 = arith.constant 0 : index
    %get3A_471 = arith.constant 0 : index
    %get3A_472 = vector.load %arg16[%get3A_470, %get3A_471] : memref<1x192xf32, #tpu.memory_space<vmem>>, vector<1x192xf32>
    %add3A_473 = vector.broadcast %get3A_472 : vector<1x192xf32> to vector<4096x192xf32>
    %add3A_474 = arith.addf %add3A_469, %add3A_473 : vector<4096x192xf32>
    %swap3A_475 = arith.constant 0 : index
    %swap3A_476 = arith.constant 0 : index
    %swap3A_477 = arith.constant 0 : index
    %swap3A_478 = vector.load %arg17[%swap3A_475, %swap3A_476, %swap3A_477] : memref<1x4096x192xf32, #tpu.memory_space<vmem>>, vector<1x4096x192xf32>
    %swap3A_479 = vector.shape_cast %swap3A_478 : vector<1x4096x192xf32> to vector<4096x192xf32>
    %swap3A_480 = vector.shape_cast %add3A_474 : vector<4096x192xf32> to vector<1x4096x192xf32>
    tpu.vector_store %arg17[%swap3A_475, %swap3A_476, %swap3A_477], %swap3A_480 {strides = array<i32>} : memref<1x4096x192xf32, #tpu.memory_space<vmem>>, vector<1x4096x192xf32>,
    %iota3A_481 = tpu.iota {dimensions = array<i32: 1>} : vector<1x4096xi32>
    %iota3A_482 = tpu.iota {dimensions = array<i32: 1>} : vector<1x20xi32>
    %broadcast_in_dim3A_483 = arith.constant 0 : i32
    %broadcast_in_dim3A_484 = vector.broadcast %broadcast_in_dim3A_483 : i32 to vector<1x20xi32>
    %reduce_max3A_485 = arith.constant dense<0xFF800000> : vector<1xf32>
    %reduce_max3A_486 = vector.multi_reduction <maximumf>, %logistic3A_264, %reduce_max3A_485 [1] : vector<1x4096xf32> to vector<1xf32>
    %broadcast_in_dim3A_487 = vector.shape_cast %reduce_max3A_486 : vector<1xf32> to vector<1x1xf32>
    %eq3A = vector.broadcast %broadcast_in_dim3A_487 : vector<1x1xf32> to vector<1x4096xf32>
    %eq3A_488 = arith.cmpf oeq, %logistic3A_264, %eq3A : vector<1x4096xf32>
    %jit3A_489 = arith.constant 4096 : i32
    %broadcast_in_dim3A_490 = vector.broadcast %jit3A_489 : i32 to vector<1x4096xi32>
    %select_n3A_491 = arith.select %eq3A_488, %iota3A_481, %broadcast_in_dim3A_490 : vector<1x4096xi1>, vector<1x4096xi32>
    %reduce_min3A = arith.constant dense<2147483647> : vector<1xi32>
    %reduce_min3A_492 = vector.multi_reduction <minsi>, %select_n3A_491, %reduce_min3A [1] : vector<1x4096xi32> to vector<1xi32>
    %broadcast_in_dim3A_493 = vector.shape_cast %reduce_min3A_492 : vector<1xi32> to vector<1x1xi32>
    %eq3A_494 = arith.constant 0 : i32
    %eq3A_495 = vector.broadcast %eq3A_494 : i32 to vector<1x20xi32>
    %eq3A_496 = arith.cmpi eq, %iota3A_482, %eq3A_495 : vector<1x20xi32>
    %jit3A_497 = arith.constant 0 : i32
    %broadcast_in_dim3A_498 = vector.shape_cast %broadcast_in_dim3A_493 : vector<1x1xi32> to vector<1x1xi32>
    %broadcast_in_dim3A_499 = vector.broadcast %broadcast_in_dim3A_498 : vector<1x1xi32> to vector<1x20xi32>
    %broadcast_in_dim3A_500 = vector.broadcast %jit3A_497 : i32 to vector<1x20xi32>
    %select_n3A_501 = arith.select %eq3A_496, %broadcast_in_dim3A_499, %broadcast_in_dim3A_500 : vector<1x20xi1>, vector<1x20xi32>
    %add3A_502 = arith.addi %broadcast_in_dim3A_484, %select_n3A_501 : vector<1x20xi32>
    %eq3A_503 = vector.broadcast %broadcast_in_dim3A_493 : vector<1x1xi32> to vector<1x4096xi32>
    %eq3A_504 = arith.cmpi eq, %iota3A_481, %eq3A_503 : vector<1x4096xi32>
    %jit3A_505 = arith.constant 0xFF800000 : f32
    %broadcast_in_dim3A_506 = vector.broadcast %jit3A_505 : f32 to vector<1x4096xf32>
    %select_n3A_507 = arith.select %eq3A_504, %broadcast_in_dim3A_506, %logistic3A_264 : vector<1x4096xi1>, vector<1x4096xf32>
    %reduce_max3A_508 = arith.constant dense<0xFF800000> : vector<1xf32>
    %reduce_max3A_509 = vector.multi_reduction <maximumf>, %select_n3A_507, %reduce_max3A_508 [1] : vector<1x4096xf32> to vector<1xf32>
    %broadcast_in_dim3A_510 = vector.shape_cast %reduce_max3A_509 : vector<1xf32> to vector<1x1xf32>
    %eq3A_511 = vector.broadcast %broadcast_in_dim3A_510 : vector<1x1xf32> to vector<1x4096xf32>
    %eq3A_512 = arith.cmpf oeq, %select_n3A_507, %eq3A_511 : vector<1x4096xf32>
    %jit3A_513 = arith.constant 4096 : i32
    %broadcast_in_dim3A_514 = vector.broadcast %jit3A_513 : i32 to vector<1x4096xi32>
    %select_n3A_515 = arith.select %eq3A_512, %iota3A_481, %broadcast_in_dim3A_514 : vector<1x4096xi1>, vector<1x4096xi32>
    %reduce_min3A_516 = arith.constant dense<2147483647> : vector<1xi32>
    %reduce_min3A_517 = vector.multi_reduction <minsi>, %select_n3A_515, %reduce_min3A_516 [1] : vector<1x4096xi32> to vector<1xi32>
    %broadcast_in_dim3A_518 = vector.shape_cast %reduce_min3A_517 : vector<1xi32> to vector<1x1xi32>
    %eq3A_519 = arith.constant 1 : i32
    %eq3A_520 = vector.broadcast %eq3A_519 : i32 to vector<1x20xi32>
    %eq3A_521 = arith.cmpi eq, %iota3A_482, %eq3A_520 : vector<1x20xi32>
    %jit3A_522 = arith.constant 0 : i32
    %broadcast_in_dim3A_523 = vector.shape_cast %broadcast_in_dim3A_518 : vector<1x1xi32> to vector<1x1xi32>
    %broadcast_in_dim3A_524 = vector.broadcast %broadcast_in_dim3A_523 : vector<1x1xi32> to vector<1x20xi32>
    %broadcast_in_dim3A_525 = vector.broadcast %jit3A_522 : i32 to vector<1x20xi32>
    %select_n3A_526 = arith.select %eq3A_521, %broadcast_in_dim3A_524, %broadcast_in_dim3A_525 : vector<1x20xi1>, vector<1x20xi32>
    %add3A_527 = arith.addi %add3A_502, %select_n3A_526 : vector<1x20xi32>
    %eq3A_528 = vector.broadcast %broadcast_in_dim3A_518 : vector<1x1xi32> to vector<1x4096xi32>
    %eq3A_529 = arith.cmpi eq, %iota3A_481, %eq3A_528 : vector<1x4096xi32>
    %jit3A_530 = arith.constant 0xFF800000 : f32
    %broadcast_in_dim3A_531 = vector.broadcast %jit3A_530 : f32 to vector<1x4096xf32>
    %select_n3A_532 = arith.select %eq3A_529, %broadcast_in_dim3A_531, %select_n3A_507 : vector<1x4096xi1>, vector<1x4096xf32>
    %reduce_max3A_533 = arith.constant dense<0xFF800000> : vector<1xf32>
    %reduce_max3A_534 = vector.multi_reduction <maximumf>, %select_n3A_532, %reduce_max3A_533 [1] : vector<1x4096xf32> to vector<1xf32>
    %broadcast_in_dim3A_535 = vector.shape_cast %reduce_max3A_534 : vector<1xf32> to vector<1x1xf32>
    %eq3A_536 = vector.broadcast %broadcast_in_dim3A_535 : vector<1x1xf32> to vector<1x4096xf32>
    %eq3A_537 = arith.cmpf oeq, %select_n3A_532, %eq3A_536 : vector<1x4096xf32>
    %jit3A_538 = arith.constant 4096 : i32
    %broadcast_in_dim3A_539 = vector.broadcast %jit3A_538 : i32 to vector<1x4096xi32>
    %select_n3A_540 = arith.select %eq3A_537, %iota3A_481, %broadcast_in_dim3A_539 : vector<1x4096xi1>, vector<1x4096xi32>
    %reduce_min3A_541 = arith.constant dense<2147483647> : vector<1xi32>
    %reduce_min3A_542 = vector.multi_reduction <minsi>, %select_n3A_540, %reduce_min3A_541 [1] : vector<1x4096xi32> to vector<1xi32>
    %broadcast_in_dim3A_543 = vector.shape_cast %reduce_min3A_542 : vector<1xi32> to vector<1x1xi32>
    %eq3A_544 = arith.constant 2 : i32
    %eq3A_545 = vector.broadcast %eq3A_544 : i32 to vector<1x20xi32>
    %eq3A_546 = arith.cmpi eq, %iota3A_482, %eq3A_545 : vector<1x20xi32>
    %jit3A_547 = arith.constant 0 : i32
    %broadcast_in_dim3A_548 = vector.shape_cast %broadcast_in_dim3A_543 : vector<1x1xi32> to vector<1x1xi32>
    %broadcast_in_dim3A_549 = vector.broadcast %broadcast_in_dim3A_548 : vector<1x1xi32> to vector<1x20xi32>
    %broadcast_in_dim3A_550 = vector.broadcast %jit3A_547 : i32 to vector<1x20xi32>
    %select_n3A_551 = arith.select %eq3A_546, %broadcast_in_dim3A_549, %broadcast_in_dim3A_550 : vector<1x20xi1>, vector<1x20xi32>
    %add3A_552 = arith.addi %add3A_527, %select_n3A_551 : vector<1x20xi32>
    %eq3A_553 = vector.broadcast %broadcast_in_dim3A_543 : vector<1x1xi32> to vector<1x4096xi32>
    %eq3A_554 = arith.cmpi eq, %iota3A_481, %eq3A_553 : vector<1x4096xi32>
    %jit3A_555 = arith.constant 0xFF800000 : f32
    %broadcast_in_dim3A_556 = vector.broadcast %jit3A_555 : f32 to vector<1x4096xf32>
    %select_n3A_557 = arith.select %eq3A_554, %broadcast_in_dim3A_556, %select_n3A_532 : vector<1x4096xi1>, vector<1x4096xf32>
    %reduce_max3A_558 = arith.constant dense<0xFF800000> : vector<1xf32>
    %reduce_max3A_559 = vector.multi_reduction <maximumf>, %select_n3A_557, %reduce_max3A_558 [1] : vector<1x4096xf32> to vector<1xf32>
    %broadcast_in_dim3A_560 = vector.shape_cast %reduce_max3A_559 : vector<1xf32> to vector<1x1xf32>
    %eq3A_561 = vector.broadcast %broadcast_in_dim3A_560 : vector<1x1xf32> to vector<1x4096xf32>
    %eq3A_562 = arith.cmpf oeq, %select_n3A_557, %eq3A_561 : vector<1x4096xf32>
    %jit3A_563 = arith.constant 4096 : i32
    %broadcast_in_dim3A_564 = vector.broadcast %jit3A_563 : i32 to vector<1x4096xi32>
    %select_n3A_565 = arith.select %eq3A_562, %iota3A_481, %broadcast_in_dim3A_564 : vector<1x4096xi1>, vector<1x4096xi32>
    %reduce_min3A_566 = arith.constant dense<2147483647> : vector<1xi32>
    %reduce_min3A_567 = vector.multi_reduction <minsi>, %select_n3A_565, %reduce_min3A_566 [1] : vector<1x4096xi32> to vector<1xi32>
    %broadcast_in_dim3A_568 = vector.shape_cast %reduce_min3A_567 : vector<1xi32> to vector<1x1xi32>
    %eq3A_569 = arith.constant 3 : i32
    %eq3A_570 = vector.broadcast %eq3A_569 : i32 to vector<1x20xi32>
    %eq3A_571 = arith.cmpi eq, %iota3A_482, %eq3A_570 : vector<1x20xi32>
    %jit3A_572 = arith.constant 0 : i32
    %broadcast_in_dim3A_573 = vector.shape_cast %broadcast_in_dim3A_568 : vector<1x1xi32> to vector<1x1xi32>
    %broadcast_in_dim3A_574 = vector.broadcast %broadcast_in_dim3A_573 : vector<1x1xi32> to vector<1x20xi32>
    %broadcast_in_dim3A_575 = vector.broadcast %jit3A_572 : i32 to vector<1x20xi32>
    %select_n3A_576 = arith.select %eq3A_571, %broadcast_in_dim3A_574, %broadcast_in_dim3A_575 : vector<1x20xi1>, vector<1x20xi32>
    %add3A_577 = arith.addi %add3A_552, %select_n3A_576 : vector<1x20xi32>
    %eq3A_578 = vector.broadcast %broadcast_in_dim3A_568 : vector<1x1xi32> to vector<1x4096xi32>
    %eq3A_579 = arith.cmpi eq, %iota3A_481, %eq3A_578 : vector<1x4096xi32>
    %jit3A_580 = arith.constant 0xFF800000 : f32
    %broadcast_in_dim3A_581 = vector.broadcast %jit3A_580 : f32 to vector<1x4096xf32>
    %select_n3A_582 = arith.select %eq3A_579, %broadcast_in_dim3A_581, %select_n3A_557 : vector<1x4096xi1>, vector<1x4096xf32>
    %reduce_max3A_583 = arith.constant dense<0xFF800000> : vector<1xf32>
    %reduce_max3A_584 = vector.multi_reduction <maximumf>, %select_n3A_582, %reduce_max3A_583 [1] : vector<1x4096xf32> to vector<1xf32>
    %broadcast_in_dim3A_585 = vector.shape_cast %reduce_max3A_584 : vector<1xf32> to vector<1x1xf32>
    %eq3A_586 = vector.broadcast %broadcast_in_dim3A_585 : vector<1x1xf32> to vector<1x4096xf32>
    %eq3A_587 = arith.cmpf oeq, %select_n3A_582, %eq3A_586 : vector<1x4096xf32>
    %jit3A_588 = arith.constant 4096 : i32
    %broadcast_in_dim3A_589 = vector.broadcast %jit3A_588 : i32 to vector<1x4096xi32>
    %select_n3A_590 = arith.select %eq3A_587, %iota3A_481, %broadcast_in_dim3A_589 : vector<1x4096xi1>, vector<1x4096xi32>
    %reduce_min3A_591 = arith.constant dense<2147483647> : vector<1xi32>
    %reduce_min3A_592 = vector.multi_reduction <minsi>, %select_n3A_590, %reduce_min3A_591 [1] : vector<1x4096xi32> to vector<1xi32>
    %broadcast_in_dim3A_593 = vector.shape_cast %reduce_min3A_592 : vector<1xi32> to vector<1x1xi32>
    %eq3A_594 = arith.constant 4 : i32
    %eq3A_595 = vector.broadcast %eq3A_594 : i32 to vector<1x20xi32>
    %eq3A_596 = arith.cmpi eq, %iota3A_482, %eq3A_595 : vector<1x20xi32>
    %jit3A_597 = arith.constant 0 : i32
    %broadcast_in_dim3A_598 = vector.shape_cast %broadcast_in_dim3A_593 : vector<1x1xi32> to vector<1x1xi32>
    %broadcast_in_dim3A_599 = vector.broadcast %broadcast_in_dim3A_598 : vector<1x1xi32> to vector<1x20xi32>
    %broadcast_in_dim3A_600 = vector.broadcast %jit3A_597 : i32 to vector<1x20xi32>
    %select_n3A_601 = arith.select %eq3A_596, %broadcast_in_dim3A_599, %broadcast_in_dim3A_600 : vector<1x20xi1>, vector<1x20xi32>
    %add3A_602 = arith.addi %add3A_577, %select_n3A_601 : vector<1x20xi32>
    %eq3A_603 = vector.broadcast %broadcast_in_dim3A_593 : vector<1x1xi32> to vector<1x4096xi32>
    %eq3A_604 = arith.cmpi eq, %iota3A_481, %eq3A_603 : vector<1x4096xi32>
    %jit3A_605 = arith.constant 0xFF800000 : f32
    %broadcast_in_dim3A_606 = vector.broadcast %jit3A_605 : f32 to vector<1x4096xf32>
    %select_n3A_607 = arith.select %eq3A_604, %broadcast_in_dim3A_606, %select_n3A_582 : vector<1x4096xi1>, vector<1x4096xf32>
    %reduce_max3A_608 = arith.constant dense<0xFF800000> : vector<1xf32>
    %reduce_max3A_609 = vector.multi_reduction <maximumf>, %select_n3A_607, %reduce_max3A_608 [1] : vector<1x4096xf32> to vector<1xf32>
    %broadcast_in_dim3A_610 = vector.shape_cast %reduce_max3A_609 : vector<1xf32> to vector<1x1xf32>
    %eq3A_611 = vector.broadcast %broadcast_in_dim3A_610 : vector<1x1xf32> to vector<1x4096xf32>
    %eq3A_612 = arith.cmpf oeq, %select_n3A_607, %eq3A_611 : vector<1x4096xf32>
    %jit3A_613 = arith.constant 4096 : i32
    %broadcast_in_dim3A_614 = vector.broadcast %jit3A_613 : i32 to vector<1x4096xi32>
    %select_n3A_615 = arith.select %eq3A_612, %iota3A_481, %broadcast_in_dim3A_614 : vector<1x4096xi1>, vector<1x4096xi32>
    %reduce_min3A_616 = arith.constant dense<2147483647> : vector<1xi32>
    %reduce_min3A_617 = vector.multi_reduction <minsi>, %select_n3A_615, %reduce_min3A_616 [1] : vector<1x4096xi32> to vector<1xi32>
    %broadcast_in_dim3A_618 = vector.shape_cast %reduce_min3A_617 : vector<1xi32> to vector<1x1xi32>
    %eq3A_619 = arith.constant 5 : i32
    %eq3A_620 = vector.broadcast %eq3A_619 : i32 to vector<1x20xi32>
    %eq3A_621 = arith.cmpi eq, %iota3A_482, %eq3A_620 : vector<1x20xi32>
    %jit3A_622 = arith.constant 0 : i32
    %broadcast_in_dim3A_623 = vector.shape_cast %broadcast_in_dim3A_618 : vector<1x1xi32> to vector<1x1xi32>
    %broadcast_in_dim3A_624 = vector.broadcast %broadcast_in_dim3A_623 : vector<1x1xi32> to vector<1x20xi32>
    %broadcast_in_dim3A_625 = vector.broadcast %jit3A_622 : i32 to vector<1x20xi32>
    %select_n3A_626 = arith.select %eq3A_621, %broadcast_in_dim3A_624, %broadcast_in_dim3A_625 : vector<1x20xi1>, vector<1x20xi32>
    %add3A_627 = arith.addi %add3A_602, %select_n3A_626 : vector<1x20xi32>
    %eq3A_628 = vector.broadcast %broadcast_in_dim3A_618 : vector<1x1xi32> to vector<1x4096xi32>
    %eq3A_629 = arith.cmpi eq, %iota3A_481, %eq3A_628 : vector<1x4096xi32>
    %jit3A_630 = arith.constant 0xFF800000 : f32
    %broadcast_in_dim3A_631 = vector.broadcast %jit3A_630 : f32 to vector<1x4096xf32>
    %select_n3A_632 = arith.select %eq3A_629, %broadcast_in_dim3A_631, %select_n3A_607 : vector<1x4096xi1>, vector<1x4096xf32>
    %reduce_max3A_633 = arith.constant dense<0xFF800000> : vector<1xf32>
    %reduce_max3A_634 = vector.multi_reduction <maximumf>, %select_n3A_632, %reduce_max3A_633 [1] : vector<1x4096xf32> to vector<1xf32>
    %broadcast_in_dim3A_635 = vector.shape_cast %reduce_max3A_634 : vector<1xf32> to vector<1x1xf32>
    %eq3A_636 = vector.broadcast %broadcast_in_dim3A_635 : vector<1x1xf32> to vector<1x4096xf32>
    %eq3A_637 = arith.cmpf oeq, %select_n3A_632, %eq3A_636 : vector<1x4096xf32>
    %jit3A_638 = arith.constant 4096 : i32
    %broadcast_in_dim3A_639 = vector.broadcast %jit3A_638 : i32 to vector<1x4096xi32>
    %select_n3A_640 = arith.select %eq3A_637, %iota3A_481, %broadcast_in_dim3A_639 : vector<1x4096xi1>, vector<1x4096xi32>
    %reduce_min3A_641 = arith.constant dense<2147483647> : vector<1xi32>
    %reduce_min3A_642 = vector.multi_reduction <minsi>, %select_n3A_640, %reduce_min3A_641 [1] : vector<1x4096xi32> to vector<1xi32>
    %broadcast_in_dim3A_643 = vector.shape_cast %reduce_min3A_642 : vector<1xi32> to vector<1x1xi32>
    %eq3A_644 = arith.constant 6 : i32
    %eq3A_645 = vector.broadcast %eq3A_644 : i32 to vector<1x20xi32>
    %eq3A_646 = arith.cmpi eq, %iota3A_482, %eq3A_645 : vector<1x20xi32>
    %jit3A_647 = arith.constant 0 : i32
    %broadcast_in_dim3A_648 = vector.shape_cast %broadcast_in_dim3A_643 : vector<1x1xi32> to vector<1x1xi32>
    %broadcast_in_dim3A_649 = vector.broadcast %broadcast_in_dim3A_648 : vector<1x1xi32> to vector<1x20xi32>
    %broadcast_in_dim3A_650 = vector.broadcast %jit3A_647 : i32 to vector<1x20xi32>
    %select_n3A_651 = arith.select %eq3A_646, %broadcast_in_dim3A_649, %broadcast_in_dim3A_650 : vector<1x20xi1>, vector<1x20xi32>
    %add3A_652 = arith.addi %add3A_627, %select_n3A_651 : vector<1x20xi32>
    %eq3A_653 = vector.broadcast %broadcast_in_dim3A_643 : vector<1x1xi32> to vector<1x4096xi32>
    %eq3A_654 = arith.cmpi eq, %iota3A_481, %eq3A_653 : vector<1x4096xi32>
    %jit3A_655 = arith.constant 0xFF800000 : f32
    %broadcast_in_dim3A_656 = vector.broadcast %jit3A_655 : f32 to vector<1x4096xf32>
    %select_n3A_657 = arith.select %eq3A_654, %broadcast_in_dim3A_656, %select_n3A_632 : vector<1x4096xi1>, vector<1x4096xf32>
    %reduce_max3A_658 = arith.constant dense<0xFF800000> : vector<1xf32>
    %reduce_max3A_659 = vector.multi_reduction <maximumf>, %select_n3A_657, %reduce_max3A_658 [1] : vector<1x4096xf32> to vector<1xf32>
    %broadcast_in_dim3A_660 = vector.shape_cast %reduce_max3A_659 : vector<1xf32> to vector<1x1xf32>
    %eq3A_661 = vector.broadcast %broadcast_in_dim3A_660 : vector<1x1xf32> to vector<1x4096xf32>
    %eq3A_662 = arith.cmpf oeq, %select_n3A_657, %eq3A_661 : vector<1x4096xf32>
    %jit3A_663 = arith.constant 4096 : i32
    %broadcast_in_dim3A_664 = vector.broadcast %jit3A_663 : i32 to vector<1x4096xi32>
    %select_n3A_665 = arith.select %eq3A_662, %iota3A_481, %broadcast_in_dim3A_664 : vector<1x4096xi1>, vector<1x4096xi32>
    %reduce_min3A_666 = arith.constant dense<2147483647> : vector<1xi32>
    %reduce_min3A_667 = vector.multi_reduction <minsi>, %select_n3A_665, %reduce_min3A_666 [1] : vector<1x4096xi32> to vector<1xi32>
    %broadcast_in_dim3A_668 = vector.shape_cast %reduce_min3A_667 : vector<1xi32> to vector<1x1xi32>
    %eq3A_669 = arith.constant 7 : i32
    %eq3A_670 = vector.broadcast %eq3A_669 : i32 to vector<1x20xi32>
    %eq3A_671 = arith.cmpi eq, %iota3A_482, %eq3A_670 : vector<1x20xi32>
    %jit3A_672 = arith.constant 0 : i32
    %broadcast_in_dim3A_673 = vector.shape_cast %broadcast_in_dim3A_668 : vector<1x1xi32> to vector<1x1xi32>
    %broadcast_in_dim3A_674 = vector.broadcast %broadcast_in_dim3A_673 : vector<1x1xi32> to vector<1x20xi32>
    %broadcast_in_dim3A_675 = vector.broadcast %jit3A_672 : i32 to vector<1x20xi32>
    %select_n3A_676 = arith.select %eq3A_671, %broadcast_in_dim3A_674, %broadcast_in_dim3A_675 : vector<1x20xi1>, vector<1x20xi32>
    %add3A_677 = arith.addi %add3A_652, %select_n3A_676 : vector<1x20xi32>
    %eq3A_678 = vector.broadcast %broadcast_in_dim3A_668 : vector<1x1xi32> to vector<1x4096xi32>
    %eq3A_679 = arith.cmpi eq, %iota3A_481, %eq3A_678 : vector<1x4096xi32>
    %jit3A_680 = arith.constant 0xFF800000 : f32
    %broadcast_in_dim3A_681 = vector.broadcast %jit3A_680 : f32 to vector<1x4096xf32>
    %select_n3A_682 = arith.select %eq3A_679, %broadcast_in_dim3A_681, %select_n3A_657 : vector<1x4096xi1>, vector<1x4096xf32>
    %reduce_max3A_683 = arith.constant dense<0xFF800000> : vector<1xf32>
    %reduce_max3A_684 = vector.multi_reduction <maximumf>, %select_n3A_682, %reduce_max3A_683 [1] : vector<1x4096xf32> to vector<1xf32>
    %broadcast_in_dim3A_685 = vector.shape_cast %reduce_max3A_684 : vector<1xf32> to vector<1x1xf32>
    %eq3A_686 = vector.broadcast %broadcast_in_dim3A_685 : vector<1x1xf32> to vector<1x4096xf32>
    %eq3A_687 = arith.cmpf oeq, %select_n3A_682, %eq3A_686 : vector<1x4096xf32>
    %jit3A_688 = arith.constant 4096 : i32
    %broadcast_in_dim3A_689 = vector.broadcast %jit3A_688 : i32 to vector<1x4096xi32>
    %select_n3A_690 = arith.select %eq3A_687, %iota3A_481, %broadcast_in_dim3A_689 : vector<1x4096xi1>, vector<1x4096xi32>
    %reduce_min3A_691 = arith.constant dense<2147483647> : vector<1xi32>
    %reduce_min3A_692 = vector.multi_reduction <minsi>, %select_n3A_690, %reduce_min3A_691 [1] : vector<1x4096xi32> to vector<1xi32>
    %broadcast_in_dim3A_693 = vector.shape_cast %reduce_min3A_692 : vector<1xi32> to vector<1x1xi32>
    %eq3A_694 = arith.constant 8 : i32
    %eq3A_695 = vector.broadcast %eq3A_694 : i32 to vector<1x20xi32>
    %eq3A_696 = arith.cmpi eq, %iota3A_482, %eq3A_695 : vector<1x20xi32>
    %jit3A_697 = arith.constant 0 : i32
    %broadcast_in_dim3A_698 = vector.shape_cast %broadcast_in_dim3A_693 : vector<1x1xi32> to vector<1x1xi32>
    %broadcast_in_dim3A_699 = vector.broadcast %broadcast_in_dim3A_698 : vector<1x1xi32> to vector<1x20xi32>
    %broadcast_in_dim3A_700 = vector.broadcast %jit3A_697 : i32 to vector<1x20xi32>
    %select_n3A_701 = arith.select %eq3A_696, %broadcast_in_dim3A_699, %broadcast_in_dim3A_700 : vector<1x20xi1>, vector<1x20xi32>
    %add3A_702 = arith.addi %add3A_677, %select_n3A_701 : vector<1x20xi32>
    %eq3A_703 = vector.broadcast %broadcast_in_dim3A_693 : vector<1x1xi32> to vector<1x4096xi32>
    %eq3A_704 = arith.cmpi eq, %iota3A_481, %eq3A_703 : vector<1x4096xi32>
    %jit3A_705 = arith.constant 0xFF800000 : f32
    %broadcast_in_dim3A_706 = vector.broadcast %jit3A_705 : f32 to vector<1x4096xf32>
    %select_n3A_707 = arith.select %eq3A_704, %broadcast_in_dim3A_706, %select_n3A_682 : vector<1x4096xi1>, vector<1x4096xf32>
    %reduce_max3A_708 = arith.constant dense<0xFF800000> : vector<1xf32>
    %reduce_max3A_709 = vector.multi_reduction <maximumf>, %select_n3A_707, %reduce_max3A_708 [1] : vector<1x4096xf32> to vector<1xf32>
    %broadcast_in_dim3A_710 = vector.shape_cast %reduce_max3A_709 : vector<1xf32> to vector<1x1xf32>
    %eq3A_711 = vector.broadcast %broadcast_in_dim3A_710 : vector<1x1xf32> to vector<1x4096xf32>
    %eq3A_712 = arith.cmpf oeq, %select_n3A_707, %eq3A_711 : vector<1x4096xf32>
    %jit3A_713 = arith.constant 4096 : i32
    %broadcast_in_dim3A_714 = vector.broadcast %jit3A_713 : i32 to vector<1x4096xi32>
    %select_n3A_715 = arith.select %eq3A_712, %iota3A_481, %broadcast_in_dim3A_714 : vector<1x4096xi1>, vector<1x4096xi32>
    %reduce_min3A_716 = arith.constant dense<2147483647> : vector<1xi32>
    %reduce_min3A_717 = vector.multi_reduction <minsi>, %select_n3A_715, %reduce_min3A_716 [1] : vector<1x4096xi32> to vector<1xi32>
    %broadcast_in_dim3A_718 = vector.shape_cast %reduce_min3A_717 : vector<1xi32> to vector<1x1xi32>
    %eq3A_719 = arith.constant 9 : i32
    %eq3A_720 = vector.broadcast %eq3A_719 : i32 to vector<1x20xi32>
    %eq3A_721 = arith.cmpi eq, %iota3A_482, %eq3A_720 : vector<1x20xi32>
    %jit3A_722 = arith.constant 0 : i32
    %broadcast_in_dim3A_723 = vector.shape_cast %broadcast_in_dim3A_718 : vector<1x1xi32> to vector<1x1xi32>
    %broadcast_in_dim3A_724 = vector.broadcast %broadcast_in_dim3A_723 : vector<1x1xi32> to vector<1x20xi32>
    %broadcast_in_dim3A_725 = vector.broadcast %jit3A_722 : i32 to vector<1x20xi32>
    %select_n3A_726 = arith.select %eq3A_721, %broadcast_in_dim3A_724, %broadcast_in_dim3A_725 : vector<1x20xi1>, vector<1x20xi32>
    %add3A_727 = arith.addi %add3A_702, %select_n3A_726 : vector<1x20xi32>
    %eq3A_728 = vector.broadcast %broadcast_in_dim3A_718 : vector<1x1xi32> to vector<1x4096xi32>
    %eq3A_729 = arith.cmpi eq, %iota3A_481, %eq3A_728 : vector<1x4096xi32>
    %jit3A_730 = arith.constant 0xFF800000 : f32
    %broadcast_in_dim3A_731 = vector.broadcast %jit3A_730 : f32 to vector<1x4096xf32>
    %select_n3A_732 = arith.select %eq3A_729, %broadcast_in_dim3A_731, %select_n3A_707 : vector<1x4096xi1>, vector<1x4096xf32>
    %reduce_max3A_733 = arith.constant dense<0xFF800000> : vector<1xf32>
    %reduce_max3A_734 = vector.multi_reduction <maximumf>, %select_n3A_732, %reduce_max3A_733 [1] : vector<1x4096xf32> to vector<1xf32>
    %broadcast_in_dim3A_735 = vector.shape_cast %reduce_max3A_734 : vector<1xf32> to vector<1x1xf32>
    %eq3A_736 = vector.broadcast %broadcast_in_dim3A_735 : vector<1x1xf32> to vector<1x4096xf32>
    %eq3A_737 = arith.cmpf oeq, %select_n3A_732, %eq3A_736 : vector<1x4096xf32>
    %jit3A_738 = arith.constant 4096 : i32
    %broadcast_in_dim3A_739 = vector.broadcast %jit3A_738 : i32 to vector<1x4096xi32>
    %select_n3A_740 = arith.select %eq3A_737, %iota3A_481, %broadcast_in_dim3A_739 : vector<1x4096xi1>, vector<1x4096xi32>
    %reduce_min3A_741 = arith.constant dense<2147483647> : vector<1xi32>
    %reduce_min3A_742 = vector.multi_reduction <minsi>, %select_n3A_740, %reduce_min3A_741 [1] : vector<1x4096xi32> to vector<1xi32>
    %broadcast_in_dim3A_743 = vector.shape_cast %reduce_min3A_742 : vector<1xi32> to vector<1x1xi32>
    %eq3A_744 = arith.constant 10 : i32
    %eq3A_745 = vector.broadcast %eq3A_744 : i32 to vector<1x20xi32>
    %eq3A_746 = arith.cmpi eq, %iota3A_482, %eq3A_745 : vector<1x20xi32>
    %jit3A_747 = arith.constant 0 : i32
    %broadcast_in_dim3A_748 = vector.shape_cast %broadcast_in_dim3A_743 : vector<1x1xi32> to vector<1x1xi32>
    %broadcast_in_dim3A_749 = vector.broadcast %broadcast_in_dim3A_748 : vector<1x1xi32> to vector<1x20xi32>
    %broadcast_in_dim3A_750 = vector.broadcast %jit3A_747 : i32 to vector<1x20xi32>
    %select_n3A_751 = arith.select %eq3A_746, %broadcast_in_dim3A_749, %broadcast_in_dim3A_750 : vector<1x20xi1>, vector<1x20xi32>
    %add3A_752 = arith.addi %add3A_727, %select_n3A_751 : vector<1x20xi32>
    %eq3A_753 = vector.broadcast %broadcast_in_dim3A_743 : vector<1x1xi32> to vector<1x4096xi32>
    %eq3A_754 = arith.cmpi eq, %iota3A_481, %eq3A_753 : vector<1x4096xi32>
    %jit3A_755 = arith.constant 0xFF800000 : f32
    %broadcast_in_dim3A_756 = vector.broadcast %jit3A_755 : f32 to vector<1x4096xf32>
    %select_n3A_757 = arith.select %eq3A_754, %broadcast_in_dim3A_756, %select_n3A_732 : vector<1x4096xi1>, vector<1x4096xf32>
    %reduce_max3A_758 = arith.constant dense<0xFF800000> : vector<1xf32>
    %reduce_max3A_759 = vector.multi_reduction <maximumf>, %select_n3A_757, %reduce_max3A_758 [1] : vector<1x4096xf32> to vector<1xf32>
    %broadcast_in_dim3A_760 = vector.shape_cast %reduce_max3A_759 : vector<1xf32> to vector<1x1xf32>
    %eq3A_761 = vector.broadcast %broadcast_in_dim3A_760 : vector<1x1xf32> to vector<1x4096xf32>
    %eq3A_762 = arith.cmpf oeq, %select_n3A_757, %eq3A_761 : vector<1x4096xf32>
    %jit3A_763 = arith.constant 4096 : i32
    %broadcast_in_dim3A_764 = vector.broadcast %jit3A_763 : i32 to vector<1x4096xi32>
    %select_n3A_765 = arith.select %eq3A_762, %iota3A_481, %broadcast_in_dim3A_764 : vector<1x4096xi1>, vector<1x4096xi32>
    %reduce_min3A_766 = arith.constant dense<2147483647> : vector<1xi32>
    %reduce_min3A_767 = vector.multi_reduction <minsi>, %select_n3A_765, %reduce_min3A_766 [1] : vector<1x4096xi32> to vector<1xi32>
    %broadcast_in_dim3A_768 = vector.shape_cast %reduce_min3A_767 : vector<1xi32> to vector<1x1xi32>
    %eq3A_769 = arith.constant 11 : i32
    %eq3A_770 = vector.broadcast %eq3A_769 : i32 to vector<1x20xi32>
    %eq3A_771 = arith.cmpi eq, %iota3A_482, %eq3A_770 : vector<1x20xi32>
    %jit3A_772 = arith.constant 0 : i32
    %broadcast_in_dim3A_773 = vector.shape_cast %broadcast_in_dim3A_768 : vector<1x1xi32> to vector<1x1xi32>
    %broadcast_in_dim3A_774 = vector.broadcast %broadcast_in_dim3A_773 : vector<1x1xi32> to vector<1x20xi32>
    %broadcast_in_dim3A_775 = vector.broadcast %jit3A_772 : i32 to vector<1x20xi32>
    %select_n3A_776 = arith.select %eq3A_771, %broadcast_in_dim3A_774, %broadcast_in_dim3A_775 : vector<1x20xi1>, vector<1x20xi32>
    %add3A_777 = arith.addi %add3A_752, %select_n3A_776 : vector<1x20xi32>
    %eq3A_778 = vector.broadcast %broadcast_in_dim3A_768 : vector<1x1xi32> to vector<1x4096xi32>
    %eq3A_779 = arith.cmpi eq, %iota3A_481, %eq3A_778 : vector<1x4096xi32>
    %jit3A_780 = arith.constant 0xFF800000 : f32
    %broadcast_in_dim3A_781 = vector.broadcast %jit3A_780 : f32 to vector<1x4096xf32>
    %select_n3A_782 = arith.select %eq3A_779, %broadcast_in_dim3A_781, %select_n3A_757 : vector<1x4096xi1>, vector<1x4096xf32>
    %reduce_max3A_783 = arith.constant dense<0xFF800000> : vector<1xf32>
    %reduce_max3A_784 = vector.multi_reduction <maximumf>, %select_n3A_782, %reduce_max3A_783 [1] : vector<1x4096xf32> to vector<1xf32>
    %broadcast_in_dim3A_785 = vector.shape_cast %reduce_max3A_784 : vector<1xf32> to vector<1x1xf32>
    %eq3A_786 = vector.broadcast %broadcast_in_dim3A_785 : vector<1x1xf32> to vector<1x4096xf32>
    %eq3A_787 = arith.cmpf oeq, %select_n3A_782, %eq3A_786 : vector<1x4096xf32>
    %jit3A_788 = arith.constant 4096 : i32
    %broadcast_in_dim3A_789 = vector.broadcast %jit3A_788 : i32 to vector<1x4096xi32>
    %select_n3A_790 = arith.select %eq3A_787, %iota3A_481, %broadcast_in_dim3A_789 : vector<1x4096xi1>, vector<1x4096xi32>
    %reduce_min3A_791 = arith.constant dense<2147483647> : vector<1xi32>
    %reduce_min3A_792 = vector.multi_reduction <minsi>, %select_n3A_790, %reduce_min3A_791 [1] : vector<1x4096xi32> to vector<1xi32>
    %broadcast_in_dim3A_793 = vector.shape_cast %reduce_min3A_792 : vector<1xi32> to vector<1x1xi32>
    %eq3A_794 = arith.constant 12 : i32
    %eq3A_795 = vector.broadcast %eq3A_794 : i32 to vector<1x20xi32>
    %eq3A_796 = arith.cmpi eq, %iota3A_482, %eq3A_795 : vector<1x20xi32>
    %jit3A_797 = arith.constant 0 : i32
    %broadcast_in_dim3A_798 = vector.shape_cast %broadcast_in_dim3A_793 : vector<1x1xi32> to vector<1x1xi32>
    %broadcast_in_dim3A_799 = vector.broadcast %broadcast_in_dim3A_798 : vector<1x1xi32> to vector<1x20xi32>
    %broadcast_in_dim3A_800 = vector.broadcast %jit3A_797 : i32 to vector<1x20xi32>
    %select_n3A_801 = arith.select %eq3A_796, %broadcast_in_dim3A_799, %broadcast_in_dim3A_800 : vector<1x20xi1>, vector<1x20xi32>
    %add3A_802 = arith.addi %add3A_777, %select_n3A_801 : vector<1x20xi32>
    %eq3A_803 = vector.broadcast %broadcast_in_dim3A_793 : vector<1x1xi32> to vector<1x4096xi32>
    %eq3A_804 = arith.cmpi eq, %iota3A_481, %eq3A_803 : vector<1x4096xi32>
    %jit3A_805 = arith.constant 0xFF800000 : f32
    %broadcast_in_dim3A_806 = vector.broadcast %jit3A_805 : f32 to vector<1x4096xf32>
    %select_n3A_807 = arith.select %eq3A_804, %broadcast_in_dim3A_806, %select_n3A_782 : vector<1x4096xi1>, vector<1x4096xf32>
    %reduce_max3A_808 = arith.constant dense<0xFF800000> : vector<1xf32>
    %reduce_max3A_809 = vector.multi_reduction <maximumf>, %select_n3A_807, %reduce_max3A_808 [1] : vector<1x4096xf32> to vector<1xf32>
    %broadcast_in_dim3A_810 = vector.shape_cast %reduce_max3A_809 : vector<1xf32> to vector<1x1xf32>
    %eq3A_811 = vector.broadcast %broadcast_in_dim3A_810 : vector<1x1xf32> to vector<1x4096xf32>
    %eq3A_812 = arith.cmpf oeq, %select_n3A_807, %eq3A_811 : vector<1x4096xf32>
    %jit3A_813 = arith.constant 4096 : i32
    %broadcast_in_dim3A_814 = vector.broadcast %jit3A_813 : i32 to vector<1x4096xi32>
    %select_n3A_815 = arith.select %eq3A_812, %iota3A_481, %broadcast_in_dim3A_814 : vector<1x4096xi1>, vector<1x4096xi32>
    %reduce_min3A_816 = arith.constant dense<2147483647> : vector<1xi32>
    %reduce_min3A_817 = vector.multi_reduction <minsi>, %select_n3A_815, %reduce_min3A_816 [1] : vector<1x4096xi32> to vector<1xi32>
    %broadcast_in_dim3A_818 = vector.shape_cast %reduce_min3A_817 : vector<1xi32> to vector<1x1xi32>
    %eq3A_819 = arith.constant 13 : i32
    %eq3A_820 = vector.broadcast %eq3A_819 : i32 to vector<1x20xi32>
    %eq3A_821 = arith.cmpi eq, %iota3A_482, %eq3A_820 : vector<1x20xi32>
    %jit3A_822 = arith.constant 0 : i32
    %broadcast_in_dim3A_823 = vector.shape_cast %broadcast_in_dim3A_818 : vector<1x1xi32> to vector<1x1xi32>
    %broadcast_in_dim3A_824 = vector.broadcast %broadcast_in_dim3A_823 : vector<1x1xi32> to vector<1x20xi32>
    %broadcast_in_dim3A_825 = vector.broadcast %jit3A_822 : i32 to vector<1x20xi32>
    %select_n3A_826 = arith.select %eq3A_821, %broadcast_in_dim3A_824, %broadcast_in_dim3A_825 : vector<1x20xi1>, vector<1x20xi32>
    %add3A_827 = arith.addi %add3A_802, %select_n3A_826 : vector<1x20xi32>
    %eq3A_828 = vector.broadcast %broadcast_in_dim3A_818 : vector<1x1xi32> to vector<1x4096xi32>
    %eq3A_829 = arith.cmpi eq, %iota3A_481, %eq3A_828 : vector<1x4096xi32>
    %jit3A_830 = arith.constant 0xFF800000 : f32
    %broadcast_in_dim3A_831 = vector.broadcast %jit3A_830 : f32 to vector<1x4096xf32>
    %select_n3A_832 = arith.select %eq3A_829, %broadcast_in_dim3A_831, %select_n3A_807 : vector<1x4096xi1>, vector<1x4096xf32>
    %reduce_max3A_833 = arith.constant dense<0xFF800000> : vector<1xf32>
    %reduce_max3A_834 = vector.multi_reduction <maximumf>, %select_n3A_832, %reduce_max3A_833 [1] : vector<1x4096xf32> to vector<1xf32>
    %broadcast_in_dim3A_835 = vector.shape_cast %reduce_max3A_834 : vector<1xf32> to vector<1x1xf32>
    %eq3A_836 = vector.broadcast %broadcast_in_dim3A_835 : vector<1x1xf32> to vector<1x4096xf32>
    %eq3A_837 = arith.cmpf oeq, %select_n3A_832, %eq3A_836 : vector<1x4096xf32>
    %jit3A_838 = arith.constant 4096 : i32
    %broadcast_in_dim3A_839 = vector.broadcast %jit3A_838 : i32 to vector<1x4096xi32>
    %select_n3A_840 = arith.select %eq3A_837, %iota3A_481, %broadcast_in_dim3A_839 : vector<1x4096xi1>, vector<1x4096xi32>
    %reduce_min3A_841 = arith.constant dense<2147483647> : vector<1xi32>
    %reduce_min3A_842 = vector.multi_reduction <minsi>, %select_n3A_840, %reduce_min3A_841 [1] : vector<1x4096xi32> to vector<1xi32>
    %broadcast_in_dim3A_843 = vector.shape_cast %reduce_min3A_842 : vector<1xi32> to vector<1x1xi32>
    %eq3A_844 = arith.constant 14 : i32
    %eq3A_845 = vector.broadcast %eq3A_844 : i32 to vector<1x20xi32>
    %eq3A_846 = arith.cmpi eq, %iota3A_482, %eq3A_845 : vector<1x20xi32>
    %jit3A_847 = arith.constant 0 : i32
    %broadcast_in_dim3A_848 = vector.shape_cast %broadcast_in_dim3A_843 : vector<1x1xi32> to vector<1x1xi32>
    %broadcast_in_dim3A_849 = vector.broadcast %broadcast_in_dim3A_848 : vector<1x1xi32> to vector<1x20xi32>
    %broadcast_in_dim3A_850 = vector.broadcast %jit3A_847 : i32 to vector<1x20xi32>
    %select_n3A_851 = arith.select %eq3A_846, %broadcast_in_dim3A_849, %broadcast_in_dim3A_850 : vector<1x20xi1>, vector<1x20xi32>
    %add3A_852 = arith.addi %add3A_827, %select_n3A_851 : vector<1x20xi32>
    %eq3A_853 = vector.broadcast %broadcast_in_dim3A_843 : vector<1x1xi32> to vector<1x4096xi32>
    %eq3A_854 = arith.cmpi eq, %iota3A_481, %eq3A_853 : vector<1x4096xi32>
    %jit3A_855 = arith.constant 0xFF800000 : f32
    %broadcast_in_dim3A_856 = vector.broadcast %jit3A_855 : f32 to vector<1x4096xf32>
    %select_n3A_857 = arith.select %eq3A_854, %broadcast_in_dim3A_856, %select_n3A_832 : vector<1x4096xi1>, vector<1x4096xf32>
    %reduce_max3A_858 = arith.constant dense<0xFF800000> : vector<1xf32>
    %reduce_max3A_859 = vector.multi_reduction <maximumf>, %select_n3A_857, %reduce_max3A_858 [1] : vector<1x4096xf32> to vector<1xf32>
    %broadcast_in_dim3A_860 = vector.shape_cast %reduce_max3A_859 : vector<1xf32> to vector<1x1xf32>
    %eq3A_861 = vector.broadcast %broadcast_in_dim3A_860 : vector<1x1xf32> to vector<1x4096xf32>
    %eq3A_862 = arith.cmpf oeq, %select_n3A_857, %eq3A_861 : vector<1x4096xf32>
    %jit3A_863 = arith.constant 4096 : i32
    %broadcast_in_dim3A_864 = vector.broadcast %jit3A_863 : i32 to vector<1x4096xi32>
    %select_n3A_865 = arith.select %eq3A_862, %iota3A_481, %broadcast_in_dim3A_864 : vector<1x4096xi1>, vector<1x4096xi32>
    %reduce_min3A_866 = arith.constant dense<2147483647> : vector<1xi32>
    %reduce_min3A_867 = vector.multi_reduction <minsi>, %select_n3A_865, %reduce_min3A_866 [1] : vector<1x4096xi32> to vector<1xi32>
    %broadcast_in_dim3A_868 = vector.shape_cast %reduce_min3A_867 : vector<1xi32> to vector<1x1xi32>
    %eq3A_869 = arith.constant 15 : i32
    %eq3A_870 = vector.broadcast %eq3A_869 : i32 to vector<1x20xi32>
    %eq3A_871 = arith.cmpi eq, %iota3A_482, %eq3A_870 : vector<1x20xi32>
    %jit3A_872 = arith.constant 0 : i32
    %broadcast_in_dim3A_873 = vector.shape_cast %broadcast_in_dim3A_868 : vector<1x1xi32> to vector<1x1xi32>
    %broadcast_in_dim3A_874 = vector.broadcast %broadcast_in_dim3A_873 : vector<1x1xi32> to vector<1x20xi32>
    %broadcast_in_dim3A_875 = vector.broadcast %jit3A_872 : i32 to vector<1x20xi32>
    %select_n3A_876 = arith.select %eq3A_871, %broadcast_in_dim3A_874, %broadcast_in_dim3A_875 : vector<1x20xi1>, vector<1x20xi32>
    %add3A_877 = arith.addi %add3A_852, %select_n3A_876 : vector<1x20xi32>
    %eq3A_878 = vector.broadcast %broadcast_in_dim3A_868 : vector<1x1xi32> to vector<1x4096xi32>
    %eq3A_879 = arith.cmpi eq, %iota3A_481, %eq3A_878 : vector<1x4096xi32>
    %jit3A_880 = arith.constant 0xFF800000 : f32
    %broadcast_in_dim3A_881 = vector.broadcast %jit3A_880 : f32 to vector<1x4096xf32>
    %select_n3A_882 = arith.select %eq3A_879, %broadcast_in_dim3A_881, %select_n3A_857 : vector<1x4096xi1>, vector<1x4096xf32>
    %reduce_max3A_883 = arith.constant dense<0xFF800000> : vector<1xf32>
    %reduce_max3A_884 = vector.multi_reduction <maximumf>, %select_n3A_882, %reduce_max3A_883 [1] : vector<1x4096xf32> to vector<1xf32>
    %broadcast_in_dim3A_885 = vector.shape_cast %reduce_max3A_884 : vector<1xf32> to vector<1x1xf32>
    %eq3A_886 = vector.broadcast %broadcast_in_dim3A_885 : vector<1x1xf32> to vector<1x4096xf32>
    %eq3A_887 = arith.cmpf oeq, %select_n3A_882, %eq3A_886 : vector<1x4096xf32>
    %jit3A_888 = arith.constant 4096 : i32
    %broadcast_in_dim3A_889 = vector.broadcast %jit3A_888 : i32 to vector<1x4096xi32>
    %select_n3A_890 = arith.select %eq3A_887, %iota3A_481, %broadcast_in_dim3A_889 : vector<1x4096xi1>, vector<1x4096xi32>
    %reduce_min3A_891 = arith.constant dense<2147483647> : vector<1xi32>
    %reduce_min3A_892 = vector.multi_reduction <minsi>, %select_n3A_890, %reduce_min3A_891 [1] : vector<1x4096xi32> to vector<1xi32>
    %broadcast_in_dim3A_893 = vector.shape_cast %reduce_min3A_892 : vector<1xi32> to vector<1x1xi32>
    %eq3A_894 = arith.constant 16 : i32
    %eq3A_895 = vector.broadcast %eq3A_894 : i32 to vector<1x20xi32>
    %eq3A_896 = arith.cmpi eq, %iota3A_482, %eq3A_895 : vector<1x20xi32>
    %jit3A_897 = arith.constant 0 : i32
    %broadcast_in_dim3A_898 = vector.shape_cast %broadcast_in_dim3A_893 : vector<1x1xi32> to vector<1x1xi32>
    %broadcast_in_dim3A_899 = vector.broadcast %broadcast_in_dim3A_898 : vector<1x1xi32> to vector<1x20xi32>
    %broadcast_in_dim3A_900 = vector.broadcast %jit3A_897 : i32 to vector<1x20xi32>
    %select_n3A_901 = arith.select %eq3A_896, %broadcast_in_dim3A_899, %broadcast_in_dim3A_900 : vector<1x20xi1>, vector<1x20xi32>
    %add3A_902 = arith.addi %add3A_877, %select_n3A_901 : vector<1x20xi32>
    %eq3A_903 = vector.broadcast %broadcast_in_dim3A_893 : vector<1x1xi32> to vector<1x4096xi32>
    %eq3A_904 = arith.cmpi eq, %iota3A_481, %eq3A_903 : vector<1x4096xi32>
    %jit3A_905 = arith.constant 0xFF800000 : f32
    %broadcast_in_dim3A_906 = vector.broadcast %jit3A_905 : f32 to vector<1x4096xf32>
    %select_n3A_907 = arith.select %eq3A_904, %broadcast_in_dim3A_906, %select_n3A_882 : vector<1x4096xi1>, vector<1x4096xf32>
    %reduce_max3A_908 = arith.constant dense<0xFF800000> : vector<1xf32>
    %reduce_max3A_909 = vector.multi_reduction <maximumf>, %select_n3A_907, %reduce_max3A_908 [1] : vector<1x4096xf32> to vector<1xf32>
    %broadcast_in_dim3A_910 = vector.shape_cast %reduce_max3A_909 : vector<1xf32> to vector<1x1xf32>
    %eq3A_911 = vector.broadcast %broadcast_in_dim3A_910 : vector<1x1xf32> to vector<1x4096xf32>
    %eq3A_912 = arith.cmpf oeq, %select_n3A_907, %eq3A_911 : vector<1x4096xf32>
    %jit3A_913 = arith.constant 4096 : i32
    %broadcast_in_dim3A_914 = vector.broadcast %jit3A_913 : i32 to vector<1x4096xi32>
    %select_n3A_915 = arith.select %eq3A_912, %iota3A_481, %broadcast_in_dim3A_914 : vector<1x4096xi1>, vector<1x4096xi32>
    %reduce_min3A_916 = arith.constant dense<2147483647> : vector<1xi32>
    %reduce_min3A_917 = vector.multi_reduction <minsi>, %select_n3A_915, %reduce_min3A_916 [1] : vector<1x4096xi32> to vector<1xi32>
    %broadcast_in_dim3A_918 = vector.shape_cast %reduce_min3A_917 : vector<1xi32> to vector<1x1xi32>
    %eq3A_919 = arith.constant 17 : i32
    %eq3A_920 = vector.broadcast %eq3A_919 : i32 to vector<1x20xi32>
    %eq3A_921 = arith.cmpi eq, %iota3A_482, %eq3A_920 : vector<1x20xi32>
    %jit3A_922 = arith.constant 0 : i32
    %broadcast_in_dim3A_923 = vector.shape_cast %broadcast_in_dim3A_918 : vector<1x1xi32> to vector<1x1xi32>
    %broadcast_in_dim3A_924 = vector.broadcast %broadcast_in_dim3A_923 : vector<1x1xi32> to vector<1x20xi32>
    %broadcast_in_dim3A_925 = vector.broadcast %jit3A_922 : i32 to vector<1x20xi32>
    %select_n3A_926 = arith.select %eq3A_921, %broadcast_in_dim3A_924, %broadcast_in_dim3A_925 : vector<1x20xi1>, vector<1x20xi32>
    %add3A_927 = arith.addi %add3A_902, %select_n3A_926 : vector<1x20xi32>
    %eq3A_928 = vector.broadcast %broadcast_in_dim3A_918 : vector<1x1xi32> to vector<1x4096xi32>
    %eq3A_929 = arith.cmpi eq, %iota3A_481, %eq3A_928 : vector<1x4096xi32>
    %jit3A_930 = arith.constant 0xFF800000 : f32
    %broadcast_in_dim3A_931 = vector.broadcast %jit3A_930 : f32 to vector<1x4096xf32>
    %select_n3A_932 = arith.select %eq3A_929, %broadcast_in_dim3A_931, %select_n3A_907 : vector<1x4096xi1>, vector<1x4096xf32>
    %reduce_max3A_933 = arith.constant dense<0xFF800000> : vector<1xf32>
    %reduce_max3A_934 = vector.multi_reduction <maximumf>, %select_n3A_932, %reduce_max3A_933 [1] : vector<1x4096xf32> to vector<1xf32>
    %broadcast_in_dim3A_935 = vector.shape_cast %reduce_max3A_934 : vector<1xf32> to vector<1x1xf32>
    %eq3A_936 = vector.broadcast %broadcast_in_dim3A_935 : vector<1x1xf32> to vector<1x4096xf32>
    %eq3A_937 = arith.cmpf oeq, %select_n3A_932, %eq3A_936 : vector<1x4096xf32>
    %jit3A_938 = arith.constant 4096 : i32
    %broadcast_in_dim3A_939 = vector.broadcast %jit3A_938 : i32 to vector<1x4096xi32>
    %select_n3A_940 = arith.select %eq3A_937, %iota3A_481, %broadcast_in_dim3A_939 : vector<1x4096xi1>, vector<1x4096xi32>
    %reduce_min3A_941 = arith.constant dense<2147483647> : vector<1xi32>
    %reduce_min3A_942 = vector.multi_reduction <minsi>, %select_n3A_940, %reduce_min3A_941 [1] : vector<1x4096xi32> to vector<1xi32>
    %broadcast_in_dim3A_943 = vector.shape_cast %reduce_min3A_942 : vector<1xi32> to vector<1x1xi32>
    %eq3A_944 = arith.constant 18 : i32
    %eq3A_945 = vector.broadcast %eq3A_944 : i32 to vector<1x20xi32>
    %eq3A_946 = arith.cmpi eq, %iota3A_482, %eq3A_945 : vector<1x20xi32>
    %jit3A_947 = arith.constant 0 : i32
    %broadcast_in_dim3A_948 = vector.shape_cast %broadcast_in_dim3A_943 : vector<1x1xi32> to vector<1x1xi32>
    %broadcast_in_dim3A_949 = vector.broadcast %broadcast_in_dim3A_948 : vector<1x1xi32> to vector<1x20xi32>
    %broadcast_in_dim3A_950 = vector.broadcast %jit3A_947 : i32 to vector<1x20xi32>
    %select_n3A_951 = arith.select %eq3A_946, %broadcast_in_dim3A_949, %broadcast_in_dim3A_950 : vector<1x20xi1>, vector<1x20xi32>
    %add3A_952 = arith.addi %add3A_927, %select_n3A_951 : vector<1x20xi32>
    %eq3A_953 = vector.broadcast %broadcast_in_dim3A_943 : vector<1x1xi32> to vector<1x4096xi32>
    %eq3A_954 = arith.cmpi eq, %iota3A_481, %eq3A_953 : vector<1x4096xi32>
    %jit3A_955 = arith.constant 0xFF800000 : f32
    %broadcast_in_dim3A_956 = vector.broadcast %jit3A_955 : f32 to vector<1x4096xf32>
    %select_n3A_957 = arith.select %eq3A_954, %broadcast_in_dim3A_956, %select_n3A_932 : vector<1x4096xi1>, vector<1x4096xf32>
    %reduce_max3A_958 = arith.constant dense<0xFF800000> : vector<1xf32>
    %reduce_max3A_959 = vector.multi_reduction <maximumf>, %select_n3A_957, %reduce_max3A_958 [1] : vector<1x4096xf32> to vector<1xf32>
    %broadcast_in_dim3A_960 = vector.shape_cast %reduce_max3A_959 : vector<1xf32> to vector<1x1xf32>
    %eq3A_961 = vector.broadcast %broadcast_in_dim3A_960 : vector<1x1xf32> to vector<1x4096xf32>
    %eq3A_962 = arith.cmpf oeq, %select_n3A_957, %eq3A_961 : vector<1x4096xf32>
    %jit3A_963 = arith.constant 4096 : i32
    %broadcast_in_dim3A_964 = vector.broadcast %jit3A_963 : i32 to vector<1x4096xi32>
    %select_n3A_965 = arith.select %eq3A_962, %iota3A_481, %broadcast_in_dim3A_964 : vector<1x4096xi1>, vector<1x4096xi32>
    %reduce_min3A_966 = arith.constant dense<2147483647> : vector<1xi32>
    %reduce_min3A_967 = vector.multi_reduction <minsi>, %select_n3A_965, %reduce_min3A_966 [1] : vector<1x4096xi32> to vector<1xi32>
    %broadcast_in_dim3A_968 = vector.shape_cast %reduce_min3A_967 : vector<1xi32> to vector<1x1xi32>
    %eq3A_969 = arith.constant 19 : i32
    %eq3A_970 = vector.broadcast %eq3A_969 : i32 to vector<1x20xi32>
    %eq3A_971 = arith.cmpi eq, %iota3A_482, %eq3A_970 : vector<1x20xi32>
    %jit3A_972 = arith.constant 0 : i32
    %broadcast_in_dim3A_973 = vector.shape_cast %broadcast_in_dim3A_968 : vector<1x1xi32> to vector<1x1xi32>
    %broadcast_in_dim3A_974 = vector.broadcast %broadcast_in_dim3A_973 : vector<1x1xi32> to vector<1x20xi32>
    %broadcast_in_dim3A_975 = vector.broadcast %jit3A_972 : i32 to vector<1x20xi32>
    %select_n3A_976 = arith.select %eq3A_971, %broadcast_in_dim3A_974, %broadcast_in_dim3A_975 : vector<1x20xi1>, vector<1x20xi32>
    %add3A_977 = arith.addi %add3A_952, %select_n3A_976 : vector<1x20xi32>
    %swap3A_978 = arith.constant 0 : index
    %swap3A_979 = arith.constant 0 : index
    %swap3A_980 = arith.constant 0 : index
    %swap3A_981 = vector.load %arg18[%swap3A_978, %swap3A_979, %swap3A_980] : memref<1x1x20xi32, #tpu.memory_space<vmem>>, vector<1x1x20xi32>
    %swap3A_982 = vector.shape_cast %swap3A_981 : vector<1x1x20xi32> to vector<1x20xi32>
    %swap3A_983 = vector.shape_cast %add3A_977 : vector<1x20xi32> to vector<1x1x20xi32>
    tpu.vector_store %arg18[%swap3A_978, %swap3A_979, %swap3A_980], %swap3A_983 {strides = array<i32>} : memref<1x1x20xi32, #tpu.memory_space<vmem>>, vector<1x1x20xi32>,
    return
  }
  func.func @transform_0(%arg0: i32) -> (i32, i32, i32) {
    %c0_i32 = arith.constant 0 : i32
    %c0_i32_0 = arith.constant 0 : i32
    %c0_i32_1 = arith.constant 0 : i32
    return %arg0, %c0_i32, %c0_i32_0 : i32, i32, i32
  }
  func.func @transform_1(%arg0: i32) -> (i32, i32, i32) {
    %c0_i32 = arith.constant 0 : i32
    %c0_i32_0 = arith.constant 0 : i32
    %c0_i32_1 = arith.constant 0 : i32
    return %arg0, %c0_i32, %c0_i32_0 : i32, i32, i32
  }
  func.func @transform_2(%arg0: i32) -> (i32, i32, i32) {
    %c0_i32 = arith.constant 0 : i32
    %c0_i32_0 = arith.constant 0 : i32
    %c0_i32_1 = arith.constant 0 : i32
    return %arg0, %c0_i32, %c0_i32_0 : i32, i32, i32
  }
  func.func @transform_3(%arg0: i32) -> (i32, i32) {
    %c0_i32 = arith.constant 0 : i32
    %c0_i32_0 = arith.constant 0 : i32
    %c0_i32_1 = arith.constant 0 : i32
    return %c0_i32, %c0_i32_0 : i32, i32
  }
  func.func @transform_4(%arg0: i32) -> (i32, i32) {
    %c0_i32 = arith.constant 0 : i32
    %c0_i32_0 = arith.constant 0 : i32
    %c0_i32_1 = arith.constant 0 : i32
    return %c0_i32, %c0_i32_0 : i32, i32
  }
  func.func @transform_5(%arg0: i32) -> (i32, i32, i32, i32) {
    %c0_i32 = arith.constant 0 : i32
    %c0_i32_0 = arith.constant 0 : i32
    %c0_i32_1 = arith.constant 0 : i32
    %c0_i32_2 = arith.constant 0 : i32
    %c0_i32_3 = arith.constant 0 : i32
    return %c0_i32, %c0_i32_0, %c0_i32_1, %c0_i32_2 : i32, i32, i32, i32
  }
  func.func @transform_6(%arg0: i32) -> (i32, i32) {
    %c0_i32 = arith.constant 0 : i32
    %c0_i32_0 = arith.constant 0 : i32
    %c0_i32_1 = arith.constant 0 : i32
    return %c0_i32, %c0_i32_0 : i32, i32
  }
  func.func @transform_7(%arg0: i32) -> (i32, i32) {
    %c0_i32 = arith.constant 0 : i32
    %c0_i32_0 = arith.constant 0 : i32
    %c0_i32_1 = arith.constant 0 : i32
    return %c0_i32, %c0_i32_0 : i32, i32
  }
  func.func @transform_8(%arg0: i32) -> (i32, i32) {
    %c0_i32 = arith.constant 0 : i32
    %c0_i32_0 = arith.constant 0 : i32
    %c0_i32_1 = arith.constant 0 : i32
    return %c0_i32, %c0_i32_0 : i32, i32
  }
  func.func @transform_9(%arg0: i32) -> (i32, i32) {
    %c0_i32 = arith.constant 0 : i32
    %c0_i32_0 = arith.constant 0 : i32
    %c0_i32_1 = arith.constant 0 : i32
    return %c0_i32, %c0_i32_0 : i32, i32
  }
  func.func @transform_10(%arg0: i32) -> (i32, i32) {
    %c0_i32 = arith.constant 0 : i32
    %c0_i32_0 = arith.constant 0 : i32
    %c0_i32_1 = arith.constant 0 : i32
    return %c0_i32, %c0_i32_0 : i32, i32
  }
  func.func @transform_11(%arg0: i32) -> (i32, i32) {
    %c0_i32 = arith.constant 0 : i32
    %c0_i32_0 = arith.constant 0 : i32
    %c0_i32_1 = arith.constant 0 : i32
    return %c0_i32, %c0_i32_0 : i32, i32
  }
  func.func @transform_12(%arg0: i32) -> (i32, i32, i32, i32) {
    %c0_i32 = arith.constant 0 : i32
    %c0_i32_0 = arith.constant 0 : i32
    %c0_i32_1 = arith.constant 0 : i32
    %c0_i32_2 = arith.constant 0 : i32
    %c0_i32_3 = arith.constant 0 : i32
    return %c0_i32, %c0_i32_0, %c0_i32_1, %c0_i32_2 : i32, i32, i32, i32
  }
  func.func @transform_13(%arg0: i32) -> (i32, i32) {
    %c0_i32 = arith.constant 0 : i32
    %c0_i32_0 = arith.constant 0 : i32
    %c0_i32_1 = arith.constant 0 : i32
    return %c0_i32, %c0_i32_0 : i32, i32
  }
  func.func @transform_14(%arg0: i32) -> (i32, i32) {
    %c0_i32 = arith.constant 0 : i32
    %c0_i32_0 = arith.constant 0 : i32
    %c0_i32_1 = arith.constant 0 : i32
    return %c0_i32, %c0_i32_0 : i32, i32
  }
  func.func @transform_15(%arg0: i32) -> (i32, i32) {
    %c0_i32 = arith.constant 0 : i32
    %c0_i32_0 = arith.constant 0 : i32
    %c0_i32_1 = arith.constant 0 : i32
    return %c0_i32, %c0_i32_0 : i32, i32
  }
  func.func @transform_16(%arg0: i32) -> (i32, i32, i32) {
    %c0_i32 = arith.constant 0 : i32
    %c0_i32_0 = arith.constant 0 : i32
    %c0_i32_1 = arith.constant 0 : i32
    return %arg0, %c0_i32, %c0_i32_0 : i32, i32, i32
  }
  func.func @transform_17(%arg0: i32) -> (i32, i32, i32) {
    %c0_i32 = arith.constant 0 : i32
    %c0_i32_0 = arith.constant 0 : i32
    %c0_i32_1 = arith.constant 0 : i32
    return %arg0, %c0_i32, %c0_i32_0 : i32, i32, i32
  }
}

module attributes {stable_mosaic.version = 14 : i64} {
  func.func @_gcn3_body(%arg0: memref<80x192xf32, #tpu.memory_space<vmem>>, %arg1: memref<192x64xf32, #tpu.memory_space<vmem>>, %arg2: memref<1x64xf32, #tpu.memory_space<vmem>>, %arg3: memref<64x192xf32, #tpu.memory_space<vmem>>, %arg4: memref<1x192xf32, #tpu.memory_space<vmem>>, %arg5: memref<20x384xf32, #tpu.memory_space<vmem>>, %arg6: memref<384x64xf32, #tpu.memory_space<vmem>>, %arg7: memref<1x64xf32, #tpu.memory_space<vmem>>, %arg8: memref<64x384xf32, #tpu.memory_space<vmem>>, %arg9: memref<1x384xf32, #tpu.memory_space<vmem>>, %arg10: memref<4x768xf32, #tpu.memory_space<vmem>>, %arg11: memref<768x64xf32, #tpu.memory_space<vmem>>, %arg12: memref<1x64xf32, #tpu.memory_space<vmem>>, %arg13: memref<64x768xf32, #tpu.memory_space<vmem>>, %arg14: memref<1x768xf32, #tpu.memory_space<vmem>>, %arg15: memref<80x192xf32, #tpu.memory_space<vmem>>, %arg16: memref<20x384xf32, #tpu.memory_space<vmem>>, %arg17: memref<4x768xf32, #tpu.memory_space<vmem>>) attributes {dimension_semantics = [], scalar_prefetch = 0 : i64, scratch_operands = 0 : i64, tpu.core_type = #tpu.core_type<tc>} {
    %get3A = arith.constant 0 : index
    %get3A_0 = arith.constant 0 : index
    %get3A_1 = vector.load %arg0[%get3A, %get3A_0] : memref<80x192xf32, #tpu.memory_space<vmem>>, vector<80x192xf32>
    %get3A_2 = arith.constant 0 : index
    %get3A_3 = arith.constant 0 : index
    %get3A_4 = vector.load %arg1[%get3A_2, %get3A_3] : memref<192x64xf32, #tpu.memory_space<vmem>>, vector<192x64xf32>
    %get3A_5 = arith.constant 0 : index
    %get3A_6 = arith.constant 0 : index
    %get3A_7 = vector.load %arg2[%get3A_5, %get3A_6] : memref<1x64xf32, #tpu.memory_space<vmem>>, vector<1x64xf32>
    %get3A_8 = arith.constant 0 : index
    %get3A_9 = arith.constant 0 : index
    %get3A_10 = vector.load %arg3[%get3A_8, %get3A_9] : memref<64x192xf32, #tpu.memory_space<vmem>>, vector<64x192xf32>
    %get3A_11 = arith.constant 0 : index
    %get3A_12 = arith.constant 0 : index
    %get3A_13 = vector.load %arg4[%get3A_11, %get3A_12] : memref<1x192xf32, #tpu.memory_space<vmem>>, vector<1x192xf32>
    %mul3A = arith.mulf %get3A_1, %get3A_1 : vector<80x192xf32>
    %reduce_sum3A = arith.constant dense<0.000000e+00> : vector<80xf32>
    %reduce_sum3A_14 = vector.multi_reduction <add>, %mul3A, %reduce_sum3A [1] : vector<80x192xf32> to vector<80xf32>
    %broadcast_in_dim3A = vector.shape_cast %reduce_sum3A_14 : vector<80xf32> to vector<80x1xf32>
    %sqrt3A = math.sqrt %broadcast_in_dim3A : vector<80x1xf32>
    %max3A = arith.constant 9.99999996E-13 : f32
    %max3A_15 = vector.broadcast %max3A : f32 to vector<80x1xf32>
    %max3A_16 = arith.maximumf %sqrt3A, %max3A_15 : vector<80x1xf32>
    %div3A = vector.broadcast %max3A_16 : vector<80x1xf32> to vector<80x192xf32>
    %div3A_17 = arith.divf %get3A_1, %div3A : vector<80x192xf32>
    %dot_general3A = arith.constant dense<0.000000e+00> : vector<80x80xf32>
    %dot_general3A_18 = tpu.matmul %div3A_17, %div3A_17, %dot_general3A {dimension_numbers = #tpu.dot_dimension_numbers<[1], [1], [0], [0], [0, 0, 1, 0], [], []>, transpose_lhs_hint = false} : vector<80x192xf32>, vector<80x192xf32>, vector<80x80xf32> -> vector<80x80xf32>
    %iota3A = tpu.iota {dimensions = array<i32: 0>} : vector<80x80xi32>
    %iota3A_19 = tpu.iota {dimensions = array<i32: 1>} : vector<80x80xi32>
    %gt3A = arith.constant 5.000000e-01 : f32
    %gt3A_20 = vector.broadcast %gt3A : f32 to vector<80x80xf32>
    %gt3A_21 = arith.cmpf ogt, %dot_general3A_18, %gt3A_20 : vector<80x80xf32>
    %convert_element_type3A = arith.extui %gt3A_21 : vector<80x80xi1> to vector<80x80xi32>
    %convert_element_type3A_22 = arith.sitofp %convert_element_type3A : vector<80x80xi32> to vector<80x80xf32>
    %eq3A = arith.cmpi eq, %iota3A, %iota3A_19 : vector<80x80xi32>
    %convert_element_type3A_23 = arith.extui %eq3A : vector<80x80xi1> to vector<80x80xi32>
    %convert_element_type3A_24 = arith.sitofp %convert_element_type3A_23 : vector<80x80xi32> to vector<80x80xf32>
    %add3A = arith.addf %convert_element_type3A_22, %convert_element_type3A_24 : vector<80x80xf32>
    %reduce_sum3A_25 = arith.constant dense<0.000000e+00> : vector<80xf32>
    %reduce_sum3A_26 = vector.multi_reduction <add>, %add3A, %reduce_sum3A_25 [1] : vector<80x80xf32> to vector<80xf32>
    %broadcast_in_dim3A_27 = vector.shape_cast %reduce_sum3A_26 : vector<80xf32> to vector<80x1xf32>
    %reduce_sum3A_28 = arith.constant dense<0.000000e+00> : vector<80xf32>
    %reduce_sum3A_29 = vector.multi_reduction <add>, %add3A, %reduce_sum3A_28 [0] : vector<80x80xf32> to vector<80xf32>
    %broadcast_in_dim3A_30 = vector.shape_cast %reduce_sum3A_29 : vector<80xf32> to vector<1x80xf32>
    %gt3A_31 = arith.constant 0.000000e+00 : f32
    %gt3A_32 = vector.broadcast %gt3A_31 : f32 to vector<80x1xf32>
    %gt3A_33 = arith.cmpf ogt, %broadcast_in_dim3A_27, %gt3A_32 : vector<80x1xf32>
    %sqrt3A_34 = math.sqrt %broadcast_in_dim3A_27 : vector<80x1xf32>
    %div3A_35 = arith.constant 1.000000e+00 : f32
    %div3A_36 = vector.broadcast %div3A_35 : f32 to vector<80x1xf32>
    %div3A_37 = arith.divf %div3A_36, %sqrt3A_34 : vector<80x1xf32>
    %jit3A = arith.constant 0.000000e+00 : f32
    %broadcast_in_dim3A_38 = vector.broadcast %jit3A : f32 to vector<80x1xf32>
    %select_n3A = arith.select %gt3A_33, %div3A_37, %broadcast_in_dim3A_38 : vector<80x1xi1>, vector<80x1xf32>
    %gt3A_39 = arith.constant 0.000000e+00 : f32
    %gt3A_40 = vector.broadcast %gt3A_39 : f32 to vector<1x80xf32>
    %gt3A_41 = arith.cmpf ogt, %broadcast_in_dim3A_30, %gt3A_40 : vector<1x80xf32>
    %sqrt3A_42 = math.sqrt %broadcast_in_dim3A_30 : vector<1x80xf32>
    %div3A_43 = arith.constant 1.000000e+00 : f32
    %div3A_44 = vector.broadcast %div3A_43 : f32 to vector<1x80xf32>
    %div3A_45 = arith.divf %div3A_44, %sqrt3A_42 : vector<1x80xf32>
    %jit3A_46 = arith.constant 0.000000e+00 : f32
    %broadcast_in_dim3A_47 = vector.broadcast %jit3A_46 : f32 to vector<1x80xf32>
    %select_n3A_48 = arith.select %gt3A_41, %div3A_45, %broadcast_in_dim3A_47 : vector<1x80xi1>, vector<1x80xf32>
    %mul3A_49 = vector.broadcast %select_n3A : vector<80x1xf32> to vector<80x80xf32>
    %mul3A_50 = arith.mulf %add3A, %mul3A_49 : vector<80x80xf32>
    %mul3A_51 = vector.broadcast %select_n3A_48 : vector<1x80xf32> to vector<80x80xf32>
    %mul3A_52 = arith.mulf %mul3A_50, %mul3A_51 : vector<80x80xf32>
    %dot_general3A_53 = arith.constant dense<0.000000e+00> : vector<80x64xf32>
    %dot_general3A_54 = tpu.matmul %get3A_1, %get3A_4, %dot_general3A_53 {dimension_numbers = #tpu.dot_dimension_numbers<[1], [0], [0], [1], [0, 0, 1, 1], [], []>, transpose_lhs_hint = false} : vector<80x192xf32>, vector<192x64xf32>, vector<80x64xf32> -> vector<80x64xf32>
    %dot_general3A_55 = arith.constant dense<0.000000e+00> : vector<80x64xf32>
    %dot_general3A_56 = tpu.matmul %mul3A_52, %dot_general3A_54, %dot_general3A_55 {dimension_numbers = #tpu.dot_dimension_numbers<[1], [0], [0], [1], [0, 0, 1, 1], [], []>, transpose_lhs_hint = false} : vector<80x80xf32>, vector<80x64xf32>, vector<80x64xf32> -> vector<80x64xf32>
    %add3A_57 = vector.broadcast %get3A_7 : vector<1x64xf32> to vector<80x64xf32>
    %add3A_58 = arith.addf %dot_general3A_56, %add3A_57 : vector<80x64xf32>
    %max3A_59 = arith.constant 0.000000e+00 : f32
    %max3A_60 = vector.broadcast %max3A_59 : f32 to vector<80x64xf32>
    %max3A_61 = arith.maximumf %add3A_58, %max3A_60 : vector<80x64xf32>
    %dot_general3A_62 = arith.constant dense<0.000000e+00> : vector<80x192xf32>
    %dot_general3A_63 = tpu.matmul %max3A_61, %get3A_10, %dot_general3A_62 {dimension_numbers = #tpu.dot_dimension_numbers<[1], [0], [0], [1], [0, 0, 1, 1], [], []>, transpose_lhs_hint = false} : vector<80x64xf32>, vector<64x192xf32>, vector<80x192xf32> -> vector<80x192xf32>
    %dot_general3A_64 = arith.constant dense<0.000000e+00> : vector<80x192xf32>
    %dot_general3A_65 = tpu.matmul %mul3A_52, %dot_general3A_63, %dot_general3A_64 {dimension_numbers = #tpu.dot_dimension_numbers<[1], [0], [0], [1], [0, 0, 1, 1], [], []>, transpose_lhs_hint = false} : vector<80x80xf32>, vector<80x192xf32>, vector<80x192xf32> -> vector<80x192xf32>
    %add3A_66 = vector.broadcast %get3A_13 : vector<1x192xf32> to vector<80x192xf32>
    %add3A_67 = arith.addf %dot_general3A_65, %add3A_66 : vector<80x192xf32>
    %swap3A = arith.constant 0 : index
    %swap3A_68 = arith.constant 0 : index
    %swap3A_69 = vector.load %arg15[%swap3A, %swap3A_68] : memref<80x192xf32, #tpu.memory_space<vmem>>, vector<80x192xf32>
    tpu.vector_store %arg15[%swap3A, %swap3A_68], %add3A_67 {strides = array<i32>} : memref<80x192xf32, #tpu.memory_space<vmem>>, vector<80x192xf32>,
    %get3A_70 = arith.constant 0 : index
    %get3A_71 = arith.constant 0 : index
    %get3A_72 = vector.load %arg5[%get3A_70, %get3A_71] : memref<20x384xf32, #tpu.memory_space<vmem>>, vector<20x384xf32>
    %get3A_73 = arith.constant 0 : index
    %get3A_74 = arith.constant 0 : index
    %get3A_75 = vector.load %arg6[%get3A_73, %get3A_74] : memref<384x64xf32, #tpu.memory_space<vmem>>, vector<384x64xf32>
    %get3A_76 = arith.constant 0 : index
    %get3A_77 = arith.constant 0 : index
    %get3A_78 = vector.load %arg7[%get3A_76, %get3A_77] : memref<1x64xf32, #tpu.memory_space<vmem>>, vector<1x64xf32>
    %get3A_79 = arith.constant 0 : index
    %get3A_80 = arith.constant 0 : index
    %get3A_81 = vector.load %arg8[%get3A_79, %get3A_80] : memref<64x384xf32, #tpu.memory_space<vmem>>, vector<64x384xf32>
    %get3A_82 = arith.constant 0 : index
    %get3A_83 = arith.constant 0 : index
    %get3A_84 = vector.load %arg9[%get3A_82, %get3A_83] : memref<1x384xf32, #tpu.memory_space<vmem>>, vector<1x384xf32>
    %mul3A_85 = arith.mulf %get3A_72, %get3A_72 : vector<20x384xf32>
    %reduce_sum3A_86 = arith.constant dense<0.000000e+00> : vector<20xf32>
    %reduce_sum3A_87 = vector.multi_reduction <add>, %mul3A_85, %reduce_sum3A_86 [1] : vector<20x384xf32> to vector<20xf32>
    %broadcast_in_dim3A_88 = vector.shape_cast %reduce_sum3A_87 : vector<20xf32> to vector<20x1xf32>
    %sqrt3A_89 = math.sqrt %broadcast_in_dim3A_88 : vector<20x1xf32>
    %max3A_90 = arith.constant 9.99999996E-13 : f32
    %max3A_91 = vector.broadcast %max3A_90 : f32 to vector<20x1xf32>
    %max3A_92 = arith.maximumf %sqrt3A_89, %max3A_91 : vector<20x1xf32>
    %div3A_93 = vector.broadcast %max3A_92 : vector<20x1xf32> to vector<20x384xf32>
    %div3A_94 = arith.divf %get3A_72, %div3A_93 : vector<20x384xf32>
    %dot_general3A_95 = arith.constant dense<0.000000e+00> : vector<20x20xf32>
    %dot_general3A_96 = tpu.matmul %div3A_94, %div3A_94, %dot_general3A_95 {dimension_numbers = #tpu.dot_dimension_numbers<[1], [1], [0], [0], [0, 0, 1, 0], [], []>, transpose_lhs_hint = false} : vector<20x384xf32>, vector<20x384xf32>, vector<20x20xf32> -> vector<20x20xf32>
    %iota3A_97 = tpu.iota {dimensions = array<i32: 0>} : vector<20x20xi32>
    %iota3A_98 = tpu.iota {dimensions = array<i32: 1>} : vector<20x20xi32>
    %gt3A_99 = arith.constant 5.000000e-01 : f32
    %gt3A_100 = vector.broadcast %gt3A_99 : f32 to vector<20x20xf32>
    %gt3A_101 = arith.cmpf ogt, %dot_general3A_96, %gt3A_100 : vector<20x20xf32>
    %convert_element_type3A_102 = arith.extui %gt3A_101 : vector<20x20xi1> to vector<20x20xi32>
    %convert_element_type3A_103 = arith.sitofp %convert_element_type3A_102 : vector<20x20xi32> to vector<20x20xf32>
    %eq3A_104 = arith.cmpi eq, %iota3A_97, %iota3A_98 : vector<20x20xi32>
    %convert_element_type3A_105 = arith.extui %eq3A_104 : vector<20x20xi1> to vector<20x20xi32>
    %convert_element_type3A_106 = arith.sitofp %convert_element_type3A_105 : vector<20x20xi32> to vector<20x20xf32>
    %add3A_107 = arith.addf %convert_element_type3A_103, %convert_element_type3A_106 : vector<20x20xf32>
    %reduce_sum3A_108 = arith.constant dense<0.000000e+00> : vector<20xf32>
    %reduce_sum3A_109 = vector.multi_reduction <add>, %add3A_107, %reduce_sum3A_108 [1] : vector<20x20xf32> to vector<20xf32>
    %broadcast_in_dim3A_110 = vector.shape_cast %reduce_sum3A_109 : vector<20xf32> to vector<20x1xf32>
    %reduce_sum3A_111 = arith.constant dense<0.000000e+00> : vector<20xf32>
    %reduce_sum3A_112 = vector.multi_reduction <add>, %add3A_107, %reduce_sum3A_111 [0] : vector<20x20xf32> to vector<20xf32>
    %broadcast_in_dim3A_113 = vector.shape_cast %reduce_sum3A_112 : vector<20xf32> to vector<1x20xf32>
    %gt3A_114 = arith.constant 0.000000e+00 : f32
    %gt3A_115 = vector.broadcast %gt3A_114 : f32 to vector<20x1xf32>
    %gt3A_116 = arith.cmpf ogt, %broadcast_in_dim3A_110, %gt3A_115 : vector<20x1xf32>
    %sqrt3A_117 = math.sqrt %broadcast_in_dim3A_110 : vector<20x1xf32>
    %div3A_118 = arith.constant 1.000000e+00 : f32
    %div3A_119 = vector.broadcast %div3A_118 : f32 to vector<20x1xf32>
    %div3A_120 = arith.divf %div3A_119, %sqrt3A_117 : vector<20x1xf32>
    %jit3A_121 = arith.constant 0.000000e+00 : f32
    %broadcast_in_dim3A_122 = vector.broadcast %jit3A_121 : f32 to vector<20x1xf32>
    %select_n3A_123 = arith.select %gt3A_116, %div3A_120, %broadcast_in_dim3A_122 : vector<20x1xi1>, vector<20x1xf32>
    %gt3A_124 = arith.constant 0.000000e+00 : f32
    %gt3A_125 = vector.broadcast %gt3A_124 : f32 to vector<1x20xf32>
    %gt3A_126 = arith.cmpf ogt, %broadcast_in_dim3A_113, %gt3A_125 : vector<1x20xf32>
    %sqrt3A_127 = math.sqrt %broadcast_in_dim3A_113 : vector<1x20xf32>
    %div3A_128 = arith.constant 1.000000e+00 : f32
    %div3A_129 = vector.broadcast %div3A_128 : f32 to vector<1x20xf32>
    %div3A_130 = arith.divf %div3A_129, %sqrt3A_127 : vector<1x20xf32>
    %jit3A_131 = arith.constant 0.000000e+00 : f32
    %broadcast_in_dim3A_132 = vector.broadcast %jit3A_131 : f32 to vector<1x20xf32>
    %select_n3A_133 = arith.select %gt3A_126, %div3A_130, %broadcast_in_dim3A_132 : vector<1x20xi1>, vector<1x20xf32>
    %mul3A_134 = vector.broadcast %select_n3A_123 : vector<20x1xf32> to vector<20x20xf32>
    %mul3A_135 = arith.mulf %add3A_107, %mul3A_134 : vector<20x20xf32>
    %mul3A_136 = vector.broadcast %select_n3A_133 : vector<1x20xf32> to vector<20x20xf32>
    %mul3A_137 = arith.mulf %mul3A_135, %mul3A_136 : vector<20x20xf32>
    %dot_general3A_138 = arith.constant dense<0.000000e+00> : vector<20x64xf32>
    %dot_general3A_139 = tpu.matmul %get3A_72, %get3A_75, %dot_general3A_138 {dimension_numbers = #tpu.dot_dimension_numbers<[1], [0], [0], [1], [0, 0, 1, 1], [], []>, transpose_lhs_hint = false} : vector<20x384xf32>, vector<384x64xf32>, vector<20x64xf32> -> vector<20x64xf32>
    %dot_general3A_140 = arith.constant dense<0.000000e+00> : vector<20x64xf32>
    %dot_general3A_141 = tpu.matmul %mul3A_137, %dot_general3A_139, %dot_general3A_140 {dimension_numbers = #tpu.dot_dimension_numbers<[1], [0], [0], [1], [0, 0, 1, 1], [], []>, transpose_lhs_hint = false} : vector<20x20xf32>, vector<20x64xf32>, vector<20x64xf32> -> vector<20x64xf32>
    %add3A_142 = vector.broadcast %get3A_78 : vector<1x64xf32> to vector<20x64xf32>
    %add3A_143 = arith.addf %dot_general3A_141, %add3A_142 : vector<20x64xf32>
    %max3A_144 = arith.constant 0.000000e+00 : f32
    %max3A_145 = vector.broadcast %max3A_144 : f32 to vector<20x64xf32>
    %max3A_146 = arith.maximumf %add3A_143, %max3A_145 : vector<20x64xf32>
    %dot_general3A_147 = arith.constant dense<0.000000e+00> : vector<20x384xf32>
    %dot_general3A_148 = tpu.matmul %max3A_146, %get3A_81, %dot_general3A_147 {dimension_numbers = #tpu.dot_dimension_numbers<[1], [0], [0], [1], [0, 0, 1, 1], [], []>, transpose_lhs_hint = false} : vector<20x64xf32>, vector<64x384xf32>, vector<20x384xf32> -> vector<20x384xf32>
    %dot_general3A_149 = arith.constant dense<0.000000e+00> : vector<20x384xf32>
    %dot_general3A_150 = tpu.matmul %mul3A_137, %dot_general3A_148, %dot_general3A_149 {dimension_numbers = #tpu.dot_dimension_numbers<[1], [0], [0], [1], [0, 0, 1, 1], [], []>, transpose_lhs_hint = false} : vector<20x20xf32>, vector<20x384xf32>, vector<20x384xf32> -> vector<20x384xf32>
    %add3A_151 = vector.broadcast %get3A_84 : vector<1x384xf32> to vector<20x384xf32>
    %add3A_152 = arith.addf %dot_general3A_150, %add3A_151 : vector<20x384xf32>
    %swap3A_153 = arith.constant 0 : index
    %swap3A_154 = arith.constant 0 : index
    %swap3A_155 = vector.load %arg16[%swap3A_153, %swap3A_154] : memref<20x384xf32, #tpu.memory_space<vmem>>, vector<20x384xf32>
    tpu.vector_store %arg16[%swap3A_153, %swap3A_154], %add3A_152 {strides = array<i32>} : memref<20x384xf32, #tpu.memory_space<vmem>>, vector<20x384xf32>,
    %get3A_156 = arith.constant 0 : index
    %get3A_157 = arith.constant 0 : index
    %get3A_158 = vector.load %arg10[%get3A_156, %get3A_157] : memref<4x768xf32, #tpu.memory_space<vmem>>, vector<4x768xf32>
    %get3A_159 = arith.constant 0 : index
    %get3A_160 = arith.constant 0 : index
    %get3A_161 = vector.load %arg11[%get3A_159, %get3A_160] : memref<768x64xf32, #tpu.memory_space<vmem>>, vector<768x64xf32>
    %get3A_162 = arith.constant 0 : index
    %get3A_163 = arith.constant 0 : index
    %get3A_164 = vector.load %arg12[%get3A_162, %get3A_163] : memref<1x64xf32, #tpu.memory_space<vmem>>, vector<1x64xf32>
    %get3A_165 = arith.constant 0 : index
    %get3A_166 = arith.constant 0 : index
    %get3A_167 = vector.load %arg13[%get3A_165, %get3A_166] : memref<64x768xf32, #tpu.memory_space<vmem>>, vector<64x768xf32>
    %get3A_168 = arith.constant 0 : index
    %get3A_169 = arith.constant 0 : index
    %get3A_170 = vector.load %arg14[%get3A_168, %get3A_169] : memref<1x768xf32, #tpu.memory_space<vmem>>, vector<1x768xf32>
    %mul3A_171 = arith.mulf %get3A_158, %get3A_158 : vector<4x768xf32>
    %reduce_sum3A_172 = arith.constant dense<0.000000e+00> : vector<4xf32>
    %reduce_sum3A_173 = vector.multi_reduction <add>, %mul3A_171, %reduce_sum3A_172 [1] : vector<4x768xf32> to vector<4xf32>
    %broadcast_in_dim3A_174 = vector.shape_cast %reduce_sum3A_173 : vector<4xf32> to vector<4x1xf32>
    %sqrt3A_175 = math.sqrt %broadcast_in_dim3A_174 : vector<4x1xf32>
    %max3A_176 = arith.constant 9.99999996E-13 : f32
    %max3A_177 = vector.broadcast %max3A_176 : f32 to vector<4x1xf32>
    %max3A_178 = arith.maximumf %sqrt3A_175, %max3A_177 : vector<4x1xf32>
    %div3A_179 = vector.broadcast %max3A_178 : vector<4x1xf32> to vector<4x768xf32>
    %div3A_180 = arith.divf %get3A_158, %div3A_179 : vector<4x768xf32>
    %dot_general3A_181 = arith.constant dense<0.000000e+00> : vector<4x4xf32>
    %dot_general3A_182 = tpu.matmul %div3A_180, %div3A_180, %dot_general3A_181 {dimension_numbers = #tpu.dot_dimension_numbers<[1], [1], [0], [0], [0, 0, 1, 0], [], []>, transpose_lhs_hint = false} : vector<4x768xf32>, vector<4x768xf32>, vector<4x4xf32> -> vector<4x4xf32>
    %iota3A_183 = tpu.iota {dimensions = array<i32: 0>} : vector<4x4xi32>
    %iota3A_184 = tpu.iota {dimensions = array<i32: 1>} : vector<4x4xi32>
    %gt3A_185 = arith.constant 5.000000e-01 : f32
    %gt3A_186 = vector.broadcast %gt3A_185 : f32 to vector<4x4xf32>
    %gt3A_187 = arith.cmpf ogt, %dot_general3A_182, %gt3A_186 : vector<4x4xf32>
    %convert_element_type3A_188 = arith.extui %gt3A_187 : vector<4x4xi1> to vector<4x4xi32>
    %convert_element_type3A_189 = arith.sitofp %convert_element_type3A_188 : vector<4x4xi32> to vector<4x4xf32>
    %eq3A_190 = arith.cmpi eq, %iota3A_183, %iota3A_184 : vector<4x4xi32>
    %convert_element_type3A_191 = arith.extui %eq3A_190 : vector<4x4xi1> to vector<4x4xi32>
    %convert_element_type3A_192 = arith.sitofp %convert_element_type3A_191 : vector<4x4xi32> to vector<4x4xf32>
    %add3A_193 = arith.addf %convert_element_type3A_189, %convert_element_type3A_192 : vector<4x4xf32>
    %reduce_sum3A_194 = arith.constant dense<0.000000e+00> : vector<4xf32>
    %reduce_sum3A_195 = vector.multi_reduction <add>, %add3A_193, %reduce_sum3A_194 [1] : vector<4x4xf32> to vector<4xf32>
    %broadcast_in_dim3A_196 = vector.shape_cast %reduce_sum3A_195 : vector<4xf32> to vector<4x1xf32>
    %reduce_sum3A_197 = arith.constant dense<0.000000e+00> : vector<4xf32>
    %reduce_sum3A_198 = vector.multi_reduction <add>, %add3A_193, %reduce_sum3A_197 [0] : vector<4x4xf32> to vector<4xf32>
    %broadcast_in_dim3A_199 = vector.shape_cast %reduce_sum3A_198 : vector<4xf32> to vector<1x4xf32>
    %gt3A_200 = arith.constant 0.000000e+00 : f32
    %gt3A_201 = vector.broadcast %gt3A_200 : f32 to vector<4x1xf32>
    %gt3A_202 = arith.cmpf ogt, %broadcast_in_dim3A_196, %gt3A_201 : vector<4x1xf32>
    %sqrt3A_203 = math.sqrt %broadcast_in_dim3A_196 : vector<4x1xf32>
    %div3A_204 = arith.constant 1.000000e+00 : f32
    %div3A_205 = vector.broadcast %div3A_204 : f32 to vector<4x1xf32>
    %div3A_206 = arith.divf %div3A_205, %sqrt3A_203 : vector<4x1xf32>
    %jit3A_207 = arith.constant 0.000000e+00 : f32
    %broadcast_in_dim3A_208 = vector.broadcast %jit3A_207 : f32 to vector<4x1xf32>
    %select_n3A_209 = arith.select %gt3A_202, %div3A_206, %broadcast_in_dim3A_208 : vector<4x1xi1>, vector<4x1xf32>
    %gt3A_210 = arith.constant 0.000000e+00 : f32
    %gt3A_211 = vector.broadcast %gt3A_210 : f32 to vector<1x4xf32>
    %gt3A_212 = arith.cmpf ogt, %broadcast_in_dim3A_199, %gt3A_211 : vector<1x4xf32>
    %sqrt3A_213 = math.sqrt %broadcast_in_dim3A_199 : vector<1x4xf32>
    %div3A_214 = arith.constant 1.000000e+00 : f32
    %div3A_215 = vector.broadcast %div3A_214 : f32 to vector<1x4xf32>
    %div3A_216 = arith.divf %div3A_215, %sqrt3A_213 : vector<1x4xf32>
    %jit3A_217 = arith.constant 0.000000e+00 : f32
    %broadcast_in_dim3A_218 = vector.broadcast %jit3A_217 : f32 to vector<1x4xf32>
    %select_n3A_219 = arith.select %gt3A_212, %div3A_216, %broadcast_in_dim3A_218 : vector<1x4xi1>, vector<1x4xf32>
    %mul3A_220 = vector.broadcast %select_n3A_209 : vector<4x1xf32> to vector<4x4xf32>
    %mul3A_221 = arith.mulf %add3A_193, %mul3A_220 : vector<4x4xf32>
    %mul3A_222 = vector.broadcast %select_n3A_219 : vector<1x4xf32> to vector<4x4xf32>
    %mul3A_223 = arith.mulf %mul3A_221, %mul3A_222 : vector<4x4xf32>
    %dot_general3A_224 = arith.constant dense<0.000000e+00> : vector<4x64xf32>
    %dot_general3A_225 = tpu.matmul %get3A_158, %get3A_161, %dot_general3A_224 {dimension_numbers = #tpu.dot_dimension_numbers<[1], [0], [0], [1], [0, 0, 1, 1], [], []>, transpose_lhs_hint = false} : vector<4x768xf32>, vector<768x64xf32>, vector<4x64xf32> -> vector<4x64xf32>
    %dot_general3A_226 = arith.constant dense<0.000000e+00> : vector<4x64xf32>
    %dot_general3A_227 = tpu.matmul %mul3A_223, %dot_general3A_225, %dot_general3A_226 {dimension_numbers = #tpu.dot_dimension_numbers<[1], [0], [0], [1], [0, 0, 1, 1], [], []>, transpose_lhs_hint = false} : vector<4x4xf32>, vector<4x64xf32>, vector<4x64xf32> -> vector<4x64xf32>
    %add3A_228 = vector.broadcast %get3A_164 : vector<1x64xf32> to vector<4x64xf32>
    %add3A_229 = arith.addf %dot_general3A_227, %add3A_228 : vector<4x64xf32>
    %max3A_230 = arith.constant 0.000000e+00 : f32
    %max3A_231 = vector.broadcast %max3A_230 : f32 to vector<4x64xf32>
    %max3A_232 = arith.maximumf %add3A_229, %max3A_231 : vector<4x64xf32>
    %dot_general3A_233 = arith.constant dense<0.000000e+00> : vector<4x768xf32>
    %dot_general3A_234 = tpu.matmul %max3A_232, %get3A_167, %dot_general3A_233 {dimension_numbers = #tpu.dot_dimension_numbers<[1], [0], [0], [1], [0, 0, 1, 1], [], []>, transpose_lhs_hint = false} : vector<4x64xf32>, vector<64x768xf32>, vector<4x768xf32> -> vector<4x768xf32>
    %dot_general3A_235 = arith.constant dense<0.000000e+00> : vector<4x768xf32>
    %dot_general3A_236 = tpu.matmul %mul3A_223, %dot_general3A_234, %dot_general3A_235 {dimension_numbers = #tpu.dot_dimension_numbers<[1], [0], [0], [1], [0, 0, 1, 1], [], []>, transpose_lhs_hint = false} : vector<4x4xf32>, vector<4x768xf32>, vector<4x768xf32> -> vector<4x768xf32>
    %add3A_237 = vector.broadcast %get3A_170 : vector<1x768xf32> to vector<4x768xf32>
    %add3A_238 = arith.addf %dot_general3A_236, %add3A_237 : vector<4x768xf32>
    %swap3A_239 = arith.constant 0 : index
    %swap3A_240 = arith.constant 0 : index
    %swap3A_241 = vector.load %arg17[%swap3A_239, %swap3A_240] : memref<4x768xf32, #tpu.memory_space<vmem>>, vector<4x768xf32>
    tpu.vector_store %arg17[%swap3A_239, %swap3A_240], %add3A_238 {strides = array<i32>} : memref<4x768xf32, #tpu.memory_space<vmem>>, vector<4x768xf32>,
    return
  }
}

module attributes {stable_mosaic.version = 14 : i64} {
  func.func @_scatter_t_body(%arg0: i32, %arg1: memref<1x256x768xf32, #tpu.memory_space<vmem>>, %arg2: memref<1x1x768xf32, #tpu.memory_space<vmem>>, %arg3: memref<1x1x1xi32, #tpu.memory_space<smem>>, %arg4: memref<1x768x256xf32, #tpu.memory_space<vmem>>, %arg5: memref<256x768xf32, #tpu.memory_space<vmem>>) attributes {dimension_semantics = [#tpu.dimension_semantics<arbitrary>], iteration_bounds = array<i64: 4>, scalar_prefetch = 0 : i64, scratch_operands = 1 : i64, tpu.core_type = #tpu.core_type<tc>, window_params = [{transform_indices = @transform_0, window_bounds = array<i64: 1, 256, 768>}, {transform_indices = @transform_1, window_bounds = array<i64: 1, 1, 768>}, {transform_indices = @transform_2, window_bounds = array<i64: 1, 1, 1>}, {transform_indices = @transform_3, window_bounds = array<i64: 1, 768, 256>}]} {
    %get3A = arith.constant 0 : index
    %get3A_0 = arith.constant 0 : index
    %get3A_1 = arith.constant 0 : index
    %get3A_2 = vector.load %arg1[%get3A, %get3A_0, %get3A_1] : memref<1x256x768xf32, #tpu.memory_space<vmem>>, vector<1x256x768xf32>
    %get3A_3 = vector.shape_cast %get3A_2 : vector<1x256x768xf32> to vector<256x768xf32>
    %swap3A = arith.constant 0 : index
    %swap3A_4 = arith.constant 0 : index
    %swap3A_5 = vector.load %arg5[%swap3A, %swap3A_4] : memref<256x768xf32, #tpu.memory_space<vmem>>, vector<256x768xf32>
    tpu.vector_store %arg5[%swap3A, %swap3A_4], %get3A_3 {strides = array<i32>} : memref<256x768xf32, #tpu.memory_space<vmem>>, vector<256x768xf32>,
    %get3A_6 = arith.constant 0 : index
    %get3A_7 = arith.constant 0 : index
    %get3A_8 = arith.constant 0 : index
    %get3A_9 = vector.load %arg2[%get3A_6, %get3A_7, %get3A_8] : memref<1x1x768xf32, #tpu.memory_space<vmem>>, vector<1x1x768xf32>
    %get3A_10 = vector.shape_cast %get3A_9 : vector<1x1x768xf32> to vector<1x768xf32>
    %get3A_11 = arith.constant 0 : index
    %get3A_12 = arith.constant 0 : index
    %get3A_13 = arith.constant 0 : index
    %get3A_14 = memref.load %arg3[%get3A_11, %get3A_12, %get3A_13] : memref<1x1x1xi32, #tpu.memory_space<smem>>
    %swap3A_15 = arith.index_cast %get3A_14 : i32 to index
    %swap3A_16 = arith.constant 0 : index
    %swap3A_17 = vector.load %arg5[%swap3A_15, %swap3A_16] : memref<256x768xf32, #tpu.memory_space<vmem>>, vector<1x768xf32>
    tpu.vector_store %arg5[%swap3A_15, %swap3A_16], %get3A_10 {strides = array<i32>} : memref<256x768xf32, #tpu.memory_space<vmem>>, vector<1x768xf32>,
    %get3A_18 = arith.constant 0 : index
    %get3A_19 = arith.constant 0 : index
    %get3A_20 = vector.load %arg5[%get3A_18, %get3A_19] : memref<256x768xf32, #tpu.memory_space<vmem>>, vector<256x768xf32>
    %transpose3A = tpu.transpose %get3A_20, [1, 0] : vector<256x768xf32> -> vector<768x256xf32>
    %swap3A_21 = arith.constant 0 : index
    %swap3A_22 = arith.constant 0 : index
    %swap3A_23 = arith.constant 0 : index
    %swap3A_24 = vector.load %arg4[%swap3A_21, %swap3A_22, %swap3A_23] : memref<1x768x256xf32, #tpu.memory_space<vmem>>, vector<1x768x256xf32>
    %swap3A_25 = vector.shape_cast %swap3A_24 : vector<1x768x256xf32> to vector<768x256xf32>
    %swap3A_26 = vector.shape_cast %transpose3A : vector<768x256xf32> to vector<1x768x256xf32>
    tpu.vector_store %arg4[%swap3A_21, %swap3A_22, %swap3A_23], %swap3A_26 {strides = array<i32>} : memref<1x768x256xf32, #tpu.memory_space<vmem>>, vector<1x768x256xf32>,
    return
  }
  func.func @transform_0(%arg0: i32) -> (i32, i32, i32) {
    %c0_i32 = arith.constant 0 : i32
    %c0_i32_0 = arith.constant 0 : i32
    %c0_i32_1 = arith.constant 0 : i32
    return %arg0, %c0_i32, %c0_i32_0 : i32, i32, i32
  }
  func.func @transform_1(%arg0: i32) -> (i32, i32, i32) {
    %c0_i32 = arith.constant 0 : i32
    %c0_i32_0 = arith.constant 0 : i32
    %c0_i32_1 = arith.constant 0 : i32
    return %arg0, %c0_i32, %c0_i32_0 : i32, i32, i32
  }
  func.func @transform_2(%arg0: i32) -> (i32, i32, i32) {
    %c0_i32 = arith.constant 0 : i32
    %c0_i32_0 = arith.constant 0 : i32
    %c0_i32_1 = arith.constant 0 : i32
    return %arg0, %c0_i32, %c0_i32_0 : i32, i32, i32
  }
  func.func @transform_3(%arg0: i32) -> (i32, i32, i32) {
    %c0_i32 = arith.constant 0 : i32
    %c0_i32_0 = arith.constant 0 : i32
    %c0_i32_1 = arith.constant 0 : i32
    return %arg0, %c0_i32, %c0_i32_0 : i32, i32, i32
  }
}

module attributes {stable_mosaic.version = 14 : i64} {
  func.func @_scatter_t_body(%arg0: i32, %arg1: memref<1x1024x384xf32, #tpu.memory_space<vmem>>, %arg2: memref<1x5x384xf32, #tpu.memory_space<vmem>>, %arg3: memref<1x1x5xi32, #tpu.memory_space<smem>>, %arg4: memref<1x384x1024xf32, #tpu.memory_space<vmem>>, %arg5: memref<1024x384xf32, #tpu.memory_space<vmem>>) attributes {dimension_semantics = [#tpu.dimension_semantics<arbitrary>], iteration_bounds = array<i64: 4>, scalar_prefetch = 0 : i64, scratch_operands = 1 : i64, tpu.core_type = #tpu.core_type<tc>, window_params = [{transform_indices = @transform_0, window_bounds = array<i64: 1, 1024, 384>}, {transform_indices = @transform_1, window_bounds = array<i64: 1, 5, 384>}, {transform_indices = @transform_2, window_bounds = array<i64: 1, 1, 5>}, {transform_indices = @transform_3, window_bounds = array<i64: 1, 384, 1024>}]} {
    %get3A = arith.constant 0 : index
    %get3A_0 = arith.constant 0 : index
    %get3A_1 = arith.constant 0 : index
    %get3A_2 = vector.load %arg1[%get3A, %get3A_0, %get3A_1] : memref<1x1024x384xf32, #tpu.memory_space<vmem>>, vector<1x1024x384xf32>
    %get3A_3 = vector.shape_cast %get3A_2 : vector<1x1024x384xf32> to vector<1024x384xf32>
    %swap3A = arith.constant 0 : index
    %swap3A_4 = arith.constant 0 : index
    %swap3A_5 = vector.load %arg5[%swap3A, %swap3A_4] : memref<1024x384xf32, #tpu.memory_space<vmem>>, vector<1024x384xf32>
    tpu.vector_store %arg5[%swap3A, %swap3A_4], %get3A_3 {strides = array<i32>} : memref<1024x384xf32, #tpu.memory_space<vmem>>, vector<1024x384xf32>,
    %get3A_6 = arith.constant 0 : index
    %get3A_7 = arith.constant 0 : index
    %get3A_8 = arith.constant 0 : index
    %get3A_9 = vector.load %arg2[%get3A_6, %get3A_7, %get3A_8] : memref<1x5x384xf32, #tpu.memory_space<vmem>>, vector<1x1x384xf32>
    %get3A_10 = vector.shape_cast %get3A_9 : vector<1x1x384xf32> to vector<1x384xf32>
    %get3A_11 = arith.constant 0 : index
    %get3A_12 = arith.constant 0 : index
    %get3A_13 = arith.constant 0 : index
    %get3A_14 = memref.load %arg3[%get3A_11, %get3A_12, %get3A_13] : memref<1x1x5xi32, #tpu.memory_space<smem>>
    %swap3A_15 = arith.index_cast %get3A_14 : i32 to index
    %swap3A_16 = arith.constant 0 : index
    %swap3A_17 = vector.load %arg5[%swap3A_15, %swap3A_16] : memref<1024x384xf32, #tpu.memory_space<vmem>>, vector<1x384xf32>
    tpu.vector_store %arg5[%swap3A_15, %swap3A_16], %get3A_10 {strides = array<i32>} : memref<1024x384xf32, #tpu.memory_space<vmem>>, vector<1x384xf32>,
    %get3A_18 = arith.constant 0 : index
    %get3A_19 = arith.constant 1 : index
    %get3A_20 = arith.constant 0 : index
    %get3A_21 = vector.load %arg2[%get3A_18, %get3A_19, %get3A_20] : memref<1x5x384xf32, #tpu.memory_space<vmem>>, vector<1x1x384xf32>
    %get3A_22 = vector.shape_cast %get3A_21 : vector<1x1x384xf32> to vector<1x384xf32>
    %get3A_23 = arith.constant 0 : index
    %get3A_24 = arith.constant 0 : index
    %get3A_25 = arith.constant 1 : index
    %get3A_26 = memref.load %arg3[%get3A_23, %get3A_24, %get3A_25] : memref<1x1x5xi32, #tpu.memory_space<smem>>
    %swap3A_27 = arith.index_cast %get3A_26 : i32 to index
    %swap3A_28 = arith.constant 0 : index
    %swap3A_29 = vector.load %arg5[%swap3A_27, %swap3A_28] : memref<1024x384xf32, #tpu.memory_space<vmem>>, vector<1x384xf32>
    tpu.vector_store %arg5[%swap3A_27, %swap3A_28], %get3A_22 {strides = array<i32>} : memref<1024x384xf32, #tpu.memory_space<vmem>>, vector<1x384xf32>,
    %get3A_30 = arith.constant 0 : index
    %get3A_31 = arith.constant 2 : index
    %get3A_32 = arith.constant 0 : index
    %get3A_33 = vector.load %arg2[%get3A_30, %get3A_31, %get3A_32] : memref<1x5x384xf32, #tpu.memory_space<vmem>>, vector<1x1x384xf32>
    %get3A_34 = vector.shape_cast %get3A_33 : vector<1x1x384xf32> to vector<1x384xf32>
    %get3A_35 = arith.constant 0 : index
    %get3A_36 = arith.constant 0 : index
    %get3A_37 = arith.constant 2 : index
    %get3A_38 = memref.load %arg3[%get3A_35, %get3A_36, %get3A_37] : memref<1x1x5xi32, #tpu.memory_space<smem>>
    %swap3A_39 = arith.index_cast %get3A_38 : i32 to index
    %swap3A_40 = arith.constant 0 : index
    %swap3A_41 = vector.load %arg5[%swap3A_39, %swap3A_40] : memref<1024x384xf32, #tpu.memory_space<vmem>>, vector<1x384xf32>
    tpu.vector_store %arg5[%swap3A_39, %swap3A_40], %get3A_34 {strides = array<i32>} : memref<1024x384xf32, #tpu.memory_space<vmem>>, vector<1x384xf32>,
    %get3A_42 = arith.constant 0 : index
    %get3A_43 = arith.constant 3 : index
    %get3A_44 = arith.constant 0 : index
    %get3A_45 = vector.load %arg2[%get3A_42, %get3A_43, %get3A_44] : memref<1x5x384xf32, #tpu.memory_space<vmem>>, vector<1x1x384xf32>
    %get3A_46 = vector.shape_cast %get3A_45 : vector<1x1x384xf32> to vector<1x384xf32>
    %get3A_47 = arith.constant 0 : index
    %get3A_48 = arith.constant 0 : index
    %get3A_49 = arith.constant 3 : index
    %get3A_50 = memref.load %arg3[%get3A_47, %get3A_48, %get3A_49] : memref<1x1x5xi32, #tpu.memory_space<smem>>
    %swap3A_51 = arith.index_cast %get3A_50 : i32 to index
    %swap3A_52 = arith.constant 0 : index
    %swap3A_53 = vector.load %arg5[%swap3A_51, %swap3A_52] : memref<1024x384xf32, #tpu.memory_space<vmem>>, vector<1x384xf32>
    tpu.vector_store %arg5[%swap3A_51, %swap3A_52], %get3A_46 {strides = array<i32>} : memref<1024x384xf32, #tpu.memory_space<vmem>>, vector<1x384xf32>,
    %get3A_54 = arith.constant 0 : index
    %get3A_55 = arith.constant 4 : index
    %get3A_56 = arith.constant 0 : index
    %get3A_57 = vector.load %arg2[%get3A_54, %get3A_55, %get3A_56] : memref<1x5x384xf32, #tpu.memory_space<vmem>>, vector<1x1x384xf32>
    %get3A_58 = vector.shape_cast %get3A_57 : vector<1x1x384xf32> to vector<1x384xf32>
    %get3A_59 = arith.constant 0 : index
    %get3A_60 = arith.constant 0 : index
    %get3A_61 = arith.constant 4 : index
    %get3A_62 = memref.load %arg3[%get3A_59, %get3A_60, %get3A_61] : memref<1x1x5xi32, #tpu.memory_space<smem>>
    %swap3A_63 = arith.index_cast %get3A_62 : i32 to index
    %swap3A_64 = arith.constant 0 : index
    %swap3A_65 = vector.load %arg5[%swap3A_63, %swap3A_64] : memref<1024x384xf32, #tpu.memory_space<vmem>>, vector<1x384xf32>
    tpu.vector_store %arg5[%swap3A_63, %swap3A_64], %get3A_58 {strides = array<i32>} : memref<1024x384xf32, #tpu.memory_space<vmem>>, vector<1x384xf32>,
    %get3A_66 = arith.constant 0 : index
    %get3A_67 = arith.constant 0 : index
    %get3A_68 = vector.load %arg5[%get3A_66, %get3A_67] : memref<1024x384xf32, #tpu.memory_space<vmem>>, vector<1024x384xf32>
    %transpose3A = tpu.transpose %get3A_68, [1, 0] : vector<1024x384xf32> -> vector<384x1024xf32>
    %swap3A_69 = arith.constant 0 : index
    %swap3A_70 = arith.constant 0 : index
    %swap3A_71 = arith.constant 0 : index
    %swap3A_72 = vector.load %arg4[%swap3A_69, %swap3A_70, %swap3A_71] : memref<1x384x1024xf32, #tpu.memory_space<vmem>>, vector<1x384x1024xf32>
    %swap3A_73 = vector.shape_cast %swap3A_72 : vector<1x384x1024xf32> to vector<384x1024xf32>
    %swap3A_74 = vector.shape_cast %transpose3A : vector<384x1024xf32> to vector<1x384x1024xf32>
    tpu.vector_store %arg4[%swap3A_69, %swap3A_70, %swap3A_71], %swap3A_74 {strides = array<i32>} : memref<1x384x1024xf32, #tpu.memory_space<vmem>>, vector<1x384x1024xf32>,
    return
  }
  func.func @transform_0(%arg0: i32) -> (i32, i32, i32) {
    %c0_i32 = arith.constant 0 : i32
    %c0_i32_0 = arith.constant 0 : i32
    %c0_i32_1 = arith.constant 0 : i32
    return %arg0, %c0_i32, %c0_i32_0 : i32, i32, i32
  }
  func.func @transform_1(%arg0: i32) -> (i32, i32, i32) {
    %c0_i32 = arith.constant 0 : i32
    %c0_i32_0 = arith.constant 0 : i32
    %c0_i32_1 = arith.constant 0 : i32
    return %arg0, %c0_i32, %c0_i32_0 : i32, i32, i32
  }
  func.func @transform_2(%arg0: i32) -> (i32, i32, i32) {
    %c0_i32 = arith.constant 0 : i32
    %c0_i32_0 = arith.constant 0 : i32
    %c0_i32_1 = arith.constant 0 : i32
    return %arg0, %c0_i32, %c0_i32_0 : i32, i32, i32
  }
  func.func @transform_3(%arg0: i32) -> (i32, i32, i32) {
    %c0_i32 = arith.constant 0 : i32
    %c0_i32_0 = arith.constant 0 : i32
    %c0_i32_1 = arith.constant 0 : i32
    return %arg0, %c0_i32, %c0_i32_0 : i32, i32, i32
  }
}

module attributes {stable_mosaic.version = 14 : i64} {
  func.func @_scatter_t_body(%arg0: i32, %arg1: memref<1x4096x192xf32, #tpu.memory_space<vmem>>, %arg2: memref<1x20x192xf32, #tpu.memory_space<vmem>>, %arg3: memref<1x1x20xi32, #tpu.memory_space<smem>>, %arg4: memref<1x192x4096xf32, #tpu.memory_space<vmem>>, %arg5: memref<4096x192xf32, #tpu.memory_space<vmem>>) attributes {dimension_semantics = [#tpu.dimension_semantics<arbitrary>], iteration_bounds = array<i64: 4>, scalar_prefetch = 0 : i64, scratch_operands = 1 : i64, tpu.core_type = #tpu.core_type<tc>, window_params = [{transform_indices = @transform_0, window_bounds = array<i64: 1, 4096, 192>}, {transform_indices = @transform_1, window_bounds = array<i64: 1, 20, 192>}, {transform_indices = @transform_2, window_bounds = array<i64: 1, 1, 20>}, {transform_indices = @transform_3, window_bounds = array<i64: 1, 192, 4096>}]} {
    %get3A = arith.constant 0 : index
    %get3A_0 = arith.constant 0 : index
    %get3A_1 = arith.constant 0 : index
    %get3A_2 = vector.load %arg1[%get3A, %get3A_0, %get3A_1] : memref<1x4096x192xf32, #tpu.memory_space<vmem>>, vector<1x4096x192xf32>
    %get3A_3 = vector.shape_cast %get3A_2 : vector<1x4096x192xf32> to vector<4096x192xf32>
    %swap3A = arith.constant 0 : index
    %swap3A_4 = arith.constant 0 : index
    %swap3A_5 = vector.load %arg5[%swap3A, %swap3A_4] : memref<4096x192xf32, #tpu.memory_space<vmem>>, vector<4096x192xf32>
    tpu.vector_store %arg5[%swap3A, %swap3A_4], %get3A_3 {strides = array<i32>} : memref<4096x192xf32, #tpu.memory_space<vmem>>, vector<4096x192xf32>,
    %get3A_6 = arith.constant 0 : index
    %get3A_7 = arith.constant 0 : index
    %get3A_8 = arith.constant 0 : index
    %get3A_9 = vector.load %arg2[%get3A_6, %get3A_7, %get3A_8] : memref<1x20x192xf32, #tpu.memory_space<vmem>>, vector<1x1x192xf32>
    %get3A_10 = vector.shape_cast %get3A_9 : vector<1x1x192xf32> to vector<1x192xf32>
    %get3A_11 = arith.constant 0 : index
    %get3A_12 = arith.constant 0 : index
    %get3A_13 = arith.constant 0 : index
    %get3A_14 = memref.load %arg3[%get3A_11, %get3A_12, %get3A_13] : memref<1x1x20xi32, #tpu.memory_space<smem>>
    %swap3A_15 = arith.index_cast %get3A_14 : i32 to index
    %swap3A_16 = arith.constant 0 : index
    %swap3A_17 = vector.load %arg5[%swap3A_15, %swap3A_16] : memref<4096x192xf32, #tpu.memory_space<vmem>>, vector<1x192xf32>
    tpu.vector_store %arg5[%swap3A_15, %swap3A_16], %get3A_10 {strides = array<i32>} : memref<4096x192xf32, #tpu.memory_space<vmem>>, vector<1x192xf32>,
    %get3A_18 = arith.constant 0 : index
    %get3A_19 = arith.constant 1 : index
    %get3A_20 = arith.constant 0 : index
    %get3A_21 = vector.load %arg2[%get3A_18, %get3A_19, %get3A_20] : memref<1x20x192xf32, #tpu.memory_space<vmem>>, vector<1x1x192xf32>
    %get3A_22 = vector.shape_cast %get3A_21 : vector<1x1x192xf32> to vector<1x192xf32>
    %get3A_23 = arith.constant 0 : index
    %get3A_24 = arith.constant 0 : index
    %get3A_25 = arith.constant 1 : index
    %get3A_26 = memref.load %arg3[%get3A_23, %get3A_24, %get3A_25] : memref<1x1x20xi32, #tpu.memory_space<smem>>
    %swap3A_27 = arith.index_cast %get3A_26 : i32 to index
    %swap3A_28 = arith.constant 0 : index
    %swap3A_29 = vector.load %arg5[%swap3A_27, %swap3A_28] : memref<4096x192xf32, #tpu.memory_space<vmem>>, vector<1x192xf32>
    tpu.vector_store %arg5[%swap3A_27, %swap3A_28], %get3A_22 {strides = array<i32>} : memref<4096x192xf32, #tpu.memory_space<vmem>>, vector<1x192xf32>,
    %get3A_30 = arith.constant 0 : index
    %get3A_31 = arith.constant 2 : index
    %get3A_32 = arith.constant 0 : index
    %get3A_33 = vector.load %arg2[%get3A_30, %get3A_31, %get3A_32] : memref<1x20x192xf32, #tpu.memory_space<vmem>>, vector<1x1x192xf32>
    %get3A_34 = vector.shape_cast %get3A_33 : vector<1x1x192xf32> to vector<1x192xf32>
    %get3A_35 = arith.constant 0 : index
    %get3A_36 = arith.constant 0 : index
    %get3A_37 = arith.constant 2 : index
    %get3A_38 = memref.load %arg3[%get3A_35, %get3A_36, %get3A_37] : memref<1x1x20xi32, #tpu.memory_space<smem>>
    %swap3A_39 = arith.index_cast %get3A_38 : i32 to index
    %swap3A_40 = arith.constant 0 : index
    %swap3A_41 = vector.load %arg5[%swap3A_39, %swap3A_40] : memref<4096x192xf32, #tpu.memory_space<vmem>>, vector<1x192xf32>
    tpu.vector_store %arg5[%swap3A_39, %swap3A_40], %get3A_34 {strides = array<i32>} : memref<4096x192xf32, #tpu.memory_space<vmem>>, vector<1x192xf32>,
    %get3A_42 = arith.constant 0 : index
    %get3A_43 = arith.constant 3 : index
    %get3A_44 = arith.constant 0 : index
    %get3A_45 = vector.load %arg2[%get3A_42, %get3A_43, %get3A_44] : memref<1x20x192xf32, #tpu.memory_space<vmem>>, vector<1x1x192xf32>
    %get3A_46 = vector.shape_cast %get3A_45 : vector<1x1x192xf32> to vector<1x192xf32>
    %get3A_47 = arith.constant 0 : index
    %get3A_48 = arith.constant 0 : index
    %get3A_49 = arith.constant 3 : index
    %get3A_50 = memref.load %arg3[%get3A_47, %get3A_48, %get3A_49] : memref<1x1x20xi32, #tpu.memory_space<smem>>
    %swap3A_51 = arith.index_cast %get3A_50 : i32 to index
    %swap3A_52 = arith.constant 0 : index
    %swap3A_53 = vector.load %arg5[%swap3A_51, %swap3A_52] : memref<4096x192xf32, #tpu.memory_space<vmem>>, vector<1x192xf32>
    tpu.vector_store %arg5[%swap3A_51, %swap3A_52], %get3A_46 {strides = array<i32>} : memref<4096x192xf32, #tpu.memory_space<vmem>>, vector<1x192xf32>,
    %get3A_54 = arith.constant 0 : index
    %get3A_55 = arith.constant 4 : index
    %get3A_56 = arith.constant 0 : index
    %get3A_57 = vector.load %arg2[%get3A_54, %get3A_55, %get3A_56] : memref<1x20x192xf32, #tpu.memory_space<vmem>>, vector<1x1x192xf32>
    %get3A_58 = vector.shape_cast %get3A_57 : vector<1x1x192xf32> to vector<1x192xf32>
    %get3A_59 = arith.constant 0 : index
    %get3A_60 = arith.constant 0 : index
    %get3A_61 = arith.constant 4 : index
    %get3A_62 = memref.load %arg3[%get3A_59, %get3A_60, %get3A_61] : memref<1x1x20xi32, #tpu.memory_space<smem>>
    %swap3A_63 = arith.index_cast %get3A_62 : i32 to index
    %swap3A_64 = arith.constant 0 : index
    %swap3A_65 = vector.load %arg5[%swap3A_63, %swap3A_64] : memref<4096x192xf32, #tpu.memory_space<vmem>>, vector<1x192xf32>
    tpu.vector_store %arg5[%swap3A_63, %swap3A_64], %get3A_58 {strides = array<i32>} : memref<4096x192xf32, #tpu.memory_space<vmem>>, vector<1x192xf32>,
    %get3A_66 = arith.constant 0 : index
    %get3A_67 = arith.constant 5 : index
    %get3A_68 = arith.constant 0 : index
    %get3A_69 = vector.load %arg2[%get3A_66, %get3A_67, %get3A_68] : memref<1x20x192xf32, #tpu.memory_space<vmem>>, vector<1x1x192xf32>
    %get3A_70 = vector.shape_cast %get3A_69 : vector<1x1x192xf32> to vector<1x192xf32>
    %get3A_71 = arith.constant 0 : index
    %get3A_72 = arith.constant 0 : index
    %get3A_73 = arith.constant 5 : index
    %get3A_74 = memref.load %arg3[%get3A_71, %get3A_72, %get3A_73] : memref<1x1x20xi32, #tpu.memory_space<smem>>
    %swap3A_75 = arith.index_cast %get3A_74 : i32 to index
    %swap3A_76 = arith.constant 0 : index
    %swap3A_77 = vector.load %arg5[%swap3A_75, %swap3A_76] : memref<4096x192xf32, #tpu.memory_space<vmem>>, vector<1x192xf32>
    tpu.vector_store %arg5[%swap3A_75, %swap3A_76], %get3A_70 {strides = array<i32>} : memref<4096x192xf32, #tpu.memory_space<vmem>>, vector<1x192xf32>,
    %get3A_78 = arith.constant 0 : index
    %get3A_79 = arith.constant 6 : index
    %get3A_80 = arith.constant 0 : index
    %get3A_81 = vector.load %arg2[%get3A_78, %get3A_79, %get3A_80] : memref<1x20x192xf32, #tpu.memory_space<vmem>>, vector<1x1x192xf32>
    %get3A_82 = vector.shape_cast %get3A_81 : vector<1x1x192xf32> to vector<1x192xf32>
    %get3A_83 = arith.constant 0 : index
    %get3A_84 = arith.constant 0 : index
    %get3A_85 = arith.constant 6 : index
    %get3A_86 = memref.load %arg3[%get3A_83, %get3A_84, %get3A_85] : memref<1x1x20xi32, #tpu.memory_space<smem>>
    %swap3A_87 = arith.index_cast %get3A_86 : i32 to index
    %swap3A_88 = arith.constant 0 : index
    %swap3A_89 = vector.load %arg5[%swap3A_87, %swap3A_88] : memref<4096x192xf32, #tpu.memory_space<vmem>>, vector<1x192xf32>
    tpu.vector_store %arg5[%swap3A_87, %swap3A_88], %get3A_82 {strides = array<i32>} : memref<4096x192xf32, #tpu.memory_space<vmem>>, vector<1x192xf32>,
    %get3A_90 = arith.constant 0 : index
    %get3A_91 = arith.constant 7 : index
    %get3A_92 = arith.constant 0 : index
    %get3A_93 = vector.load %arg2[%get3A_90, %get3A_91, %get3A_92] : memref<1x20x192xf32, #tpu.memory_space<vmem>>, vector<1x1x192xf32>
    %get3A_94 = vector.shape_cast %get3A_93 : vector<1x1x192xf32> to vector<1x192xf32>
    %get3A_95 = arith.constant 0 : index
    %get3A_96 = arith.constant 0 : index
    %get3A_97 = arith.constant 7 : index
    %get3A_98 = memref.load %arg3[%get3A_95, %get3A_96, %get3A_97] : memref<1x1x20xi32, #tpu.memory_space<smem>>
    %swap3A_99 = arith.index_cast %get3A_98 : i32 to index
    %swap3A_100 = arith.constant 0 : index
    %swap3A_101 = vector.load %arg5[%swap3A_99, %swap3A_100] : memref<4096x192xf32, #tpu.memory_space<vmem>>, vector<1x192xf32>
    tpu.vector_store %arg5[%swap3A_99, %swap3A_100], %get3A_94 {strides = array<i32>} : memref<4096x192xf32, #tpu.memory_space<vmem>>, vector<1x192xf32>,
    %get3A_102 = arith.constant 0 : index
    %get3A_103 = arith.constant 8 : index
    %get3A_104 = arith.constant 0 : index
    %get3A_105 = vector.load %arg2[%get3A_102, %get3A_103, %get3A_104] : memref<1x20x192xf32, #tpu.memory_space<vmem>>, vector<1x1x192xf32>
    %get3A_106 = vector.shape_cast %get3A_105 : vector<1x1x192xf32> to vector<1x192xf32>
    %get3A_107 = arith.constant 0 : index
    %get3A_108 = arith.constant 0 : index
    %get3A_109 = arith.constant 8 : index
    %get3A_110 = memref.load %arg3[%get3A_107, %get3A_108, %get3A_109] : memref<1x1x20xi32, #tpu.memory_space<smem>>
    %swap3A_111 = arith.index_cast %get3A_110 : i32 to index
    %swap3A_112 = arith.constant 0 : index
    %swap3A_113 = vector.load %arg5[%swap3A_111, %swap3A_112] : memref<4096x192xf32, #tpu.memory_space<vmem>>, vector<1x192xf32>
    tpu.vector_store %arg5[%swap3A_111, %swap3A_112], %get3A_106 {strides = array<i32>} : memref<4096x192xf32, #tpu.memory_space<vmem>>, vector<1x192xf32>,
    %get3A_114 = arith.constant 0 : index
    %get3A_115 = arith.constant 9 : index
    %get3A_116 = arith.constant 0 : index
    %get3A_117 = vector.load %arg2[%get3A_114, %get3A_115, %get3A_116] : memref<1x20x192xf32, #tpu.memory_space<vmem>>, vector<1x1x192xf32>
    %get3A_118 = vector.shape_cast %get3A_117 : vector<1x1x192xf32> to vector<1x192xf32>
    %get3A_119 = arith.constant 0 : index
    %get3A_120 = arith.constant 0 : index
    %get3A_121 = arith.constant 9 : index
    %get3A_122 = memref.load %arg3[%get3A_119, %get3A_120, %get3A_121] : memref<1x1x20xi32, #tpu.memory_space<smem>>
    %swap3A_123 = arith.index_cast %get3A_122 : i32 to index
    %swap3A_124 = arith.constant 0 : index
    %swap3A_125 = vector.load %arg5[%swap3A_123, %swap3A_124] : memref<4096x192xf32, #tpu.memory_space<vmem>>, vector<1x192xf32>
    tpu.vector_store %arg5[%swap3A_123, %swap3A_124], %get3A_118 {strides = array<i32>} : memref<4096x192xf32, #tpu.memory_space<vmem>>, vector<1x192xf32>,
    %get3A_126 = arith.constant 0 : index
    %get3A_127 = arith.constant 10 : index
    %get3A_128 = arith.constant 0 : index
    %get3A_129 = vector.load %arg2[%get3A_126, %get3A_127, %get3A_128] : memref<1x20x192xf32, #tpu.memory_space<vmem>>, vector<1x1x192xf32>
    %get3A_130 = vector.shape_cast %get3A_129 : vector<1x1x192xf32> to vector<1x192xf32>
    %get3A_131 = arith.constant 0 : index
    %get3A_132 = arith.constant 0 : index
    %get3A_133 = arith.constant 10 : index
    %get3A_134 = memref.load %arg3[%get3A_131, %get3A_132, %get3A_133] : memref<1x1x20xi32, #tpu.memory_space<smem>>
    %swap3A_135 = arith.index_cast %get3A_134 : i32 to index
    %swap3A_136 = arith.constant 0 : index
    %swap3A_137 = vector.load %arg5[%swap3A_135, %swap3A_136] : memref<4096x192xf32, #tpu.memory_space<vmem>>, vector<1x192xf32>
    tpu.vector_store %arg5[%swap3A_135, %swap3A_136], %get3A_130 {strides = array<i32>} : memref<4096x192xf32, #tpu.memory_space<vmem>>, vector<1x192xf32>,
    %get3A_138 = arith.constant 0 : index
    %get3A_139 = arith.constant 11 : index
    %get3A_140 = arith.constant 0 : index
    %get3A_141 = vector.load %arg2[%get3A_138, %get3A_139, %get3A_140] : memref<1x20x192xf32, #tpu.memory_space<vmem>>, vector<1x1x192xf32>
    %get3A_142 = vector.shape_cast %get3A_141 : vector<1x1x192xf32> to vector<1x192xf32>
    %get3A_143 = arith.constant 0 : index
    %get3A_144 = arith.constant 0 : index
    %get3A_145 = arith.constant 11 : index
    %get3A_146 = memref.load %arg3[%get3A_143, %get3A_144, %get3A_145] : memref<1x1x20xi32, #tpu.memory_space<smem>>
    %swap3A_147 = arith.index_cast %get3A_146 : i32 to index
    %swap3A_148 = arith.constant 0 : index
    %swap3A_149 = vector.load %arg5[%swap3A_147, %swap3A_148] : memref<4096x192xf32, #tpu.memory_space<vmem>>, vector<1x192xf32>
    tpu.vector_store %arg5[%swap3A_147, %swap3A_148], %get3A_142 {strides = array<i32>} : memref<4096x192xf32, #tpu.memory_space<vmem>>, vector<1x192xf32>,
    %get3A_150 = arith.constant 0 : index
    %get3A_151 = arith.constant 12 : index
    %get3A_152 = arith.constant 0 : index
    %get3A_153 = vector.load %arg2[%get3A_150, %get3A_151, %get3A_152] : memref<1x20x192xf32, #tpu.memory_space<vmem>>, vector<1x1x192xf32>
    %get3A_154 = vector.shape_cast %get3A_153 : vector<1x1x192xf32> to vector<1x192xf32>
    %get3A_155 = arith.constant 0 : index
    %get3A_156 = arith.constant 0 : index
    %get3A_157 = arith.constant 12 : index
    %get3A_158 = memref.load %arg3[%get3A_155, %get3A_156, %get3A_157] : memref<1x1x20xi32, #tpu.memory_space<smem>>
    %swap3A_159 = arith.index_cast %get3A_158 : i32 to index
    %swap3A_160 = arith.constant 0 : index
    %swap3A_161 = vector.load %arg5[%swap3A_159, %swap3A_160] : memref<4096x192xf32, #tpu.memory_space<vmem>>, vector<1x192xf32>
    tpu.vector_store %arg5[%swap3A_159, %swap3A_160], %get3A_154 {strides = array<i32>} : memref<4096x192xf32, #tpu.memory_space<vmem>>, vector<1x192xf32>,
    %get3A_162 = arith.constant 0 : index
    %get3A_163 = arith.constant 13 : index
    %get3A_164 = arith.constant 0 : index
    %get3A_165 = vector.load %arg2[%get3A_162, %get3A_163, %get3A_164] : memref<1x20x192xf32, #tpu.memory_space<vmem>>, vector<1x1x192xf32>
    %get3A_166 = vector.shape_cast %get3A_165 : vector<1x1x192xf32> to vector<1x192xf32>
    %get3A_167 = arith.constant 0 : index
    %get3A_168 = arith.constant 0 : index
    %get3A_169 = arith.constant 13 : index
    %get3A_170 = memref.load %arg3[%get3A_167, %get3A_168, %get3A_169] : memref<1x1x20xi32, #tpu.memory_space<smem>>
    %swap3A_171 = arith.index_cast %get3A_170 : i32 to index
    %swap3A_172 = arith.constant 0 : index
    %swap3A_173 = vector.load %arg5[%swap3A_171, %swap3A_172] : memref<4096x192xf32, #tpu.memory_space<vmem>>, vector<1x192xf32>
    tpu.vector_store %arg5[%swap3A_171, %swap3A_172], %get3A_166 {strides = array<i32>} : memref<4096x192xf32, #tpu.memory_space<vmem>>, vector<1x192xf32>,
    %get3A_174 = arith.constant 0 : index
    %get3A_175 = arith.constant 14 : index
    %get3A_176 = arith.constant 0 : index
    %get3A_177 = vector.load %arg2[%get3A_174, %get3A_175, %get3A_176] : memref<1x20x192xf32, #tpu.memory_space<vmem>>, vector<1x1x192xf32>
    %get3A_178 = vector.shape_cast %get3A_177 : vector<1x1x192xf32> to vector<1x192xf32>
    %get3A_179 = arith.constant 0 : index
    %get3A_180 = arith.constant 0 : index
    %get3A_181 = arith.constant 14 : index
    %get3A_182 = memref.load %arg3[%get3A_179, %get3A_180, %get3A_181] : memref<1x1x20xi32, #tpu.memory_space<smem>>
    %swap3A_183 = arith.index_cast %get3A_182 : i32 to index
    %swap3A_184 = arith.constant 0 : index
    %swap3A_185 = vector.load %arg5[%swap3A_183, %swap3A_184] : memref<4096x192xf32, #tpu.memory_space<vmem>>, vector<1x192xf32>
    tpu.vector_store %arg5[%swap3A_183, %swap3A_184], %get3A_178 {strides = array<i32>} : memref<4096x192xf32, #tpu.memory_space<vmem>>, vector<1x192xf32>,
    %get3A_186 = arith.constant 0 : index
    %get3A_187 = arith.constant 15 : index
    %get3A_188 = arith.constant 0 : index
    %get3A_189 = vector.load %arg2[%get3A_186, %get3A_187, %get3A_188] : memref<1x20x192xf32, #tpu.memory_space<vmem>>, vector<1x1x192xf32>
    %get3A_190 = vector.shape_cast %get3A_189 : vector<1x1x192xf32> to vector<1x192xf32>
    %get3A_191 = arith.constant 0 : index
    %get3A_192 = arith.constant 0 : index
    %get3A_193 = arith.constant 15 : index
    %get3A_194 = memref.load %arg3[%get3A_191, %get3A_192, %get3A_193] : memref<1x1x20xi32, #tpu.memory_space<smem>>
    %swap3A_195 = arith.index_cast %get3A_194 : i32 to index
    %swap3A_196 = arith.constant 0 : index
    %swap3A_197 = vector.load %arg5[%swap3A_195, %swap3A_196] : memref<4096x192xf32, #tpu.memory_space<vmem>>, vector<1x192xf32>
    tpu.vector_store %arg5[%swap3A_195, %swap3A_196], %get3A_190 {strides = array<i32>} : memref<4096x192xf32, #tpu.memory_space<vmem>>, vector<1x192xf32>,
    %get3A_198 = arith.constant 0 : index
    %get3A_199 = arith.constant 16 : index
    %get3A_200 = arith.constant 0 : index
    %get3A_201 = vector.load %arg2[%get3A_198, %get3A_199, %get3A_200] : memref<1x20x192xf32, #tpu.memory_space<vmem>>, vector<1x1x192xf32>
    %get3A_202 = vector.shape_cast %get3A_201 : vector<1x1x192xf32> to vector<1x192xf32>
    %get3A_203 = arith.constant 0 : index
    %get3A_204 = arith.constant 0 : index
    %get3A_205 = arith.constant 16 : index
    %get3A_206 = memref.load %arg3[%get3A_203, %get3A_204, %get3A_205] : memref<1x1x20xi32, #tpu.memory_space<smem>>
    %swap3A_207 = arith.index_cast %get3A_206 : i32 to index
    %swap3A_208 = arith.constant 0 : index
    %swap3A_209 = vector.load %arg5[%swap3A_207, %swap3A_208] : memref<4096x192xf32, #tpu.memory_space<vmem>>, vector<1x192xf32>
    tpu.vector_store %arg5[%swap3A_207, %swap3A_208], %get3A_202 {strides = array<i32>} : memref<4096x192xf32, #tpu.memory_space<vmem>>, vector<1x192xf32>,
    %get3A_210 = arith.constant 0 : index
    %get3A_211 = arith.constant 17 : index
    %get3A_212 = arith.constant 0 : index
    %get3A_213 = vector.load %arg2[%get3A_210, %get3A_211, %get3A_212] : memref<1x20x192xf32, #tpu.memory_space<vmem>>, vector<1x1x192xf32>
    %get3A_214 = vector.shape_cast %get3A_213 : vector<1x1x192xf32> to vector<1x192xf32>
    %get3A_215 = arith.constant 0 : index
    %get3A_216 = arith.constant 0 : index
    %get3A_217 = arith.constant 17 : index
    %get3A_218 = memref.load %arg3[%get3A_215, %get3A_216, %get3A_217] : memref<1x1x20xi32, #tpu.memory_space<smem>>
    %swap3A_219 = arith.index_cast %get3A_218 : i32 to index
    %swap3A_220 = arith.constant 0 : index
    %swap3A_221 = vector.load %arg5[%swap3A_219, %swap3A_220] : memref<4096x192xf32, #tpu.memory_space<vmem>>, vector<1x192xf32>
    tpu.vector_store %arg5[%swap3A_219, %swap3A_220], %get3A_214 {strides = array<i32>} : memref<4096x192xf32, #tpu.memory_space<vmem>>, vector<1x192xf32>,
    %get3A_222 = arith.constant 0 : index
    %get3A_223 = arith.constant 18 : index
    %get3A_224 = arith.constant 0 : index
    %get3A_225 = vector.load %arg2[%get3A_222, %get3A_223, %get3A_224] : memref<1x20x192xf32, #tpu.memory_space<vmem>>, vector<1x1x192xf32>
    %get3A_226 = vector.shape_cast %get3A_225 : vector<1x1x192xf32> to vector<1x192xf32>
    %get3A_227 = arith.constant 0 : index
    %get3A_228 = arith.constant 0 : index
    %get3A_229 = arith.constant 18 : index
    %get3A_230 = memref.load %arg3[%get3A_227, %get3A_228, %get3A_229] : memref<1x1x20xi32, #tpu.memory_space<smem>>
    %swap3A_231 = arith.index_cast %get3A_230 : i32 to index
    %swap3A_232 = arith.constant 0 : index
    %swap3A_233 = vector.load %arg5[%swap3A_231, %swap3A_232] : memref<4096x192xf32, #tpu.memory_space<vmem>>, vector<1x192xf32>
    tpu.vector_store %arg5[%swap3A_231, %swap3A_232], %get3A_226 {strides = array<i32>} : memref<4096x192xf32, #tpu.memory_space<vmem>>, vector<1x192xf32>,
    %get3A_234 = arith.constant 0 : index
    %get3A_235 = arith.constant 19 : index
    %get3A_236 = arith.constant 0 : index
    %get3A_237 = vector.load %arg2[%get3A_234, %get3A_235, %get3A_236] : memref<1x20x192xf32, #tpu.memory_space<vmem>>, vector<1x1x192xf32>
    %get3A_238 = vector.shape_cast %get3A_237 : vector<1x1x192xf32> to vector<1x192xf32>
    %get3A_239 = arith.constant 0 : index
    %get3A_240 = arith.constant 0 : index
    %get3A_241 = arith.constant 19 : index
    %get3A_242 = memref.load %arg3[%get3A_239, %get3A_240, %get3A_241] : memref<1x1x20xi32, #tpu.memory_space<smem>>
    %swap3A_243 = arith.index_cast %get3A_242 : i32 to index
    %swap3A_244 = arith.constant 0 : index
    %swap3A_245 = vector.load %arg5[%swap3A_243, %swap3A_244] : memref<4096x192xf32, #tpu.memory_space<vmem>>, vector<1x192xf32>
    tpu.vector_store %arg5[%swap3A_243, %swap3A_244], %get3A_238 {strides = array<i32>} : memref<4096x192xf32, #tpu.memory_space<vmem>>, vector<1x192xf32>,
    %get3A_246 = arith.constant 0 : index
    %get3A_247 = arith.constant 0 : index
    %get3A_248 = vector.load %arg5[%get3A_246, %get3A_247] : memref<4096x192xf32, #tpu.memory_space<vmem>>, vector<4096x192xf32>
    %transpose3A = tpu.transpose %get3A_248, [1, 0] : vector<4096x192xf32> -> vector<192x4096xf32>
    %swap3A_249 = arith.constant 0 : index
    %swap3A_250 = arith.constant 0 : index
    %swap3A_251 = arith.constant 0 : index
    %swap3A_252 = vector.load %arg4[%swap3A_249, %swap3A_250, %swap3A_251] : memref<1x192x4096xf32, #tpu.memory_space<vmem>>, vector<1x192x4096xf32>
    %swap3A_253 = vector.shape_cast %swap3A_252 : vector<1x192x4096xf32> to vector<192x4096xf32>
    %swap3A_254 = vector.shape_cast %transpose3A : vector<192x4096xf32> to vector<1x192x4096xf32>
    tpu.vector_store %arg4[%swap3A_249, %swap3A_250, %swap3A_251], %swap3A_254 {strides = array<i32>} : memref<1x192x4096xf32, #tpu.memory_space<vmem>>, vector<1x192x4096xf32>,
    return
  }
  func.func @transform_0(%arg0: i32) -> (i32, i32, i32) {
    %c0_i32 = arith.constant 0 : i32
    %c0_i32_0 = arith.constant 0 : i32
    %c0_i32_1 = arith.constant 0 : i32
    return %arg0, %c0_i32, %c0_i32_0 : i32, i32, i32
  }
  func.func @transform_1(%arg0: i32) -> (i32, i32, i32) {
    %c0_i32 = arith.constant 0 : i32
    %c0_i32_0 = arith.constant 0 : i32
    %c0_i32_1 = arith.constant 0 : i32
    return %arg0, %c0_i32, %c0_i32_0 : i32, i32, i32
  }
  func.func @transform_2(%arg0: i32) -> (i32, i32, i32) {
    %c0_i32 = arith.constant 0 : i32
    %c0_i32_0 = arith.constant 0 : i32
    %c0_i32_1 = arith.constant 0 : i32
    return %arg0, %c0_i32, %c0_i32_0 : i32, i32, i32
  }
  func.func @transform_3(%arg0: i32) -> (i32, i32, i32) {
    %c0_i32 = arith.constant 0 : i32
    %c0_i32_0 = arith.constant 0 : i32
    %c0_i32_1 = arith.constant 0 : i32
    return %arg0, %c0_i32, %c0_i32_0 : i32, i32, i32
  }
}

</mosaic_0001>

<sc_bundles>
// kernel: kernel.10.cloned.1.call-start
scs
__scs_entry_jumppad:
0x0: {  	(pc) =	sbr.rel $0x88, $3  }
0x1: {  	(tag) =	ssettag $0x0;
	lr =	simm.s32 $0x1  }
0x2: {  	[smem:$0x3F5B] =	sst lr;
	_ =	strace $0xD0000000  }
0x3: {  	_ = 	snop  }
0x4: {  	_ = 	snop  }
0x5: {  	_ = 	snop  }
0x6: {  	_ = 	snop  }
0x7: {  	_ = 	snop  }
__scs_overlays_trampoline_lowered:
0x8: {  	[smem:$0x3F6A] =	sst s0  }
0x9: {  	[smem:$0x3F6B] =	sst s1  }
0xa: {  	[smem:$0x3F6C] =	sst s2  }
0xb: {  	[smem:$0x3F6D] =	sst s3  }
0xc: {  	[smem:$0x3F6E] =	sst s4  }
0xd: {  	[smem:$0x3F6F] =	sst s5  }
0xe: {  	[smem:$0x3F70] =	sst s6  }
0xf: {  	[smem:$0x3F71] =	sst s7  }
0x10: {  	[smem:$0x3F72] =	sst s8  }
0x11: {  	[smem:$0x3F73] =	sst s9;
	s0 =	simm.s32 @!p0 $0x0  }
0x12: {  	s1 =	sld [smem:$0x3F59];
	s0 =	simm.s32 @p0 $0x1  }
0x13: {  	[smem:$0x3F74] =	sst s0;
	s0 =	simm.s32 @!p1 $0x0  }
0x14: {  	s2 =	sld [smem:$0x3F58];
	s0 =	simm.s32 @p1 $0x1  }
0x15: {  	[smem:$0x3F75] =	sst s0;
	s0 =	simm.s32 @!p2 $0x0  }
0x16: {  	s3 =	sld [smem:$0x3FDB];
	s0 =	simm.s32 @p2 $0x1  }
0x17: {  	s4 =	simm.s32 $0x1BF5;
	[smem:$0x3F77] =	sst s0  }
0x18: {  	s0 =	sld [smem:$0x3F5A];
	_ =	swait.ge [sflag:s4], $0x0  }
0x19: {  	s7 =	sld [smem:$0x3F5B]  }
0x1a: {  	s8 =	sadd.s32 $0xFFFFE003, lr  }
0x1b: {  	s9 =	sadd.s32 $0xFFFFFEF7, lr;
	s5 =	simm.s32 $0xFFFFFFFF;
	p2 =	slt.u32 s8, $0xFFFFF086  }
0x1c: {  	p1 =	slt.u32 s9, $0xF7A;
	s5 =	simm.s32 @!p2 $0x0  }
0x1d: {  	s5 =	simm.s32 @p1 $0x1;
	p0 =	seq.s32 s7, s2  }
0x1e: {  	s7 =	smul.u32 @!p0 $0xF7A, s2;
	p2 =	seq.s32 @!p0 s5, $0x0  }
0x1f: {  	s9 =	smul.u32 $0xF7A, s1;
	s8 =	simm.s32 @!p0 $0x1BF5;
	p2 =	por !p2, p0  }
0x20: {  	[sflag:s8] =	ssyncset.s32 @!p0 $0xFFFFF086;
	s6 =	sadd.s32 @!p0 s3, s7;
	s7 =	simm.s32 @!p0 $0x108  }
0x21: {  	s3 =	sadd.s32 s3, s9;
	s6 =	sadd.s32 @!p0 $0x88, s6;
	s7 =	simm.s32 @p2 $0x1082  }
0x22: {  	[simem:s7], [sflag:s8] =	dma.local @!p0 [hbm:s6], $0xF7A  }
0x23: {  	s9 =	sor.u32 $0xD0000000, s2;
	s6 =	simm.s32 $0x108;
	_ =	swait.ge @!p0 [sflag:s8], $0x0  }
0x24: {  	s3 =	sadd.s32 $0x88, s3;
	s6 =	simm.s32 @!p1 $0x1082;
	[sflag:s4] =	ssyncset.s32 $0xFFFFF086  }
0x25: {  	[simem:s6], [sflag:s4] =	dma.local [hbm:s3], $0xF7A  }
0x26: {  	[smem:$0x3F5B] =	sst s1;
	(tag) =	ssettag s2;
	_ =	strace s9  }
0x27: {  	s1 =	sld [smem:$0x3F6B]  }
0x28: {  	s2 =	sld [smem:$0x3F6C]  }
0x29: {  	s4 =	sld [smem:$0x3F6E]  }
0x2a: {  	p0 =	seq.s32 s5, $0x0;
	s5 =	sld [smem:$0x3F6F]  }
0x2b: {  	s6 =	sld [smem:$0x3F70]  }
0x2c: {  	s7 =	sld [smem:$0x3F71]  }
0x2d: {  	s3 =	simm.s32 $0x108;
	s8 =	sld [smem:$0x3F72]  }
0x2e: {  	s3 =	simm.s32 @!p0 $0x1082;
	s9 =	sld [smem:$0x3F73]  }
0x2f: {  	lr =	sadd.s32 s0, s3;
	s0 =	sld [smem:$0x3F6A]  }
0x30: {  	s3 =	sld [smem:$0x3F6D]  }
0x31: {  	[smem:$0x3F76] =	sst s10  }
0x32: {  	s10 =	sld [smem:$0x3F74];
	_ =	sdelay $0x3  }
0x33: {  	p0 =	seq.s32 s10, $0x1;
	s10 =	sld [smem:$0x3F76];
	_ =	sdelay $0x3  }
0x34: {  	[smem:$0x3F76] =	sst s10  }
0x35: {  	s10 =	sld [smem:$0x3F75];
	_ =	sdelay $0x3  }
0x36: {  	p1 =	seq.s32 s10, $0x1;
	s10 =	sld [smem:$0x3F76];
	_ =	sdelay $0x3  }
0x37: {  	[smem:$0x3F76] =	sst s10  }
0x38: {  	s10 =	sld [smem:$0x3F77]  }
0x39: {  	_ = 	snop;
	(pc) =	sbr.ind lr, $3  }
0x3a: {  	_ = 	snop  }
0x3b: {  	_ = 	snop  }
0x3c: {  	p2 =	seq.s32 s10, $0x1;
	s10 =	sld [smem:$0x3F76]  }
0x3d: {  	_ =	shalt  }
0x3e: {  	_ =	shalt  }
0x3f: {  	_ =	shalt  }
0x40: {  	_ =	shalt  }
0x41: {  	_ =	shalt  }
0x42: {  	_ =	shalt  }
0x43: {  	_ =	shalt  }
0x44: {  	_ =	shalt  }
0x45: {  	_ =	shalt  }
0x46: {  	_ =	shalt  }
0x47: {  	_ =	shalt  }
0x48: {  	_ =	shalt  }
0x49: {  	_ =	shalt  }
0x4a: {  	_ =	shalt  }
0x4b: {  	_ =	shalt  }
0x4c: {  	_ =	shalt  }
0x4d: {  	_ =	shalt  }
0x4e: {  	_ =	shalt  }
0x4f: {  	_ =	shalt  }
0x50: {  	_ =	shalt  }
0x51: {  	_ =	shalt  }
0x52: {  	_ =	shalt  }
0x53: {  	_ =	shalt  }
0x54: {  	_ =	shalt  }
0x55: {  	_ =	shalt  }
0x56: {  	_ =	shalt  }
0x57: {  	_ =	shalt  }
0x58: {  	_ =	shalt  }
0x59: {  	_ =	shalt  }
0x5a: {  	_ =	shalt  }
0x5b: {  	_ =	shalt  }
0x5c: {  	_ =	shalt  }
0x5d: {  	_ =	shalt  }
0x5e: {  	_ =	shalt  }
0x5f: {  	_ =	shalt  }
0x60: {  	_ =	shalt  }
0x61: {  	_ =	shalt  }
0x62: {  	_ =	shalt  }
0x63: {  	_ =	shalt  }
0x64: {  	_ =	shalt  }
0x65: {  	_ =	shalt  }
0x66: {  	_ =	shalt  }
0x67: {  	_ =	shalt  }
0x68: {  	_ =	shalt  }
0x69: {  	_ =	shalt  }
0x6a: {  	_ =	shalt  }
0x6b: {  	_ =	shalt  }
0x6c: {  	_ =	shalt  }
0x6d: {  	_ =	shalt  }
0x6e: {  	_ =	shalt  }
0x6f: {  	_ =	shalt  }
0x70: {  	_ =	shalt  }
0x71: {  	_ =	shalt  }
0x72: {  	_ =	shalt  }
0x73: {  	_ =	shalt  }
0x74: {  	_ =	shalt  }
0x75: {  	_ =	shalt  }
0x76: {  	_ =	shalt  }
0x77: {  	_ =	shalt  }
0x78: {  	_ =	shalt  }
0x79: {  	_ =	shalt  }
0x7a: {  	_ =	shalt  }
0x7b: {  	_ =	shalt  }
0x7c: {  	_ =	shalt  }
0x7d: {  	_ =	shalt  }
0x7e: {  	_ =	shalt  }
0x7f: {  	_ =	shalt  }
0x80: {  	_ =	shalt  }
0x81: {  	_ =	shalt  }
0x82: {  	_ =	shalt  }
0x83: {  	_ =	shalt  }
0x84: {  	_ =	shalt  }
0x85: {  	_ =	shalt  }
0x86: {  	_ =	shalt  }
0x87: {  	_ =	shalt  }
.Lfunc_end0:
.L_simem_size_0:
called_computation_lowered:
.L_overlay_start_0:
0x88: {  	s2 =	sld [smem:$0x3FD9]  }
0x89: {  	s3 =	sld [smem:$0x3FFE];
	_ =	sdelay $0x1  }
0x8a: {  	s1 =	srdreg.scid  }
0x8b: {  	s0 =	sand.u32 $0x1, s1  }
0x8c: {  	s14 =	sshll.u32 s0, $0xA;
	s2 =	sadd.s32 s3, s2  }
0x8d: {  	s2 =	sadd.s32 s2, s14  }
0x8e: {  	[smem:$0x3F82] =	sst s2  }
0x8f: {  	_ = 	snop  }
0x90: {  	s2 =	sld [smem:$0x3FD0];
	_ =	sdelay $0x2  }
0x91: {  	s15 =	simm.s32 $0xA;
	s4 =	simm.s32 $0x10  }
0x92: {  	[smem:s4], [sflag:s15] =	dma.local [hbm:s2], $0x1  }
0x93: {  	_ =	swait.eq [sflag:s15], $0x1  }
0x94: {  	[sflag:s15] =	ssyncset.done $0x0  }
0x95: {  	s16 =	sld [smem:$0x11];
	[sflag:s15] =	ssyncadd.s32 $0xFFFFFFFF  }
0x96: {  	s17 =	sld [smem:$0x12];
	(tm) =	ssettm $0x1  }
0x97: {  	s18 =	sld [smem:$0x3FFB];
	_ =	sdelay $0x3  }
0x98: {  	_ =	strace s18  }
0x99: {  	s4 =	sld [smem:$0x3FFC];
	_ =	sdelay $0x3  }
0x9a: {  	_ =	strace s4  }
0x9b: {  	s4 =	sld [smem:$0x3FFD];
	_ =	sdelay $0x3  }
0x9c: {  	_ =	strace s4  }
0x9d: {  	_ =	strace $0x8FFFFFFF  }
0x9e: {  	s19 =	sld [smem:$0x3FDB];
	_ =	sdelay $0x1  }
0x9f: {  	s5 =	simm.s32 $_scs_section_size  }
0xa0: {  	s6 =	simm.s32 $_size__tile_overlayer_lowered;
	s7 =	simm.s32 $_tile_overlayer_lowered  }
0xa1: {  	s22 =	simm.s32 $0x1BFF;
	s21 =	sshll.u32 s7, $0x1;
	s4 =	sadd.s32 s5, s19  }
0xa2: {  	s8 =	simm.s32 $0x0;
	s20 =	sshll.u32 s6, $0x1;
	s6 =	sadd.s32 s21, s4  }
0xa3: {  	[timem:s8], [sflag:s22] =	dma.local [hbm:s6], s20  }
0xa4: {  	_ =	swait.ge [sflag:s22], s20  }
0xa5: {  	s5 =	ssub.s32 $0x0, s20;
	[sflag:s22] =	ssyncset.done $0x0  }
0xa6: {  	[sflag:s22] =	ssyncadd.s32 s5;
	_ =	sdelay $0x1  }
0xa7: {  	s23 =	simm.s32 $0x1B8B  }
0xa8: {  	_ =	swait.ge [sflag:s23], $0x1  }
0xa9: {  	[sflag:s23] =	ssyncset.done $0x0  }
0xaa: {  	s25 =	simm.s32 $0x1B8E;
	s24 =	sld [smem:$0x3FFE];
	[sflag:s23] =	ssyncadd.s32 $0xFFFFFFFF  }
0xab: {  	s26 =	simm.s32 $execute0_lowered;
	[smem:$0x3FD2] =	sst s25  }
0xac: {  	s6 =	sshll.u32 s26, $0x1;
	_ =	strace $0x80000046;
	[dreg:$0x1] =	wrdreg $0xFFFFFFFF  }
0xad: {  	s28 =	simm.s32 $_size_execute0_lowered;
	s4 =	sadd.s32 s4, s6;
	[dreg:$0x0] =	wrdreg $0x0  }
0xae: {  	s6 =	sshll.u32 s28, $0x1;
	[dreg:$0x2] =	wrdreg s4  }
0xaf: {  	[dreg:$0x3] =	wrdreg s6  }
0xb0: {  	[dreg:$0x4] =	wrdreg $0xC0  }
0xb1: {  	_ =	task [dreg:s8], $0x5FFFF  }
0xb2: {  	[dreg:$0x1] =	wrdreg $0xFFFFFFFF  }
0xb3: {  	[dreg:$0x0] =	wrdreg $0x60  }
0xb4: {  	[dreg:$0x2] =	wrdreg s24  }
0xb5: {  	[dreg:$0x3] =	wrdreg s16  }
0xb6: {  	[dreg:$0x4] =	wrdreg s17  }
0xb7: {  	[dreg:$0x5] =	wrdreg $0x9  }
0xb8: {  	_ =	task.clear_ibuf [dreg:s8], $0x6FFFF;
	_ =	strace $0x90000046  }
0xb9: {  	s29 =	simm.s32 $0x9;
	_ =	strace $0x80000048  }
0xba: {  	_ =	swait.ge [sflag:s29], $0x1  }
0xbb: {  	[sflag:s29] =	ssyncadd.s32 $0xFFFFFFFF  }
0xbc: {  	_ =	strace $0x90000048  }
0xbd: {  	_ =	sfence  }
0xbe: {  	s30 =	sld [smem:$0x0];
	_ =	sdelay $0x2  }
0xbf: {  	s31 =	sshll.u32 s1, $0xD;
	s1 =	sshrl.u32 s1, $0x2  }
0xc0: {  	s3 =	sand.u32 $0x4000, s31;
	s1 =	sadd.s32 s1, s30  }
0xc1: {  	s0 =	sor.u32 s3, s0;
	s1 =	sshll.u32 s1, $0x11  }
0xc2: {  	s0 =	sor.u32 s1, s0  }
0xc3: {  	s0 =	sadd.s32 $0x8F2B, s0  }
0xc4: {  	[sflag:s0] =	ssyncadd.remote.s32 $0x1  }
0xc5: {  	_ =	sfence.sel $0xFFFF  }
0xc6: {  	[dreg:$0x0] =	wrdreg $0xFFFFFFFF;
	(pc) =	sbr.abs _section_cstart, $3  }
0xc7: {  	[dreg:$0x1] =	wrdreg $0xFFFFFFFF  }
0xc8: {  	_ =	task.clear_ibuf [dreg:s8], $0x2FFFF;
	_ =	strace $0x9FFFFFFF  }
0xc9: {  	(tm) =	ssettm $0x7FFFFFFF  }
tec
execute0_lowered:
.L_overlay_start_1:
0x0: {  	(tag) =	ssettag $0x1  }
0x1: {  	s7 =	rddreg [dreg:$0x0]  }
0x2: {  	s1 =	rddreg [dreg:$0x1]  }
0x3: {  	s2 =	rddreg [dreg:$0x2]  }
0x4: {  	s0 =	rddreg [dreg:$0x3];
	_ =	strace $0x80000047;
	s8 =	srdreg.scid  }
0x5: {  	s14 =	simm.s32 $0x4;
	s15 =	simm.s32 $0x20;
	s16 =	simm.s32 $0x3C70  }
0x6: {  	s17 =	simm.s32 $0x2;
	s18 =	simm.s32 $0x6C70;
	s19 =	simm.s32 $0x10  }
0x7: {  	s20 =	simm.s32 $0x6C80;
	s21 =	simm.s32 $0x3;
	s3 =	sadd.s32 $0x9800, s7  }
0x8: {  	s4 =	sadd.s32 $0x69800, s7;
	s5 =	sadd.s32 $0x9400, s7;
	s6 =	sadd.s32 $0x9600, s7  }
0x9: {  	s11 =	sand.u32 $0x1, s8;
	s8 =	sadd.s32 $0x6A000, s7;
	s9 =	sadd.s32 $0x69A00, s7  }
0xa: {  	s10 =	sadd.s32 $0x6A800, s7;
	s7 =	stileid.u32;
	s12 =	ssub.s32 $0x2, s11  }
.Ltmp0:
0xb: {  	p0 =	seq.s32 s11, $0x0;
	p1 =	seq.s32 s7, $0x1;
	(pc) =	sbr.rel .LBB2_1-.Ltmp0, $4  }
0xc: {  	p2 =	seq.s32 s7, $0x2;
	s31 =	sor.u32 s7, s11;
	s13 =	sshrl.u32 s12, $0x1  }
0xd: {  	p1 =	por !p0, !p1;
	p2 =	por !p0, !p2;
	s12 =	ssub.s32 s12, s13  }
0xe: {  	p0 =	por !p1, !p1;
	p1 =	por !p2, !p2;
	p2 =	sne.s32 s31, $0x0  }
0xf: {  	s13 =	simm.s32 $0x3C50;
	s11 =	smax.u32 s12, $0x1;
	s12 =	simm.s32 $0x0  }
.LBB2_2:
0x10: {  	[tilespmem:s13], [sflag:$0x4] =	stream.linear.gather [hbm4b:s5+s12], $0x20, $0x38;
	[tilespmem:$0x9C80] =	vst v63  }
0x11: {  	_ =	swait.ge [sflag:s14], $0x20  }
0x12: {  	[sflag:s14] =	ssyncset.done $0x0  }
0x13: {  	[sflag:s14] =	ssyncadd.s32 $0xFFFFFFE0  }
0x14: {  	[tilespmem:s16], [sflag:$0x2] =	stream.indirect.gather [hbm4b:s1+s15], $0x180, s13, s15, $0xb8;
	[tilespmem:$0x9C80] =	vst v63  }
0x15: {  	_ =	swait.ge [sflag:s17], $0x3000  }
0x16: {  	[sflag:s17] =	ssyncset.done $0x0  }
0x17: {  	[sflag:s17] =	ssyncadd.s32 $0xFFFFD000  }
0x18: {  	[hbm4b:s9+s12] =	stream.linear.scatter [tilespmem:s16], [sflag:$0x4], $0x3000, $0x38;
	[tilespmem:$0x9C80] =	vst v63  }
.LBB2_5:
0x19: {  	_ =	swait.ge [sflag:s14], $0x3000  }
0x1a: {  	[sflag:s14] =	ssyncset.done $0x0  }
0x1b: {  	[sflag:s14] =	ssyncadd.s32 $0xFFFFD000  }
.LBB2_6:
0x1c: {  	s11 =	sadd.s32 $0xFFFFFFFF, s11  }
0x1d: {  	p3 =	sne.s32 s11, $0x0  }
.Ltmp1:
0x1e: {  	_ = 	snop;
	(pc) =	sbr.rel @!p3 .LBB2_7-.Ltmp1, $1  }
0x1f: {  	_ =	sdelay $0x3  }
.LBB2_1:
0x20: {  	s22 =	simm.s32 @!p2 $0x0;
	s23 =	simm.s32 @!p2 $0x4  }
0x21: {  	[tilespmem:s22], [sflag:$0x4] =	stream.linear.gather @!p2 [hbm4b:s4+s22], $0x50, $0x38;
	[tilespmem:$0x9C80] =	vst v63  }
0x22: {  	_ =	swait.ge @!p2 [sflag:s23], $0x50  }
0x23: {  	[sflag:s23] =	ssyncset.done @!p2 $0x0  }
0x24: {  	s24 =	simm.s32 @!p2 $0x50;
	s25 =	simm.s32 @!p2 $0x1;
	[sflag:s23] =	ssyncadd.s32 @!p2 $0xFFFFFFB0  }
0x25: {  	[tilespmem:s24], [sflag:$0x1] =	stream.indirect.gather @!p2 [hbm4b:s3+s24], $0xC0, s22, s24, $0xb8;
	[tilespmem:$0x9C80] =	vst v63  }
0x26: {  	_ =	swait.ge @!p2 [sflag:s25], $0x3C00  }
0x27: {  	[sflag:s25] =	ssyncset.done @!p2 $0x0  }
.Ltmp2:
0x28: {  	[sflag:s25] =	ssyncadd.s32 @!p2 $0xFFFFC400;
	(pc) =	sbr.rel @p0 .LBB2_2-.Ltmp2, $4  }
0x29: {  	[hbm4b:s8+s22] =	stream.linear.scatter @!p2 [tilespmem:s24], [sflag:$0x4], $0x3C00, $0x38;
	[tilespmem:$0x9C80] =	vst v63  }
0x2a: {  	_ =	swait.ge @!p2 [sflag:s23], $0x3C00  }
0x2b: {  	[sflag:s23] =	ssyncset.done @!p2 $0x0  }
0x2c: {  	[sflag:s23] =	ssyncadd.s32 @!p2 $0xFFFFC400  }
.Ltmp3:
0x2d: {  	(pc) =	sbr.rel @!p1 .LBB2_6-.Ltmp3, $1  }
0x2e: {  	_ =	sdelay $0x3  }
0x2f: {  	[tilespmem:s18], [sflag:$0x4] =	stream.linear.gather [hbm4b:s6+s12], $0x10, $0x38;
	[tilespmem:$0x9C80] =	vst v63  }
0x30: {  	_ =	swait.ge [sflag:s14], $0x10  }
0x31: {  	[sflag:s14] =	ssyncset.done $0x0  }
0x32: {  	[sflag:s14] =	ssyncadd.s32 $0xFFFFFFF0  }
0x33: {  	[tilespmem:s20], [sflag:$0x3] =	stream.indirect.gather [hbm4b:s2+s19], $0x300, s18, s19, $0xb8;
	[tilespmem:$0x9C80] =	vst v63  }
.Ltmp4:
0x34: {  	_ = 	snop;
	(pc) =	sbr.rel .LBB2_5-.Ltmp4, $4  }
0x35: {  	_ =	swait.ge [sflag:s21], $0x3000  }
0x36: {  	[sflag:s21] =	ssyncset.done $0x0  }
0x37: {  	[sflag:s21] =	ssyncadd.s32 $0xFFFFD000  }
0x38: {  	[hbm4b:s10+s12] =	stream.linear.scatter [tilespmem:s20], [sflag:$0x4], $0x3000, $0x38;
	[tilespmem:$0x9C80] =	vst v63  }
.LBB2_7:
0x39: {  	_ =	sfence.sel $0x180000  }
0x3a: {  	[bflag:$0x0] =	sbarrier.arrive $0xFFFF  }
0x3b: {  	p0 =	sne.s32 s7, $0x0;
	_ =	strace $0x90000047  }
0x3c: {  	s0 =	sadd.s32 @!p0 $0x100000, s0;
	[bflag:$0x2] =	sbarrier.arrive $0xFFFF  }
0x3d: {  	[sflag:s0] =	ssyncadd.tile.s32 @!p0 $0x1;
	_ =	shalt  }
.Lfunc_end2:
_tile_overlayer_lowered:
.L_overlay_start_2:
0x3e: {  	(tag) =	ssettag $0x2  }
0x3f: {  	s0 =	rddreg [dreg:$0x0];
	s2 =	stileid.u32  }
0x40: {  	s1 =	rddreg [dreg:$0x1];
	p0 =	sne.s32 s2, $0x0  }
0x41: {  	s3 =	rddreg [dreg:$0x2];
	[bflag:$0x3] =	sbarrier.arrive $0xFFFF;
	s2 =	simm.s32 @!p0 $0x1C04  }
0x42: {  	[timem:s3], [sflag:s2] =	dma.local @!p0 [hbm:s0], s1  }
0x43: {  	s0 =	simm.s32 @!p0 $0x4  }
0x44: {  	_ =	swait.ge @!p0 [sflag:s0], s1  }
0x45: {  	s1 =	ssub.s32 @!p0 $0x0, s1;
	[sflag:s0] =	ssyncset.done @!p0 $0x0  }
0x46: {  	[sflag:s0] =	ssyncadd.s32 @!p0 s1  }
0x47: {  	[bflag:$0x3] =	sbarrier.arrive $0xFFFF  }
0x48: {  	_ =	shalt  }

</sc_bundles>
